<compile_context>
chip_gen: v7x
topology: tpu7x:2x2x1
jax: 0.10.2.dev20260603
libtpu: 0.0.44.dev20260713+nightly
codegen_flags: <defaults>
</compile_context>

<pallas_src>
import functools

import jax
import jax.numpy as jnp
from jax import lax
from jax.experimental import pallas as pl
from jax.experimental.pallas import tpu as pltpu
from jax.experimental.pallas import tpu_sc as plsc

_B, _S, _WL = 32, 512, 16
_WDIM, _CDIM, _F, _W = 128, 64, 64, 5
_HID = _WDIM + _F
_NWORDS = _B * _S
_NPOS = _WL - _W + 1

_NC, _NS = 2, 16
_NWK = _NC * _NS
_CHUNK = 128


@functools.cache
def _get_sc_gather(nwords):
    nchars = nwords * _WL
    wch = nwords // (_NWK * _CHUNK)
    cch = nchars // (_NWK * _CHUNK)
    ngrp = cch // 4

    def body(wtbl, widx, ctbl, cidx, wout, cout,
             widx_v, cidx_v, wbufs, cbufs, wgs, wss, cgs, css):
        wid = lax.axis_index("s") * _NC + lax.axis_index("c")
        wbase = wid * (wch * _CHUNK)
        cbase = wid * (cch * _CHUNK)
        pltpu.sync_copy(widx.at[wid], widx_v)
        pltpu.sync_copy(cidx.at[wid], cidx_v)

        def wgather(j, b):
            return pltpu.make_async_copy(
                wtbl.at[widx_v.at[j]], wbufs.at[b], wgs.at[b])

        def wstore(j, b):
            return pltpu.make_async_copy(
                wbufs.at[b], wout.at[pl.ds(wbase + j * _CHUNK, _CHUNK)],
                wss.at[b])

        wgather(0, 0).start()
        wgather(1, 1).start()

        def cgather(j, b):
            return pltpu.make_async_copy(
                ctbl.at[cidx_v.at[j]], cbufs.at[b], cgs.at[b])

        def cstore(j, b):
            return pltpu.make_async_copy(
                cbufs.at[b], cout.at[pl.ds(cbase + j * _CHUNK, _CHUNK)],
                css.at[b])

        for b in range(4):
            cgather(b, b).start()
        for b in range(4):
            cgather(b, b).wait()
            cstore(b, b).start()
        for b in range(4):
            cgather(4 + b, 4 + b).start()

        def grp(g, carry):
            cur = 4 * (g % 2)
            oth = 4 * ((g + 1) % 2)
            for b in range(4):
                cstore(4 * (g - 1) + b, oth + b).wait()
                cgather(4 * (g + 1) + b, oth + b).start()
            for b in range(4):
                cgather(4 * g + b, cur + b).wait()
                cstore(4 * g + b, cur + b).start()
            return carry

        lax.fori_loop(1, ngrp - 1, grp, 0)

        glast = ngrp - 1
        gl = 4 * (glast % 2)
        for b in range(4):
            cgather(4 * glast + b, gl + b).wait()
            cstore(4 * glast + b, gl + b).start()
        for b in range(4):
            cstore(4 * (glast - 1) + b, (4 - gl) + b).wait()
            cstore(4 * glast + b, gl + b).wait()

        for j in range(wch):
            b = j % 2
            wgather(j, b).wait()
            wstore(j, b).start()
            if j + 2 < wch:
                wstore(j, b).wait()
                wgather(j + 2, b).start()
        for j in range(max(wch - 2, 0), wch):
            wstore(j, j % 2).wait()

    return pl.kernel(
        body,
        out_type=[
            jax.ShapeDtypeStruct((nwords, _WDIM), jnp.float32),
            jax.ShapeDtypeStruct((nchars, _CDIM), jnp.float32),
        ],
        mesh=plsc.VectorSubcoreMesh(core_axis_name="c", subcore_axis_name="s",
                                    num_cores=_NC, num_subcores=_NS),
        scratch_types=[
            pltpu.VMEM((wch, _CHUNK), jnp.int32),
            pltpu.VMEM((cch, _CHUNK), jnp.int32),
            pltpu.VMEM((2, _CHUNK, _WDIM), jnp.float32),
            pltpu.VMEM((8, _CHUNK, _CDIM), jnp.float32),
            pltpu.SemaphoreType.DMA((2,)),
            pltpu.SemaphoreType.DMA((2,)),
            pltpu.SemaphoreType.DMA((8,)),
            pltpu.SemaphoreType.DMA((8,)),
        ],
        compiler_params=pltpu.CompilerParams(use_tc_tiling_on_sc=False),
    )


_M = 512


def _tc_dense_body(ce_ref, x_ref, wr_ref, unk_ref, pwt_ref, wc_ref, cb_ref,
                   gwt0_ref, gb0_ref, twt0_ref, tb0_ref,
                   gwt1_ref, gb1_ref, twt1_ref, tb1_ref, o_ref):
    f32 = jnp.float32
    bf16 = jnp.bfloat16
    z = jnp.dot(ce_ref[...].astype(bf16), wc_ref[...],
                preferred_element_type=f32)
    cb = cb_ref[...]
    cm = jnp.maximum(z[:, 0:_F] + cb, 0.0)
    for t in range(1, _NPOS):
        cm = jnp.maximum(cm, jnp.maximum(z[:, t * _F:(t + 1) * _F] + cb, 0.0))
    mask = x_ref[...] == 1
    emb = jnp.where(mask, unk_ref[...], wr_ref[...])
    p = jnp.dot(emb.astype(bf16), pwt_ref[...], preferred_element_type=f32)
    h = jnp.concatenate([p, cm], axis=1)
    for gwt, gb, twt, tb in ((gwt0_ref, gb0_ref, twt0_ref, tb0_ref),
                             (gwt1_ref, gb1_ref, twt1_ref, tb1_ref)):
        hb = h.astype(bf16)
        g = jax.nn.sigmoid(jnp.dot(hb, gwt[...], preferred_element_type=f32)
                           + gb[...])
        t = jnp.maximum(jnp.dot(hb, twt[...], preferred_element_type=f32)
                        + tb[...], 0.0)
        h = g * t + (1.0 - g) * h
    o_ref[...] = h


def _full(shape):
    return pl.BlockSpec(shape, lambda i: (0, 0))


@functools.cache
def _get_tc_dense(nwords):
    return pl.pallas_call(
        _tc_dense_body,
        grid=(nwords // _M,),
        in_specs=[
            pl.BlockSpec((_M, _WL * _CDIM), lambda i: (i, 0)),
            pl.BlockSpec((_M, 1), lambda i: (i, 0)),
            pl.BlockSpec((_M, _WDIM), lambda i: (i, 0)),
            _full((1, _WDIM)),
            _full((_WDIM, _WDIM)),
            _full((_WL * _CDIM, _NPOS * _F)),
            _full((1, _F)),
            _full((_HID, _HID)), _full((1, _HID)),
            _full((_HID, _HID)), _full((1, _HID)),
            _full((_HID, _HID)), _full((1, _HID)),
            _full((_HID, _HID)), _full((1, _HID)),
        ],
        out_specs=pl.BlockSpec((_M, _HID), lambda i: (i, 0)),
        out_shape=jax.ShapeDtypeStruct((nwords, _HID), jnp.float32),
    )


def _conv_toeplitz(conv_w):
    kflat = jnp.transpose(conv_w, (2, 1, 0)).reshape(_W * _CDIM, _F)
    cols = [jnp.pad(kflat, ((_CDIM * t, _CDIM * (_NPOS - 1 - t)), (0, 0)))
            for t in range(_NPOS)]
    return jnp.concatenate(cols, axis=1)


def kernel(x, c, word_table, unk_emb, proj_w, char_table, conv_w, conv_b,
           tw0, tb0, tw1, tb1, gw0, gb0, gw1, gb1):
    bf16 = jnp.bfloat16
    xf = x.astype(jnp.int32).reshape(-1)
    cf = c.astype(jnp.int32).reshape(-1)
    wrows, crows = _get_sc_gather(_NWORDS)(
        word_table, xf.reshape(_NWK, -1, _CHUNK),
        char_table, cf.reshape(_NWK, -1, _CHUNK))
    out = _get_tc_dense(_NWORDS)(
        crows.reshape(_NWORDS, _WL * _CDIM), xf.reshape(-1, 1), wrows,
        unk_emb, proj_w.T.astype(bf16),
        _conv_toeplitz(conv_w).astype(bf16), conv_b.reshape(1, _F),
        gw0.T.astype(bf16), gb0.reshape(1, _HID),
        tw0.T.astype(bf16), tb0.reshape(1, _HID),
        gw1.T.astype(bf16), gb1.reshape(1, _HID),
        tw1.T.astype(bf16), tb1.reshape(1, _HID))
    return out.reshape(_B, _S, _HID)

# --- scband reference (transcript-rebuilt; emitter-appended) ---
"""Pipeline reference for scband-qanet-embedding-15436112461936 (READ-ONLY COPY).

The authoritative reference and input builder live on the scoring server;
editing this copy changes nothing except your own understanding.
"""

import jax, jax.numpy as jnp
import numpy as np

VOCAB = 100000
WDIM = 128
CVOCAB = 1000
CDIM = 64
FILTERS = 64
WIDTH = 5
HID = WDIM + FILTERS  # 192
B, S, WL = 32, 512, 16


def _conv1d(o, w, b):
    # o: [N, Cin, L], w: [Cout, Cin, W], VALID conv (matches nn.Conv1d)
    out = jax.lax.conv_general_dilated(o, w, window_strides=(1,), padding='VALID',
                                       dimension_numbers=('NCH', 'OIH', 'NCH'))
    return out + b[None, :, None]


def setup_inputs(seed: int = 0) -> dict:
    key = jax.random.key(seed)
    ks = jax.random.split(key, 16)
    inp = {}
    inp['x'] = jax.random.randint(ks[0], (B, S), 0, VOCAB, dtype=jnp.int64 if jax.config.jax_enable_x64 else jnp.int32)
    inp['c'] = jax.random.randint(ks[1], (B, S, WL), 0, CVOCAB, dtype=jnp.int64 if jax.config.jax_enable_x64 else jnp.int32)
    inp['word_table'] = jax.random.normal(ks[2], (VOCAB, WDIM), dtype=jnp.float32) * 0.1
    inp['unk_emb'] = jax.random.normal(ks[3], (1, WDIM), dtype=jnp.float32) * 0.1
    inp['proj_w'] = jax.random.normal(ks[4], (WDIM, WDIM), dtype=jnp.float32) * 0.05
    inp['char_table'] = jax.random.normal(ks[5], (CVOCAB, CDIM), dtype=jnp.float32) * 0.1
    inp['conv_w'] = jax.random.normal(ks[6], (FILTERS, CDIM, WIDTH), dtype=jnp.float32) * 0.05
    inp['conv_b'] = jnp.zeros((FILTERS,), dtype=jnp.float32)
    inp['tw0'] = jax.random.normal(ks[7], (HID, HID), dtype=jnp.float32) * 0.05
    inp['tb0'] = jnp.zeros((HID,), dtype=jnp.float32)
    inp['tw1'] = jax.random.normal(ks[8], (HID, HID), dtype=jnp.float32) * 0.05
    inp['tb1'] = jnp.zeros((HID,), dtype=jnp.float32)
    inp['gw0'] = jax.random.normal(ks[9], (HID, HID), dtype=jnp.float32) * 0.05
    inp['gb0'] = jnp.zeros((HID,), dtype=jnp.float32)
    inp['gw1'] = jax.random.normal(ks[10], (HID, HID), dtype=jnp.float32) * 0.05
    inp['gb1'] = jnp.zeros((HID,), dtype=jnp.float32)
    return inp


def reference(x, c, word_table, unk_emb, proj_w, char_table, conv_w, conv_b,
              tw0, tb0, tw1, tb1, gw0, gb0, gw1, gb1):
    b, s, wl = c.shape
    # CNN char embedding: gather -> conv1d -> relu -> maxpool over word length
    ce = jnp.take(char_table, c, axis=0)                 # [B,S,WL,CDIM]
    o = ce.reshape(b * s, wl, ce.shape[-1])              # [B*S,WL,CDIM]
    o = jnp.transpose(o, (0, 2, 1))                      # [B*S,CDIM,WL]
    xc = jax.nn.relu(_conv1d(o, conv_w, conv_b))         # [B*S,F,WL-WIDTH+1]
    cemb = jnp.max(xc, axis=-1).reshape(b, s, -1)        # [B,S,F]
    # dropout is identity in eval mode
    # word embedding with UNK replacement (unk_indx = 1)
    emb = jnp.take(word_table, x, axis=0)                # [B,S,WDIM]
    mask = (x == 1).astype(jnp.float32)[..., None]
    emb = (1.0 - mask) * emb + mask * unk_emb[0]
    emb = emb @ proj_w.T                                  # Linear, no bias
    h = jnp.concatenate([emb, cemb], axis=2)              # [B,S,HID]
    # 2-layer highway
    for gw, gb, tw, tb in ((gw0, gb0, tw0, tb0), (gw1, gb1, tw1, tb1)):
        g = jax.nn.sigmoid(h @ gw.T + gb)
        t = jax.nn.relu(h @ tw.T + tb)
        h = g * t + (1.0 - g) * h
    return h

if __name__ == "__main__":
    import jax
    _d = setup_inputs()
    print(jax.jit(kernel)(*tuple(_d.values())))

</pallas_src>

<mosaic_0001>
#map = affine_map<(d0, d1) -> (0, 0)>
#map1 = affine_map<(d0, d1) -> (0, 0, 0)>
module attributes {stable_mosaic.version = 14 : i64} {
  func.func @body(%arg0: i32, %arg1: i32, %arg2: memref<100000x128xf32, #tpu.memory_space<hbm>>, %arg3: memref<32x4x128xi32, #tpu.memory_space<hbm>>, %arg4: memref<1000x64xf32, #tpu.memory_space<hbm>>, %arg5: memref<32x64x128xi32, #tpu.memory_space<hbm>>, %arg6: memref<16384x128xf32, #tpu.memory_space<hbm>>, %arg7: memref<262144x64xf32, #tpu.memory_space<hbm>>, %arg8: memref<4x128xi32, #tpu.memory_space<vmem>>, %arg9: memref<64x128xi32, #tpu.memory_space<vmem>>, %arg10: memref<2x128x128xf32, #tpu.memory_space<vmem>>, %arg11: memref<8x128x64xf32, #tpu.memory_space<vmem>>, %arg12: memref<2x!tpu.dma_semaphore, #tpu.memory_space<semaphore_mem>>, %arg13: memref<2x!tpu.dma_semaphore, #tpu.memory_space<semaphore_mem>>, %arg14: memref<8x!tpu.dma_semaphore, #tpu.memory_space<semaphore_mem>>, %arg15: memref<8x!tpu.dma_semaphore, #tpu.memory_space<semaphore_mem>>) attributes {dimension_semantics = [#tpu.dimension_semantics<core_parallel>, #tpu.dimension_semantics<subcore_parallel>], iteration_bounds = array<i64: 2, 16>, scalar_prefetch = 0 : i64, scratch_operands = 8 : i64, tpu.core_type = #tpu.core_type<sc_vector_subcore>, window_params = [{transform_indices = #map}, {transform_indices = #map1}, {transform_indices = #map}, {transform_indices = #map1}, {transform_indices = #map}, {transform_indices = #map}]} {
    %mul3A = arith.constant 2 : i32
    %mul3A_0 = arith.muli %arg1, %mul3A : i32
    %add3A = arith.addi %mul3A_0, %arg0 : i32
    %mul3A_1 = arith.constant 512 : i32
    %mul3A_2 = arith.muli %add3A, %mul3A_1 : i32
    %mul3A_3 = arith.constant 8192 : i32
    %mul3A_4 = arith.muli %add3A, %mul3A_3 : i32
    "tpu.region"() ({
      %run_scoped3A = tpu.sem_alloc : memref<!tpu.dma_semaphore, #tpu.memory_space<semaphore_mem>>
      %dma_start3A_800 = arith.constant 0 : i32
      %dma_start3A_801 = arith.constant 0 : i32
      %dma_start3A_802 = tpu.memref_slice %arg3[%add3A, %dma_start3A_800, %dma_start3A_801] : memref<32x4x128xi32, #tpu.memory_space<hbm>> -> memref<1x4x128xi32, #tpu.memory_space<hbm>>
      %dma_start3A_803 = tpu.memref_squeeze %dma_start3A_802 : memref<1x4x128xi32, #tpu.memory_space<hbm>> -> memref<4x128xi32, #tpu.memory_space<hbm>>
      %dma_start3A_804 = arith.constant 0 : i32
      %dma_start3A_805 = arith.constant 0 : i32
      %dma_start3A_806 = tpu.memref_slice %arg3[%add3A, %dma_start3A_804, %dma_start3A_805] : memref<32x4x128xi32, #tpu.memory_space<hbm>> -> memref<1x4x128xi32, #tpu.memory_space<hbm>>
      %dma_start3A_807 = tpu.memref_squeeze %dma_start3A_806 : memref<1x4x128xi32, #tpu.memory_space<hbm>> -> memref<4x128xi32, #tpu.memory_space<hbm>>
      tpu.enqueue_dma source(%dma_start3A_807 : memref<4x128xi32, #tpu.memory_space<hbm>>) target(%arg8 : memref<4x128xi32, #tpu.memory_space<vmem>>) target_semaphore(%run_scoped3A : memref<!tpu.dma_semaphore, #tpu.memory_space<semaphore_mem>>)
      %dma_wait3A_808 = arith.constant 0 : i32
      %dma_wait3A_809 = arith.constant 0 : i32
      %dma_wait3A_810 = tpu.memref_slice %arg3[%add3A, %dma_wait3A_808, %dma_wait3A_809] : memref<32x4x128xi32, #tpu.memory_space<hbm>> -> memref<1x4x128xi32, #tpu.memory_space<hbm>>
      %dma_wait3A_811 = tpu.memref_squeeze %dma_wait3A_810 : memref<1x4x128xi32, #tpu.memory_space<hbm>> -> memref<4x128xi32, #tpu.memory_space<hbm>>
      %dma_wait3A_812 = arith.constant 0 : i32
      %dma_wait3A_813 = arith.constant 0 : i32
      %dma_wait3A_814 = tpu.memref_slice %arg3[%add3A, %dma_wait3A_812, %dma_wait3A_813] : memref<32x4x128xi32, #tpu.memory_space<hbm>> -> memref<1x4x128xi32, #tpu.memory_space<hbm>>
      %dma_wait3A_815 = tpu.memref_squeeze %dma_wait3A_814 : memref<1x4x128xi32, #tpu.memory_space<hbm>> -> memref<4x128xi32, #tpu.memory_space<hbm>>
      tpu.wait_dma2 semaphore(%run_scoped3A : memref<!tpu.dma_semaphore, #tpu.memory_space<semaphore_mem>>) src(%dma_wait3A_815 : memref<4x128xi32, #tpu.memory_space<hbm>>) dst(%arg8 : memref<4x128xi32, #tpu.memory_space<vmem>>)
      tpu.yield
    }) : () -> ()
    "tpu.region"() ({
      %run_scoped3A = tpu.sem_alloc : memref<!tpu.dma_semaphore, #tpu.memory_space<semaphore_mem>>
      %dma_start3A_800 = arith.constant 0 : i32
      %dma_start3A_801 = arith.constant 0 : i32
      %dma_start3A_802 = tpu.memref_slice %arg5[%add3A, %dma_start3A_800, %dma_start3A_801] : memref<32x64x128xi32, #tpu.memory_space<hbm>> -> memref<1x64x128xi32, #tpu.memory_space<hbm>>
      %dma_start3A_803 = tpu.memref_squeeze %dma_start3A_802 : memref<1x64x128xi32, #tpu.memory_space<hbm>> -> memref<64x128xi32, #tpu.memory_space<hbm>>
      %dma_start3A_804 = arith.constant 0 : i32
      %dma_start3A_805 = arith.constant 0 : i32
      %dma_start3A_806 = tpu.memref_slice %arg5[%add3A, %dma_start3A_804, %dma_start3A_805] : memref<32x64x128xi32, #tpu.memory_space<hbm>> -> memref<1x64x128xi32, #tpu.memory_space<hbm>>
      %dma_start3A_807 = tpu.memref_squeeze %dma_start3A_806 : memref<1x64x128xi32, #tpu.memory_space<hbm>> -> memref<64x128xi32, #tpu.memory_space<hbm>>
      tpu.enqueue_dma source(%dma_start3A_807 : memref<64x128xi32, #tpu.memory_space<hbm>>) target(%arg9 : memref<64x128xi32, #tpu.memory_space<vmem>>) target_semaphore(%run_scoped3A : memref<!tpu.dma_semaphore, #tpu.memory_space<semaphore_mem>>)
      %dma_wait3A_808 = arith.constant 0 : i32
      %dma_wait3A_809 = arith.constant 0 : i32
      %dma_wait3A_810 = tpu.memref_slice %arg5[%add3A, %dma_wait3A_808, %dma_wait3A_809] : memref<32x64x128xi32, #tpu.memory_space<hbm>> -> memref<1x64x128xi32, #tpu.memory_space<hbm>>
      %dma_wait3A_811 = tpu.memref_squeeze %dma_wait3A_810 : memref<1x64x128xi32, #tpu.memory_space<hbm>> -> memref<64x128xi32, #tpu.memory_space<hbm>>
      %dma_wait3A_812 = arith.constant 0 : i32
      %dma_wait3A_813 = arith.constant 0 : i32
      %dma_wait3A_814 = tpu.memref_slice %arg5[%add3A, %dma_wait3A_812, %dma_wait3A_813] : memref<32x64x128xi32, #tpu.memory_space<hbm>> -> memref<1x64x128xi32, #tpu.memory_space<hbm>>
      %dma_wait3A_815 = tpu.memref_squeeze %dma_wait3A_814 : memref<1x64x128xi32, #tpu.memory_space<hbm>> -> memref<64x128xi32, #tpu.memory_space<hbm>>
      tpu.wait_dma2 semaphore(%run_scoped3A : memref<!tpu.dma_semaphore, #tpu.memory_space<semaphore_mem>>) src(%dma_wait3A_815 : memref<64x128xi32, #tpu.memory_space<hbm>>) dst(%arg9 : memref<64x128xi32, #tpu.memory_space<vmem>>)
      tpu.yield
    }) : () -> ()
    %dma_start3A = arith.constant 0 : i32
    %dma_start3A_5 = arith.constant 0 : i32
    %dma_start3A_6 = arith.constant 0 : i32
    %dma_start3A_7 = arith.constant 0 : i32
    %dma_start3A_8 = arith.constant 0 : i32
    %dma_start3A_9 = tpu.memref_slice %arg10[%dma_start3A_5, %dma_start3A_7, %dma_start3A_8] : memref<2x128x128xf32, #tpu.memory_space<vmem>> -> memref<1x128x128xf32, #tpu.memory_space<vmem>>
    %dma_start3A_10 = tpu.memref_squeeze %dma_start3A_9 : memref<1x128x128xf32, #tpu.memory_space<vmem>> -> memref<128x128xf32, #tpu.memory_space<vmem>>
    %dma_start3A_11 = arith.constant 0 : i32
    %dma_start3A_12 = tpu.memref_slice %arg8[%dma_start3A, %dma_start3A_11] : memref<4x128xi32, #tpu.memory_space<vmem>> -> memref<1x128xi32, #tpu.memory_space<vmem>>
    %dma_start3A_13 = tpu.memref_squeeze %dma_start3A_12 : memref<1x128xi32, #tpu.memory_space<vmem>> -> memref<128xi32, #tpu.memory_space<vmem>>
    %dma_start3A_14 = arith.constant 0 : i32
    %dma_start3A_15 = arith.constant 0 : i32
    %dma_start3A_16 = tpu.memref_slice %arg2[%dma_start3A_14, %dma_start3A_15] : memref<100000x128xf32, #tpu.memory_space<hbm>> -> memref<100000x128xf32, #tpu.memory_space<hbm>>
    %dma_start3A_17 = tpu.memref_slice %arg12[%dma_start3A_6] : memref<2x!tpu.dma_semaphore, #tpu.memory_space<semaphore_mem>> -> memref<1x!tpu.dma_semaphore, #tpu.memory_space<semaphore_mem>>
    %dma_start3A_18 = tpu.memref_squeeze %dma_start3A_17 : memref<1x!tpu.dma_semaphore, #tpu.memory_space<semaphore_mem>> -> memref<!tpu.dma_semaphore, #tpu.memory_space<semaphore_mem>>
    tpu.enqueue_indirect_dma source(%dma_start3A_16 : memref<100000x128xf32, #tpu.memory_space<hbm>>) target(%dma_start3A_10 : memref<128x128xf32, #tpu.memory_space<vmem>>) offsets(%dma_start3A_13 : memref<128xi32, #tpu.memory_space<vmem>>) semaphore(%dma_start3A_18 : memref<!tpu.dma_semaphore, #tpu.memory_space<semaphore_mem>>)
    %dma_start3A_19 = arith.constant 1 : i32
    %dma_start3A_20 = arith.constant 1 : i32
    %dma_start3A_21 = arith.constant 1 : i32
    %dma_start3A_22 = arith.constant 0 : i32
    %dma_start3A_23 = arith.constant 0 : i32
    %dma_start3A_24 = tpu.memref_slice %arg10[%dma_start3A_20, %dma_start3A_22, %dma_start3A_23] : memref<2x128x128xf32, #tpu.memory_space<vmem>> -> memref<1x128x128xf32, #tpu.memory_space<vmem>>
    %dma_start3A_25 = tpu.memref_squeeze %dma_start3A_24 : memref<1x128x128xf32, #tpu.memory_space<vmem>> -> memref<128x128xf32, #tpu.memory_space<vmem>>
    %dma_start3A_26 = arith.constant 0 : i32
    %dma_start3A_27 = tpu.memref_slice %arg8[%dma_start3A_19, %dma_start3A_26] : memref<4x128xi32, #tpu.memory_space<vmem>> -> memref<1x128xi32, #tpu.memory_space<vmem>>
    %dma_start3A_28 = tpu.memref_squeeze %dma_start3A_27 : memref<1x128xi32, #tpu.memory_space<vmem>> -> memref<128xi32, #tpu.memory_space<vmem>>
    %dma_start3A_29 = arith.constant 0 : i32
    %dma_start3A_30 = arith.constant 0 : i32
    %dma_start3A_31 = tpu.memref_slice %arg2[%dma_start3A_29, %dma_start3A_30] : memref<100000x128xf32, #tpu.memory_space<hbm>> -> memref<100000x128xf32, #tpu.memory_space<hbm>>
    %dma_start3A_32 = tpu.memref_slice %arg12[%dma_start3A_21] : memref<2x!tpu.dma_semaphore, #tpu.memory_space<semaphore_mem>> -> memref<1x!tpu.dma_semaphore, #tpu.memory_space<semaphore_mem>>
    %dma_start3A_33 = tpu.memref_squeeze %dma_start3A_32 : memref<1x!tpu.dma_semaphore, #tpu.memory_space<semaphore_mem>> -> memref<!tpu.dma_semaphore, #tpu.memory_space<semaphore_mem>>
    tpu.enqueue_indirect_dma source(%dma_start3A_31 : memref<100000x128xf32, #tpu.memory_space<hbm>>) target(%dma_start3A_25 : memref<128x128xf32, #tpu.memory_space<vmem>>) offsets(%dma_start3A_28 : memref<128xi32, #tpu.memory_space<vmem>>) semaphore(%dma_start3A_33 : memref<!tpu.dma_semaphore, #tpu.memory_space<semaphore_mem>>)
    %dma_start3A_34 = arith.constant 0 : i32
    %dma_start3A_35 = arith.constant 0 : i32
    %dma_start3A_36 = arith.constant 0 : i32
    %dma_start3A_37 = arith.constant 0 : i32
    %dma_start3A_38 = arith.constant 0 : i32
    %dma_start3A_39 = tpu.memref_slice %arg11[%dma_start3A_35, %dma_start3A_37, %dma_start3A_38] : memref<8x128x64xf32, #tpu.memory_space<vmem>> -> memref<1x128x64xf32, #tpu.memory_space<vmem>>
    %dma_start3A_40 = tpu.memref_squeeze %dma_start3A_39 : memref<1x128x64xf32, #tpu.memory_space<vmem>> -> memref<128x64xf32, #tpu.memory_space<vmem>>
    %dma_start3A_41 = arith.constant 0 : i32
    %dma_start3A_42 = tpu.memref_slice %arg9[%dma_start3A_34, %dma_start3A_41] : memref<64x128xi32, #tpu.memory_space<vmem>> -> memref<1x128xi32, #tpu.memory_space<vmem>>
    %dma_start3A_43 = tpu.memref_squeeze %dma_start3A_42 : memref<1x128xi32, #tpu.memory_space<vmem>> -> memref<128xi32, #tpu.memory_space<vmem>>
    %dma_start3A_44 = arith.constant 0 : i32
    %dma_start3A_45 = arith.constant 0 : i32
    %dma_start3A_46 = tpu.memref_slice %arg4[%dma_start3A_44, %dma_start3A_45] : memref<1000x64xf32, #tpu.memory_space<hbm>> -> memref<1000x64xf32, #tpu.memory_space<hbm>>
    %dma_start3A_47 = tpu.memref_slice %arg14[%dma_start3A_36] : memref<8x!tpu.dma_semaphore, #tpu.memory_space<semaphore_mem>> -> memref<1x!tpu.dma_semaphore, #tpu.memory_space<semaphore_mem>>
    %dma_start3A_48 = tpu.memref_squeeze %dma_start3A_47 : memref<1x!tpu.dma_semaphore, #tpu.memory_space<semaphore_mem>> -> memref<!tpu.dma_semaphore, #tpu.memory_space<semaphore_mem>>
    tpu.enqueue_indirect_dma source(%dma_start3A_46 : memref<1000x64xf32, #tpu.memory_space<hbm>>) target(%dma_start3A_40 : memref<128x64xf32, #tpu.memory_space<vmem>>) offsets(%dma_start3A_43 : memref<128xi32, #tpu.memory_space<vmem>>) semaphore(%dma_start3A_48 : memref<!tpu.dma_semaphore, #tpu.memory_space<semaphore_mem>>)
    %dma_start3A_49 = arith.constant 1 : i32
    %dma_start3A_50 = arith.constant 1 : i32
    %dma_start3A_51 = arith.constant 1 : i32
    %dma_start3A_52 = arith.constant 0 : i32
    %dma_start3A_53 = arith.constant 0 : i32
    %dma_start3A_54 = tpu.memref_slice %arg11[%dma_start3A_50, %dma_start3A_52, %dma_start3A_53] : memref<8x128x64xf32, #tpu.memory_space<vmem>> -> memref<1x128x64xf32, #tpu.memory_space<vmem>>
    %dma_start3A_55 = tpu.memref_squeeze %dma_start3A_54 : memref<1x128x64xf32, #tpu.memory_space<vmem>> -> memref<128x64xf32, #tpu.memory_space<vmem>>
    %dma_start3A_56 = arith.constant 0 : i32
    %dma_start3A_57 = tpu.memref_slice %arg9[%dma_start3A_49, %dma_start3A_56] : memref<64x128xi32, #tpu.memory_space<vmem>> -> memref<1x128xi32, #tpu.memory_space<vmem>>
    %dma_start3A_58 = tpu.memref_squeeze %dma_start3A_57 : memref<1x128xi32, #tpu.memory_space<vmem>> -> memref<128xi32, #tpu.memory_space<vmem>>
    %dma_start3A_59 = arith.constant 0 : i32
    %dma_start3A_60 = arith.constant 0 : i32
    %dma_start3A_61 = tpu.memref_slice %arg4[%dma_start3A_59, %dma_start3A_60] : memref<1000x64xf32, #tpu.memory_space<hbm>> -> memref<1000x64xf32, #tpu.memory_space<hbm>>
    %dma_start3A_62 = tpu.memref_slice %arg14[%dma_start3A_51] : memref<8x!tpu.dma_semaphore, #tpu.memory_space<semaphore_mem>> -> memref<1x!tpu.dma_semaphore, #tpu.memory_space<semaphore_mem>>
    %dma_start3A_63 = tpu.memref_squeeze %dma_start3A_62 : memref<1x!tpu.dma_semaphore, #tpu.memory_space<semaphore_mem>> -> memref<!tpu.dma_semaphore, #tpu.memory_space<semaphore_mem>>
    tpu.enqueue_indirect_dma source(%dma_start3A_61 : memref<1000x64xf32, #tpu.memory_space<hbm>>) target(%dma_start3A_55 : memref<128x64xf32, #tpu.memory_space<vmem>>) offsets(%dma_start3A_58 : memref<128xi32, #tpu.memory_space<vmem>>) semaphore(%dma_start3A_63 : memref<!tpu.dma_semaphore, #tpu.memory_space<semaphore_mem>>)
    %dma_start3A_64 = arith.constant 2 : i32
    %dma_start3A_65 = arith.constant 2 : i32
    %dma_start3A_66 = arith.constant 2 : i32
    %dma_start3A_67 = arith.constant 0 : i32
    %dma_start3A_68 = arith.constant 0 : i32
    %dma_start3A_69 = tpu.memref_slice %arg11[%dma_start3A_65, %dma_start3A_67, %dma_start3A_68] : memref<8x128x64xf32, #tpu.memory_space<vmem>> -> memref<1x128x64xf32, #tpu.memory_space<vmem>>
    %dma_start3A_70 = tpu.memref_squeeze %dma_start3A_69 : memref<1x128x64xf32, #tpu.memory_space<vmem>> -> memref<128x64xf32, #tpu.memory_space<vmem>>
    %dma_start3A_71 = arith.constant 0 : i32
    %dma_start3A_72 = tpu.memref_slice %arg9[%dma_start3A_64, %dma_start3A_71] : memref<64x128xi32, #tpu.memory_space<vmem>> -> memref<1x128xi32, #tpu.memory_space<vmem>>
    %dma_start3A_73 = tpu.memref_squeeze %dma_start3A_72 : memref<1x128xi32, #tpu.memory_space<vmem>> -> memref<128xi32, #tpu.memory_space<vmem>>
    %dma_start3A_74 = arith.constant 0 : i32
    %dma_start3A_75 = arith.constant 0 : i32
    %dma_start3A_76 = tpu.memref_slice %arg4[%dma_start3A_74, %dma_start3A_75] : memref<1000x64xf32, #tpu.memory_space<hbm>> -> memref<1000x64xf32, #tpu.memory_space<hbm>>
    %dma_start3A_77 = tpu.memref_slice %arg14[%dma_start3A_66] : memref<8x!tpu.dma_semaphore, #tpu.memory_space<semaphore_mem>> -> memref<1x!tpu.dma_semaphore, #tpu.memory_space<semaphore_mem>>
    %dma_start3A_78 = tpu.memref_squeeze %dma_start3A_77 : memref<1x!tpu.dma_semaphore, #tpu.memory_space<semaphore_mem>> -> memref<!tpu.dma_semaphore, #tpu.memory_space<semaphore_mem>>
    tpu.enqueue_indirect_dma source(%dma_start3A_76 : memref<1000x64xf32, #tpu.memory_space<hbm>>) target(%dma_start3A_70 : memref<128x64xf32, #tpu.memory_space<vmem>>) offsets(%dma_start3A_73 : memref<128xi32, #tpu.memory_space<vmem>>) semaphore(%dma_start3A_78 : memref<!tpu.dma_semaphore, #tpu.memory_space<semaphore_mem>>)
    %dma_start3A_79 = arith.constant 3 : i32
    %dma_start3A_80 = arith.constant 3 : i32
    %dma_start3A_81 = arith.constant 3 : i32
    %dma_start3A_82 = arith.constant 0 : i32
    %dma_start3A_83 = arith.constant 0 : i32
    %dma_start3A_84 = tpu.memref_slice %arg11[%dma_start3A_80, %dma_start3A_82, %dma_start3A_83] : memref<8x128x64xf32, #tpu.memory_space<vmem>> -> memref<1x128x64xf32, #tpu.memory_space<vmem>>
    %dma_start3A_85 = tpu.memref_squeeze %dma_start3A_84 : memref<1x128x64xf32, #tpu.memory_space<vmem>> -> memref<128x64xf32, #tpu.memory_space<vmem>>
    %dma_start3A_86 = arith.constant 0 : i32
    %dma_start3A_87 = tpu.memref_slice %arg9[%dma_start3A_79, %dma_start3A_86] : memref<64x128xi32, #tpu.memory_space<vmem>> -> memref<1x128xi32, #tpu.memory_space<vmem>>
    %dma_start3A_88 = tpu.memref_squeeze %dma_start3A_87 : memref<1x128xi32, #tpu.memory_space<vmem>> -> memref<128xi32, #tpu.memory_space<vmem>>
    %dma_start3A_89 = arith.constant 0 : i32
    %dma_start3A_90 = arith.constant 0 : i32
    %dma_start3A_91 = tpu.memref_slice %arg4[%dma_start3A_89, %dma_start3A_90] : memref<1000x64xf32, #tpu.memory_space<hbm>> -> memref<1000x64xf32, #tpu.memory_space<hbm>>
    %dma_start3A_92 = tpu.memref_slice %arg14[%dma_start3A_81] : memref<8x!tpu.dma_semaphore, #tpu.memory_space<semaphore_mem>> -> memref<1x!tpu.dma_semaphore, #tpu.memory_space<semaphore_mem>>
    %dma_start3A_93 = tpu.memref_squeeze %dma_start3A_92 : memref<1x!tpu.dma_semaphore, #tpu.memory_space<semaphore_mem>> -> memref<!tpu.dma_semaphore, #tpu.memory_space<semaphore_mem>>
    tpu.enqueue_indirect_dma source(%dma_start3A_91 : memref<1000x64xf32, #tpu.memory_space<hbm>>) target(%dma_start3A_85 : memref<128x64xf32, #tpu.memory_space<vmem>>) offsets(%dma_start3A_88 : memref<128xi32, #tpu.memory_space<vmem>>) semaphore(%dma_start3A_93 : memref<!tpu.dma_semaphore, #tpu.memory_space<semaphore_mem>>)
    %dma_wait3A = arith.constant 0 : i32
    %dma_wait3A_94 = arith.constant 0 : i32
    %dma_wait3A_95 = arith.constant 0 : i32
    %dma_wait3A_96 = arith.constant 0 : i32
    %dma_wait3A_97 = arith.constant 0 : i32
    %dma_wait3A_98 = tpu.memref_slice %arg11[%dma_wait3A_94, %dma_wait3A_96, %dma_wait3A_97] : memref<8x128x64xf32, #tpu.memory_space<vmem>> -> memref<1x128x64xf32, #tpu.memory_space<vmem>>
    %dma_wait3A_99 = tpu.memref_squeeze %dma_wait3A_98 : memref<1x128x64xf32, #tpu.memory_space<vmem>> -> memref<128x64xf32, #tpu.memory_space<vmem>>
    %dma_wait3A_100 = arith.constant 0 : i32
    %dma_wait3A_101 = tpu.memref_slice %arg9[%dma_wait3A, %dma_wait3A_100] : memref<64x128xi32, #tpu.memory_space<vmem>> -> memref<1x128xi32, #tpu.memory_space<vmem>>
    %dma_wait3A_102 = tpu.memref_squeeze %dma_wait3A_101 : memref<1x128xi32, #tpu.memory_space<vmem>> -> memref<128xi32, #tpu.memory_space<vmem>>
    %dma_wait3A_103 = arith.constant 0 : i32
    %dma_wait3A_104 = arith.constant 0 : i32
    %dma_wait3A_105 = tpu.memref_slice %arg4[%dma_wait3A_103, %dma_wait3A_104] : memref<1000x64xf32, #tpu.memory_space<hbm>> -> memref<1000x64xf32, #tpu.memory_space<hbm>>
    %dma_wait3A_106 = tpu.memref_slice %arg14[%dma_wait3A_95] : memref<8x!tpu.dma_semaphore, #tpu.memory_space<semaphore_mem>> -> memref<1x!tpu.dma_semaphore, #tpu.memory_space<semaphore_mem>>
    %dma_wait3A_107 = tpu.memref_squeeze %dma_wait3A_106 : memref<1x!tpu.dma_semaphore, #tpu.memory_space<semaphore_mem>> -> memref<!tpu.dma_semaphore, #tpu.memory_space<semaphore_mem>>
    tpu.wait_indirect_dma semaphore(%dma_wait3A_107 : memref<!tpu.dma_semaphore, #tpu.memory_space<semaphore_mem>>) src(%dma_wait3A_105 : memref<1000x64xf32, #tpu.memory_space<hbm>>) dst(%dma_wait3A_99 : memref<128x64xf32, #tpu.memory_space<vmem>>)
    %add3A_108 = arith.constant 0 : i32
    %add3A_109 = arith.addi %mul3A_4, %add3A_108 : i32
    %dma_start3A_110 = arith.constant 0 : i32
    %dma_start3A_111 = arith.constant 0 : i32
    %dma_start3A_112 = arith.constant 0 : i32
    %dma_start3A_113 = arith.constant 0 : i32
    %dma_start3A_114 = tpu.memref_slice %arg11[%dma_start3A_110, %dma_start3A_112, %dma_start3A_113] : memref<8x128x64xf32, #tpu.memory_space<vmem>> -> memref<1x128x64xf32, #tpu.memory_space<vmem>>
    %dma_start3A_115 = tpu.memref_squeeze %dma_start3A_114 : memref<1x128x64xf32, #tpu.memory_space<vmem>> -> memref<128x64xf32, #tpu.memory_space<vmem>>
    %dma_start3A_116 = arith.constant 0 : i32
    %dma_start3A_117 = tpu.memref_slice %arg7[%add3A_109, %dma_start3A_116] : memref<262144x64xf32, #tpu.memory_space<hbm>> -> memref<128x64xf32, #tpu.memory_space<hbm>>
    %dma_start3A_118 = tpu.memref_slice %arg15[%dma_start3A_111] : memref<8x!tpu.dma_semaphore, #tpu.memory_space<semaphore_mem>> -> memref<1x!tpu.dma_semaphore, #tpu.memory_space<semaphore_mem>>
    %dma_start3A_119 = tpu.memref_squeeze %dma_start3A_118 : memref<1x!tpu.dma_semaphore, #tpu.memory_space<semaphore_mem>> -> memref<!tpu.dma_semaphore, #tpu.memory_space<semaphore_mem>>
    %dma_start3A_120 = arith.constant 0 : i32
    %dma_start3A_121 = tpu.memref_slice %arg7[%add3A_109, %dma_start3A_120] : memref<262144x64xf32, #tpu.memory_space<hbm>> -> memref<128x64xf32, #tpu.memory_space<hbm>>
    %dma_start3A_122 = arith.constant 0 : i32
    %dma_start3A_123 = arith.constant 0 : i32
    %dma_start3A_124 = tpu.memref_slice %arg11[%dma_start3A_110, %dma_start3A_122, %dma_start3A_123] : memref<8x128x64xf32, #tpu.memory_space<vmem>> -> memref<1x128x64xf32, #tpu.memory_space<vmem>>
    %dma_start3A_125 = tpu.memref_squeeze %dma_start3A_124 : memref<1x128x64xf32, #tpu.memory_space<vmem>> -> memref<128x64xf32, #tpu.memory_space<vmem>>
    tpu.enqueue_dma source(%dma_start3A_125 : memref<128x64xf32, #tpu.memory_space<vmem>>) target(%dma_start3A_121 : memref<128x64xf32, #tpu.memory_space<hbm>>) target_semaphore(%dma_start3A_119 : memref<!tpu.dma_semaphore, #tpu.memory_space<semaphore_mem>>)
    %dma_wait3A_126 = arith.constant 1 : i32
    %dma_wait3A_127 = arith.constant 1 : i32
    %dma_wait3A_128 = arith.constant 1 : i32
    %dma_wait3A_129 = arith.constant 0 : i32
    %dma_wait3A_130 = arith.constant 0 : i32
    %dma_wait3A_131 = tpu.memref_slice %arg11[%dma_wait3A_127, %dma_wait3A_129, %dma_wait3A_130] : memref<8x128x64xf32, #tpu.memory_space<vmem>> -> memref<1x128x64xf32, #tpu.memory_space<vmem>>
    %dma_wait3A_132 = tpu.memref_squeeze %dma_wait3A_131 : memref<1x128x64xf32, #tpu.memory_space<vmem>> -> memref<128x64xf32, #tpu.memory_space<vmem>>
    %dma_wait3A_133 = arith.constant 0 : i32
    %dma_wait3A_134 = tpu.memref_slice %arg9[%dma_wait3A_126, %dma_wait3A_133] : memref<64x128xi32, #tpu.memory_space<vmem>> -> memref<1x128xi32, #tpu.memory_space<vmem>>
    %dma_wait3A_135 = tpu.memref_squeeze %dma_wait3A_134 : memref<1x128xi32, #tpu.memory_space<vmem>> -> memref<128xi32, #tpu.memory_space<vmem>>
    %dma_wait3A_136 = arith.constant 0 : i32
    %dma_wait3A_137 = arith.constant 0 : i32
    %dma_wait3A_138 = tpu.memref_slice %arg4[%dma_wait3A_136, %dma_wait3A_137] : memref<1000x64xf32, #tpu.memory_space<hbm>> -> memref<1000x64xf32, #tpu.memory_space<hbm>>
    %dma_wait3A_139 = tpu.memref_slice %arg14[%dma_wait3A_128] : memref<8x!tpu.dma_semaphore, #tpu.memory_space<semaphore_mem>> -> memref<1x!tpu.dma_semaphore, #tpu.memory_space<semaphore_mem>>
    %dma_wait3A_140 = tpu.memref_squeeze %dma_wait3A_139 : memref<1x!tpu.dma_semaphore, #tpu.memory_space<semaphore_mem>> -> memref<!tpu.dma_semaphore, #tpu.memory_space<semaphore_mem>>
    tpu.wait_indirect_dma semaphore(%dma_wait3A_140 : memref<!tpu.dma_semaphore, #tpu.memory_space<semaphore_mem>>) src(%dma_wait3A_138 : memref<1000x64xf32, #tpu.memory_space<hbm>>) dst(%dma_wait3A_132 : memref<128x64xf32, #tpu.memory_space<vmem>>)
    %add3A_141 = arith.constant 128 : i32
    %add3A_142 = arith.addi %mul3A_4, %add3A_141 : i32
    %dma_start3A_143 = arith.constant 1 : i32
    %dma_start3A_144 = arith.constant 1 : i32
    %dma_start3A_145 = arith.constant 0 : i32
    %dma_start3A_146 = arith.constant 0 : i32
    %dma_start3A_147 = tpu.memref_slice %arg11[%dma_start3A_143, %dma_start3A_145, %dma_start3A_146] : memref<8x128x64xf32, #tpu.memory_space<vmem>> -> memref<1x128x64xf32, #tpu.memory_space<vmem>>
    %dma_start3A_148 = tpu.memref_squeeze %dma_start3A_147 : memref<1x128x64xf32, #tpu.memory_space<vmem>> -> memref<128x64xf32, #tpu.memory_space<vmem>>
    %dma_start3A_149 = arith.constant 0 : i32
    %dma_start3A_150 = tpu.memref_slice %arg7[%add3A_142, %dma_start3A_149] : memref<262144x64xf32, #tpu.memory_space<hbm>> -> memref<128x64xf32, #tpu.memory_space<hbm>>
    %dma_start3A_151 = tpu.memref_slice %arg15[%dma_start3A_144] : memref<8x!tpu.dma_semaphore, #tpu.memory_space<semaphore_mem>> -> memref<1x!tpu.dma_semaphore, #tpu.memory_space<semaphore_mem>>
    %dma_start3A_152 = tpu.memref_squeeze %dma_start3A_151 : memref<1x!tpu.dma_semaphore, #tpu.memory_space<semaphore_mem>> -> memref<!tpu.dma_semaphore, #tpu.memory_space<semaphore_mem>>
    %dma_start3A_153 = arith.constant 0 : i32
    %dma_start3A_154 = tpu.memref_slice %arg7[%add3A_142, %dma_start3A_153] : memref<262144x64xf32, #tpu.memory_space<hbm>> -> memref<128x64xf32, #tpu.memory_space<hbm>>
    %dma_start3A_155 = arith.constant 0 : i32
    %dma_start3A_156 = arith.constant 0 : i32
    %dma_start3A_157 = tpu.memref_slice %arg11[%dma_start3A_143, %dma_start3A_155, %dma_start3A_156] : memref<8x128x64xf32, #tpu.memory_space<vmem>> -> memref<1x128x64xf32, #tpu.memory_space<vmem>>
    %dma_start3A_158 = tpu.memref_squeeze %dma_start3A_157 : memref<1x128x64xf32, #tpu.memory_space<vmem>> -> memref<128x64xf32, #tpu.memory_space<vmem>>
    tpu.enqueue_dma source(%dma_start3A_158 : memref<128x64xf32, #tpu.memory_space<vmem>>) target(%dma_start3A_154 : memref<128x64xf32, #tpu.memory_space<hbm>>) target_semaphore(%dma_start3A_152 : memref<!tpu.dma_semaphore, #tpu.memory_space<semaphore_mem>>)
    %dma_wait3A_159 = arith.constant 2 : i32
    %dma_wait3A_160 = arith.constant 2 : i32
    %dma_wait3A_161 = arith.constant 2 : i32
    %dma_wait3A_162 = arith.constant 0 : i32
    %dma_wait3A_163 = arith.constant 0 : i32
    %dma_wait3A_164 = tpu.memref_slice %arg11[%dma_wait3A_160, %dma_wait3A_162, %dma_wait3A_163] : memref<8x128x64xf32, #tpu.memory_space<vmem>> -> memref<1x128x64xf32, #tpu.memory_space<vmem>>
    %dma_wait3A_165 = tpu.memref_squeeze %dma_wait3A_164 : memref<1x128x64xf32, #tpu.memory_space<vmem>> -> memref<128x64xf32, #tpu.memory_space<vmem>>
    %dma_wait3A_166 = arith.constant 0 : i32
    %dma_wait3A_167 = tpu.memref_slice %arg9[%dma_wait3A_159, %dma_wait3A_166] : memref<64x128xi32, #tpu.memory_space<vmem>> -> memref<1x128xi32, #tpu.memory_space<vmem>>
    %dma_wait3A_168 = tpu.memref_squeeze %dma_wait3A_167 : memref<1x128xi32, #tpu.memory_space<vmem>> -> memref<128xi32, #tpu.memory_space<vmem>>
    %dma_wait3A_169 = arith.constant 0 : i32
    %dma_wait3A_170 = arith.constant 0 : i32
    %dma_wait3A_171 = tpu.memref_slice %arg4[%dma_wait3A_169, %dma_wait3A_170] : memref<1000x64xf32, #tpu.memory_space<hbm>> -> memref<1000x64xf32, #tpu.memory_space<hbm>>
    %dma_wait3A_172 = tpu.memref_slice %arg14[%dma_wait3A_161] : memref<8x!tpu.dma_semaphore, #tpu.memory_space<semaphore_mem>> -> memref<1x!tpu.dma_semaphore, #tpu.memory_space<semaphore_mem>>
    %dma_wait3A_173 = tpu.memref_squeeze %dma_wait3A_172 : memref<1x!tpu.dma_semaphore, #tpu.memory_space<semaphore_mem>> -> memref<!tpu.dma_semaphore, #tpu.memory_space<semaphore_mem>>
    tpu.wait_indirect_dma semaphore(%dma_wait3A_173 : memref<!tpu.dma_semaphore, #tpu.memory_space<semaphore_mem>>) src(%dma_wait3A_171 : memref<1000x64xf32, #tpu.memory_space<hbm>>) dst(%dma_wait3A_165 : memref<128x64xf32, #tpu.memory_space<vmem>>)
    %add3A_174 = arith.constant 256 : i32
    %add3A_175 = arith.addi %mul3A_4, %add3A_174 : i32
    %dma_start3A_176 = arith.constant 2 : i32
    %dma_start3A_177 = arith.constant 2 : i32
    %dma_start3A_178 = arith.constant 0 : i32
    %dma_start3A_179 = arith.constant 0 : i32
    %dma_start3A_180 = tpu.memref_slice %arg11[%dma_start3A_176, %dma_start3A_178, %dma_start3A_179] : memref<8x128x64xf32, #tpu.memory_space<vmem>> -> memref<1x128x64xf32, #tpu.memory_space<vmem>>
    %dma_start3A_181 = tpu.memref_squeeze %dma_start3A_180 : memref<1x128x64xf32, #tpu.memory_space<vmem>> -> memref<128x64xf32, #tpu.memory_space<vmem>>
    %dma_start3A_182 = arith.constant 0 : i32
    %dma_start3A_183 = tpu.memref_slice %arg7[%add3A_175, %dma_start3A_182] : memref<262144x64xf32, #tpu.memory_space<hbm>> -> memref<128x64xf32, #tpu.memory_space<hbm>>
    %dma_start3A_184 = tpu.memref_slice %arg15[%dma_start3A_177] : memref<8x!tpu.dma_semaphore, #tpu.memory_space<semaphore_mem>> -> memref<1x!tpu.dma_semaphore, #tpu.memory_space<semaphore_mem>>
    %dma_start3A_185 = tpu.memref_squeeze %dma_start3A_184 : memref<1x!tpu.dma_semaphore, #tpu.memory_space<semaphore_mem>> -> memref<!tpu.dma_semaphore, #tpu.memory_space<semaphore_mem>>
    %dma_start3A_186 = arith.constant 0 : i32
    %dma_start3A_187 = tpu.memref_slice %arg7[%add3A_175, %dma_start3A_186] : memref<262144x64xf32, #tpu.memory_space<hbm>> -> memref<128x64xf32, #tpu.memory_space<hbm>>
    %dma_start3A_188 = arith.constant 0 : i32
    %dma_start3A_189 = arith.constant 0 : i32
    %dma_start3A_190 = tpu.memref_slice %arg11[%dma_start3A_176, %dma_start3A_188, %dma_start3A_189] : memref<8x128x64xf32, #tpu.memory_space<vmem>> -> memref<1x128x64xf32, #tpu.memory_space<vmem>>
    %dma_start3A_191 = tpu.memref_squeeze %dma_start3A_190 : memref<1x128x64xf32, #tpu.memory_space<vmem>> -> memref<128x64xf32, #tpu.memory_space<vmem>>
    tpu.enqueue_dma source(%dma_start3A_191 : memref<128x64xf32, #tpu.memory_space<vmem>>) target(%dma_start3A_187 : memref<128x64xf32, #tpu.memory_space<hbm>>) target_semaphore(%dma_start3A_185 : memref<!tpu.dma_semaphore, #tpu.memory_space<semaphore_mem>>)
    %dma_wait3A_192 = arith.constant 3 : i32
    %dma_wait3A_193 = arith.constant 3 : i32
    %dma_wait3A_194 = arith.constant 3 : i32
    %dma_wait3A_195 = arith.constant 0 : i32
    %dma_wait3A_196 = arith.constant 0 : i32
    %dma_wait3A_197 = tpu.memref_slice %arg11[%dma_wait3A_193, %dma_wait3A_195, %dma_wait3A_196] : memref<8x128x64xf32, #tpu.memory_space<vmem>> -> memref<1x128x64xf32, #tpu.memory_space<vmem>>
    %dma_wait3A_198 = tpu.memref_squeeze %dma_wait3A_197 : memref<1x128x64xf32, #tpu.memory_space<vmem>> -> memref<128x64xf32, #tpu.memory_space<vmem>>
    %dma_wait3A_199 = arith.constant 0 : i32
    %dma_wait3A_200 = tpu.memref_slice %arg9[%dma_wait3A_192, %dma_wait3A_199] : memref<64x128xi32, #tpu.memory_space<vmem>> -> memref<1x128xi32, #tpu.memory_space<vmem>>
    %dma_wait3A_201 = tpu.memref_squeeze %dma_wait3A_200 : memref<1x128xi32, #tpu.memory_space<vmem>> -> memref<128xi32, #tpu.memory_space<vmem>>
    %dma_wait3A_202 = arith.constant 0 : i32
    %dma_wait3A_203 = arith.constant 0 : i32
    %dma_wait3A_204 = tpu.memref_slice %arg4[%dma_wait3A_202, %dma_wait3A_203] : memref<1000x64xf32, #tpu.memory_space<hbm>> -> memref<1000x64xf32, #tpu.memory_space<hbm>>
    %dma_wait3A_205 = tpu.memref_slice %arg14[%dma_wait3A_194] : memref<8x!tpu.dma_semaphore, #tpu.memory_space<semaphore_mem>> -> memref<1x!tpu.dma_semaphore, #tpu.memory_space<semaphore_mem>>
    %dma_wait3A_206 = tpu.memref_squeeze %dma_wait3A_205 : memref<1x!tpu.dma_semaphore, #tpu.memory_space<semaphore_mem>> -> memref<!tpu.dma_semaphore, #tpu.memory_space<semaphore_mem>>
    tpu.wait_indirect_dma semaphore(%dma_wait3A_206 : memref<!tpu.dma_semaphore, #tpu.memory_space<semaphore_mem>>) src(%dma_wait3A_204 : memref<1000x64xf32, #tpu.memory_space<hbm>>) dst(%dma_wait3A_198 : memref<128x64xf32, #tpu.memory_space<vmem>>)
    %add3A_207 = arith.constant 384 : i32
    %add3A_208 = arith.addi %mul3A_4, %add3A_207 : i32
    %dma_start3A_209 = arith.constant 3 : i32
    %dma_start3A_210 = arith.constant 3 : i32
    %dma_start3A_211 = arith.constant 0 : i32
    %dma_start3A_212 = arith.constant 0 : i32
    %dma_start3A_213 = tpu.memref_slice %arg11[%dma_start3A_209, %dma_start3A_211, %dma_start3A_212] : memref<8x128x64xf32, #tpu.memory_space<vmem>> -> memref<1x128x64xf32, #tpu.memory_space<vmem>>
    %dma_start3A_214 = tpu.memref_squeeze %dma_start3A_213 : memref<1x128x64xf32, #tpu.memory_space<vmem>> -> memref<128x64xf32, #tpu.memory_space<vmem>>
    %dma_start3A_215 = arith.constant 0 : i32
    %dma_start3A_216 = tpu.memref_slice %arg7[%add3A_208, %dma_start3A_215] : memref<262144x64xf32, #tpu.memory_space<hbm>> -> memref<128x64xf32, #tpu.memory_space<hbm>>
    %dma_start3A_217 = tpu.memref_slice %arg15[%dma_start3A_210] : memref<8x!tpu.dma_semaphore, #tpu.memory_space<semaphore_mem>> -> memref<1x!tpu.dma_semaphore, #tpu.memory_space<semaphore_mem>>
    %dma_start3A_218 = tpu.memref_squeeze %dma_start3A_217 : memref<1x!tpu.dma_semaphore, #tpu.memory_space<semaphore_mem>> -> memref<!tpu.dma_semaphore, #tpu.memory_space<semaphore_mem>>
    %dma_start3A_219 = arith.constant 0 : i32
    %dma_start3A_220 = tpu.memref_slice %arg7[%add3A_208, %dma_start3A_219] : memref<262144x64xf32, #tpu.memory_space<hbm>> -> memref<128x64xf32, #tpu.memory_space<hbm>>
    %dma_start3A_221 = arith.constant 0 : i32
    %dma_start3A_222 = arith.constant 0 : i32
    %dma_start3A_223 = tpu.memref_slice %arg11[%dma_start3A_209, %dma_start3A_221, %dma_start3A_222] : memref<8x128x64xf32, #tpu.memory_space<vmem>> -> memref<1x128x64xf32, #tpu.memory_space<vmem>>
    %dma_start3A_224 = tpu.memref_squeeze %dma_start3A_223 : memref<1x128x64xf32, #tpu.memory_space<vmem>> -> memref<128x64xf32, #tpu.memory_space<vmem>>
    tpu.enqueue_dma source(%dma_start3A_224 : memref<128x64xf32, #tpu.memory_space<vmem>>) target(%dma_start3A_220 : memref<128x64xf32, #tpu.memory_space<hbm>>) target_semaphore(%dma_start3A_218 : memref<!tpu.dma_semaphore, #tpu.memory_space<semaphore_mem>>)
    %dma_start3A_225 = arith.constant 4 : i32
    %dma_start3A_226 = arith.constant 4 : i32
    %dma_start3A_227 = arith.constant 4 : i32
    %dma_start3A_228 = arith.constant 0 : i32
    %dma_start3A_229 = arith.constant 0 : i32
    %dma_start3A_230 = tpu.memref_slice %arg11[%dma_start3A_226, %dma_start3A_228, %dma_start3A_229] : memref<8x128x64xf32, #tpu.memory_space<vmem>> -> memref<1x128x64xf32, #tpu.memory_space<vmem>>
    %dma_start3A_231 = tpu.memref_squeeze %dma_start3A_230 : memref<1x128x64xf32, #tpu.memory_space<vmem>> -> memref<128x64xf32, #tpu.memory_space<vmem>>
    %dma_start3A_232 = arith.constant 0 : i32
    %dma_start3A_233 = tpu.memref_slice %arg9[%dma_start3A_225, %dma_start3A_232] : memref<64x128xi32, #tpu.memory_space<vmem>> -> memref<1x128xi32, #tpu.memory_space<vmem>>
    %dma_start3A_234 = tpu.memref_squeeze %dma_start3A_233 : memref<1x128xi32, #tpu.memory_space<vmem>> -> memref<128xi32, #tpu.memory_space<vmem>>
    %dma_start3A_235 = arith.constant 0 : i32
    %dma_start3A_236 = arith.constant 0 : i32
    %dma_start3A_237 = tpu.memref_slice %arg4[%dma_start3A_235, %dma_start3A_236] : memref<1000x64xf32, #tpu.memory_space<hbm>> -> memref<1000x64xf32, #tpu.memory_space<hbm>>
    %dma_start3A_238 = tpu.memref_slice %arg14[%dma_start3A_227] : memref<8x!tpu.dma_semaphore, #tpu.memory_space<semaphore_mem>> -> memref<1x!tpu.dma_semaphore, #tpu.memory_space<semaphore_mem>>
    %dma_start3A_239 = tpu.memref_squeeze %dma_start3A_238 : memref<1x!tpu.dma_semaphore, #tpu.memory_space<semaphore_mem>> -> memref<!tpu.dma_semaphore, #tpu.memory_space<semaphore_mem>>
    tpu.enqueue_indirect_dma source(%dma_start3A_237 : memref<1000x64xf32, #tpu.memory_space<hbm>>) target(%dma_start3A_231 : memref<128x64xf32, #tpu.memory_space<vmem>>) offsets(%dma_start3A_234 : memref<128xi32, #tpu.memory_space<vmem>>) semaphore(%dma_start3A_239 : memref<!tpu.dma_semaphore, #tpu.memory_space<semaphore_mem>>)
    %dma_start3A_240 = arith.constant 5 : i32
    %dma_start3A_241 = arith.constant 5 : i32
    %dma_start3A_242 = arith.constant 5 : i32
    %dma_start3A_243 = arith.constant 0 : i32
    %dma_start3A_244 = arith.constant 0 : i32
    %dma_start3A_245 = tpu.memref_slice %arg11[%dma_start3A_241, %dma_start3A_243, %dma_start3A_244] : memref<8x128x64xf32, #tpu.memory_space<vmem>> -> memref<1x128x64xf32, #tpu.memory_space<vmem>>
    %dma_start3A_246 = tpu.memref_squeeze %dma_start3A_245 : memref<1x128x64xf32, #tpu.memory_space<vmem>> -> memref<128x64xf32, #tpu.memory_space<vmem>>
    %dma_start3A_247 = arith.constant 0 : i32
    %dma_start3A_248 = tpu.memref_slice %arg9[%dma_start3A_240, %dma_start3A_247] : memref<64x128xi32, #tpu.memory_space<vmem>> -> memref<1x128xi32, #tpu.memory_space<vmem>>
    %dma_start3A_249 = tpu.memref_squeeze %dma_start3A_248 : memref<1x128xi32, #tpu.memory_space<vmem>> -> memref<128xi32, #tpu.memory_space<vmem>>
    %dma_start3A_250 = arith.constant 0 : i32
    %dma_start3A_251 = arith.constant 0 : i32
    %dma_start3A_252 = tpu.memref_slice %arg4[%dma_start3A_250, %dma_start3A_251] : memref<1000x64xf32, #tpu.memory_space<hbm>> -> memref<1000x64xf32, #tpu.memory_space<hbm>>
    %dma_start3A_253 = tpu.memref_slice %arg14[%dma_start3A_242] : memref<8x!tpu.dma_semaphore, #tpu.memory_space<semaphore_mem>> -> memref<1x!tpu.dma_semaphore, #tpu.memory_space<semaphore_mem>>
    %dma_start3A_254 = tpu.memref_squeeze %dma_start3A_253 : memref<1x!tpu.dma_semaphore, #tpu.memory_space<semaphore_mem>> -> memref<!tpu.dma_semaphore, #tpu.memory_space<semaphore_mem>>
    tpu.enqueue_indirect_dma source(%dma_start3A_252 : memref<1000x64xf32, #tpu.memory_space<hbm>>) target(%dma_start3A_246 : memref<128x64xf32, #tpu.memory_space<vmem>>) offsets(%dma_start3A_249 : memref<128xi32, #tpu.memory_space<vmem>>) semaphore(%dma_start3A_254 : memref<!tpu.dma_semaphore, #tpu.memory_space<semaphore_mem>>)
    %dma_start3A_255 = arith.constant 6 : i32
    %dma_start3A_256 = arith.constant 6 : i32
    %dma_start3A_257 = arith.constant 6 : i32
    %dma_start3A_258 = arith.constant 0 : i32
    %dma_start3A_259 = arith.constant 0 : i32
    %dma_start3A_260 = tpu.memref_slice %arg11[%dma_start3A_256, %dma_start3A_258, %dma_start3A_259] : memref<8x128x64xf32, #tpu.memory_space<vmem>> -> memref<1x128x64xf32, #tpu.memory_space<vmem>>
    %dma_start3A_261 = tpu.memref_squeeze %dma_start3A_260 : memref<1x128x64xf32, #tpu.memory_space<vmem>> -> memref<128x64xf32, #tpu.memory_space<vmem>>
    %dma_start3A_262 = arith.constant 0 : i32
    %dma_start3A_263 = tpu.memref_slice %arg9[%dma_start3A_255, %dma_start3A_262] : memref<64x128xi32, #tpu.memory_space<vmem>> -> memref<1x128xi32, #tpu.memory_space<vmem>>
    %dma_start3A_264 = tpu.memref_squeeze %dma_start3A_263 : memref<1x128xi32, #tpu.memory_space<vmem>> -> memref<128xi32, #tpu.memory_space<vmem>>
    %dma_start3A_265 = arith.constant 0 : i32
    %dma_start3A_266 = arith.constant 0 : i32
    %dma_start3A_267 = tpu.memref_slice %arg4[%dma_start3A_265, %dma_start3A_266] : memref<1000x64xf32, #tpu.memory_space<hbm>> -> memref<1000x64xf32, #tpu.memory_space<hbm>>
    %dma_start3A_268 = tpu.memref_slice %arg14[%dma_start3A_257] : memref<8x!tpu.dma_semaphore, #tpu.memory_space<semaphore_mem>> -> memref<1x!tpu.dma_semaphore, #tpu.memory_space<semaphore_mem>>
    %dma_start3A_269 = tpu.memref_squeeze %dma_start3A_268 : memref<1x!tpu.dma_semaphore, #tpu.memory_space<semaphore_mem>> -> memref<!tpu.dma_semaphore, #tpu.memory_space<semaphore_mem>>
    tpu.enqueue_indirect_dma source(%dma_start3A_267 : memref<1000x64xf32, #tpu.memory_space<hbm>>) target(%dma_start3A_261 : memref<128x64xf32, #tpu.memory_space<vmem>>) offsets(%dma_start3A_264 : memref<128xi32, #tpu.memory_space<vmem>>) semaphore(%dma_start3A_269 : memref<!tpu.dma_semaphore, #tpu.memory_space<semaphore_mem>>)
    %dma_start3A_270 = arith.constant 7 : i32
    %dma_start3A_271 = arith.constant 7 : i32
    %dma_start3A_272 = arith.constant 7 : i32
    %dma_start3A_273 = arith.constant 0 : i32
    %dma_start3A_274 = arith.constant 0 : i32
    %dma_start3A_275 = tpu.memref_slice %arg11[%dma_start3A_271, %dma_start3A_273, %dma_start3A_274] : memref<8x128x64xf32, #tpu.memory_space<vmem>> -> memref<1x128x64xf32, #tpu.memory_space<vmem>>
    %dma_start3A_276 = tpu.memref_squeeze %dma_start3A_275 : memref<1x128x64xf32, #tpu.memory_space<vmem>> -> memref<128x64xf32, #tpu.memory_space<vmem>>
    %dma_start3A_277 = arith.constant 0 : i32
    %dma_start3A_278 = tpu.memref_slice %arg9[%dma_start3A_270, %dma_start3A_277] : memref<64x128xi32, #tpu.memory_space<vmem>> -> memref<1x128xi32, #tpu.memory_space<vmem>>
    %dma_start3A_279 = tpu.memref_squeeze %dma_start3A_278 : memref<1x128xi32, #tpu.memory_space<vmem>> -> memref<128xi32, #tpu.memory_space<vmem>>
    %dma_start3A_280 = arith.constant 0 : i32
    %dma_start3A_281 = arith.constant 0 : i32
    %dma_start3A_282 = tpu.memref_slice %arg4[%dma_start3A_280, %dma_start3A_281] : memref<1000x64xf32, #tpu.memory_space<hbm>> -> memref<1000x64xf32, #tpu.memory_space<hbm>>
    %dma_start3A_283 = tpu.memref_slice %arg14[%dma_start3A_272] : memref<8x!tpu.dma_semaphore, #tpu.memory_space<semaphore_mem>> -> memref<1x!tpu.dma_semaphore, #tpu.memory_space<semaphore_mem>>
    %dma_start3A_284 = tpu.memref_squeeze %dma_start3A_283 : memref<1x!tpu.dma_semaphore, #tpu.memory_space<semaphore_mem>> -> memref<!tpu.dma_semaphore, #tpu.memory_space<semaphore_mem>>
    tpu.enqueue_indirect_dma source(%dma_start3A_282 : memref<1000x64xf32, #tpu.memory_space<hbm>>) target(%dma_start3A_276 : memref<128x64xf32, #tpu.memory_space<vmem>>) offsets(%dma_start3A_279 : memref<128xi32, #tpu.memory_space<vmem>>) semaphore(%dma_start3A_284 : memref<!tpu.dma_semaphore, #tpu.memory_space<semaphore_mem>>)
    %scan3A = arith.constant 0 : i32
    %scan3A_285 = arith.constant 1 : i32
    %scan3A_286 = arith.constant 14 : i32
    %scan3A_287 = arith.addi %scan3A_285, %scan3A_286 : i32
    %scan3A_288 = arith.constant 1 : i32
    scf.for %scan3A_800 = %scan3A_285 to %scan3A_287 step %scan3A_288  : i32 {
      %jit3A = arith.constant 2 : i32
      %eq3A = arith.constant 0 : i32
      %eq3A_801 = arith.cmpi eq, %jit3A, %eq3A : i32
      %jit3A_802 = arith.constant 1 : i32
      %select_n3A = arith.select %eq3A_801, %jit3A_802, %jit3A : i32
      %rem3A = arith.remsi %scan3A_800, %select_n3A : i32
      %ne3A = arith.constant 0 : i32
      %ne3A_803 = arith.cmpi ne, %rem3A, %ne3A : i32
      %lt3A = arith.constant 0 : i32
      %lt3A_804 = arith.cmpi slt, %rem3A, %lt3A : i32
      %lt3A_805 = arith.constant 0 : i32
      %lt3A_806 = arith.cmpi slt, %select_n3A, %lt3A_805 : i32
      %ne3A_807 = arith.xori %lt3A_804, %lt3A_806 : i1
      %and3A = arith.andi %ne3A_807, %ne3A_803 : i1
      %add3A_808 = arith.addi %rem3A, %select_n3A : i32
      %select_n3A_809 = arith.select %and3A, %add3A_808, %rem3A : i32
      %mul3A_810 = arith.constant 4 : i32
      %mul3A_811 = arith.muli %mul3A_810, %select_n3A_809 : i32
      %add3A_812 = arith.constant 1 : i32
      %add3A_813 = arith.addi %scan3A_800, %add3A_812 : i32
      %jit3A_814 = arith.constant 2 : i32
      %eq3A_815 = arith.constant 0 : i32
      %eq3A_816 = arith.cmpi eq, %jit3A_814, %eq3A_815 : i32
      %jit3A_817 = arith.constant 1 : i32
      %select_n3A_818 = arith.select %eq3A_816, %jit3A_817, %jit3A_814 : i32
      %rem3A_819 = arith.remsi %add3A_813, %select_n3A_818 : i32
      %ne3A_820 = arith.constant 0 : i32
      %ne3A_821 = arith.cmpi ne, %rem3A_819, %ne3A_820 : i32
      %lt3A_822 = arith.constant 0 : i32
      %lt3A_823 = arith.cmpi slt, %rem3A_819, %lt3A_822 : i32
      %lt3A_824 = arith.constant 0 : i32
      %lt3A_825 = arith.cmpi slt, %select_n3A_818, %lt3A_824 : i32
      %ne3A_826 = arith.xori %lt3A_823, %lt3A_825 : i1
      %and3A_827 = arith.andi %ne3A_826, %ne3A_821 : i1
      %add3A_828 = arith.addi %rem3A_819, %select_n3A_818 : i32
      %select_n3A_829 = arith.select %and3A_827, %add3A_828, %rem3A_819 : i32
      %mul3A_830 = arith.constant 4 : i32
      %mul3A_831 = arith.muli %mul3A_830, %select_n3A_829 : i32
      %sub3A = arith.constant 1 : i32
      %sub3A_832 = arith.subi %scan3A_800, %sub3A : i32
      %mul3A_833 = arith.constant 4 : i32
      %mul3A_834 = arith.muli %mul3A_833, %sub3A_832 : i32
      %add3A_835 = arith.constant 0 : i32
      %add3A_836 = arith.addi %mul3A_834, %add3A_835 : i32
      %add3A_837 = arith.constant 0 : i32
      %add3A_838 = arith.addi %mul3A_831, %add3A_837 : i32
      %mul3A_839 = arith.constant 128 : i32
      %mul3A_840 = arith.muli %add3A_836, %mul3A_839 : i32
      %add3A_841 = arith.addi %mul3A_4, %mul3A_840 : i32
      %dma_wait3A_842 = arith.constant 0 : i32
      %dma_wait3A_843 = arith.constant 0 : i32
      %dma_wait3A_844 = tpu.memref_slice %arg11[%add3A_838, %dma_wait3A_842, %dma_wait3A_843] : memref<8x128x64xf32, #tpu.memory_space<vmem>> -> memref<1x128x64xf32, #tpu.memory_space<vmem>>
      %dma_wait3A_845 = tpu.memref_squeeze %dma_wait3A_844 : memref<1x128x64xf32, #tpu.memory_space<vmem>> -> memref<128x64xf32, #tpu.memory_space<vmem>>
      %dma_wait3A_846 = arith.constant 0 : i32
      %dma_wait3A_847 = tpu.memref_slice %arg7[%add3A_841, %dma_wait3A_846] : memref<262144x64xf32, #tpu.memory_space<hbm>> -> memref<128x64xf32, #tpu.memory_space<hbm>>
      %dma_wait3A_848 = tpu.memref_slice %arg15[%add3A_838] : memref<8x!tpu.dma_semaphore, #tpu.memory_space<semaphore_mem>> -> memref<1x!tpu.dma_semaphore, #tpu.memory_space<semaphore_mem>>
      %dma_wait3A_849 = tpu.memref_squeeze %dma_wait3A_848 : memref<1x!tpu.dma_semaphore, #tpu.memory_space<semaphore_mem>> -> memref<!tpu.dma_semaphore, #tpu.memory_space<semaphore_mem>>
      %dma_wait3A_850 = arith.constant 0 : i32
      %dma_wait3A_851 = tpu.memref_slice %arg7[%add3A_841, %dma_wait3A_850] : memref<262144x64xf32, #tpu.memory_space<hbm>> -> memref<128x64xf32, #tpu.memory_space<hbm>>
      %dma_wait3A_852 = arith.constant 0 : i32
      %dma_wait3A_853 = arith.constant 0 : i32
      %dma_wait3A_854 = tpu.memref_slice %arg11[%add3A_838, %dma_wait3A_852, %dma_wait3A_853] : memref<8x128x64xf32, #tpu.memory_space<vmem>> -> memref<1x128x64xf32, #tpu.memory_space<vmem>>
      %dma_wait3A_855 = tpu.memref_squeeze %dma_wait3A_854 : memref<1x128x64xf32, #tpu.memory_space<vmem>> -> memref<128x64xf32, #tpu.memory_space<vmem>>
      tpu.wait_dma2 semaphore(%dma_wait3A_849 : memref<!tpu.dma_semaphore, #tpu.memory_space<semaphore_mem>>) src(%dma_wait3A_855 : memref<128x64xf32, #tpu.memory_space<vmem>>) dst(%dma_wait3A_851 : memref<128x64xf32, #tpu.memory_space<hbm>>)
      %add3A_856 = arith.constant 1 : i32
      %add3A_857 = arith.addi %scan3A_800, %add3A_856 : i32
      %mul3A_858 = arith.constant 4 : i32
      %mul3A_859 = arith.muli %mul3A_858, %add3A_857 : i32
      %add3A_860 = arith.constant 0 : i32
      %add3A_861 = arith.addi %mul3A_859, %add3A_860 : i32
      %add3A_862 = arith.constant 0 : i32
      %add3A_863 = arith.addi %mul3A_831, %add3A_862 : i32
      %dma_start3A_864 = arith.constant 0 : i32
      %dma_start3A_865 = arith.constant 0 : i32
      %dma_start3A_866 = tpu.memref_slice %arg11[%add3A_863, %dma_start3A_864, %dma_start3A_865] : memref<8x128x64xf32, #tpu.memory_space<vmem>> -> memref<1x128x64xf32, #tpu.memory_space<vmem>>
      %dma_start3A_867 = tpu.memref_squeeze %dma_start3A_866 : memref<1x128x64xf32, #tpu.memory_space<vmem>> -> memref<128x64xf32, #tpu.memory_space<vmem>>
      %dma_start3A_868 = arith.constant 0 : i32
      %dma_start3A_869 = tpu.memref_slice %arg9[%add3A_861, %dma_start3A_868] : memref<64x128xi32, #tpu.memory_space<vmem>> -> memref<1x128xi32, #tpu.memory_space<vmem>>
      %dma_start3A_870 = tpu.memref_squeeze %dma_start3A_869 : memref<1x128xi32, #tpu.memory_space<vmem>> -> memref<128xi32, #tpu.memory_space<vmem>>
      %dma_start3A_871 = arith.constant 0 : i32
      %dma_start3A_872 = arith.constant 0 : i32
      %dma_start3A_873 = tpu.memref_slice %arg4[%dma_start3A_871, %dma_start3A_872] : memref<1000x64xf32, #tpu.memory_space<hbm>> -> memref<1000x64xf32, #tpu.memory_space<hbm>>
      %dma_start3A_874 = tpu.memref_slice %arg14[%add3A_863] : memref<8x!tpu.dma_semaphore, #tpu.memory_space<semaphore_mem>> -> memref<1x!tpu.dma_semaphore, #tpu.memory_space<semaphore_mem>>
      %dma_start3A_875 = tpu.memref_squeeze %dma_start3A_874 : memref<1x!tpu.dma_semaphore, #tpu.memory_space<semaphore_mem>> -> memref<!tpu.dma_semaphore, #tpu.memory_space<semaphore_mem>>
      tpu.enqueue_indirect_dma source(%dma_start3A_873 : memref<1000x64xf32, #tpu.memory_space<hbm>>) target(%dma_start3A_867 : memref<128x64xf32, #tpu.memory_space<vmem>>) offsets(%dma_start3A_870 : memref<128xi32, #tpu.memory_space<vmem>>) semaphore(%dma_start3A_875 : memref<!tpu.dma_semaphore, #tpu.memory_space<semaphore_mem>>)
      %sub3A_876 = arith.constant 1 : i32
      %sub3A_877 = arith.subi %scan3A_800, %sub3A_876 : i32
      %mul3A_878 = arith.constant 4 : i32
      %mul3A_879 = arith.muli %mul3A_878, %sub3A_877 : i32
      %add3A_880 = arith.constant 1 : i32
      %add3A_881 = arith.addi %mul3A_879, %add3A_880 : i32
      %add3A_882 = arith.constant 1 : i32
      %add3A_883 = arith.addi %mul3A_831, %add3A_882 : i32
      %mul3A_884 = arith.constant 128 : i32
      %mul3A_885 = arith.muli %add3A_881, %mul3A_884 : i32
      %add3A_886 = arith.addi %mul3A_4, %mul3A_885 : i32
      %dma_wait3A_887 = arith.constant 0 : i32
      %dma_wait3A_888 = arith.constant 0 : i32
      %dma_wait3A_889 = tpu.memref_slice %arg11[%add3A_883, %dma_wait3A_887, %dma_wait3A_888] : memref<8x128x64xf32, #tpu.memory_space<vmem>> -> memref<1x128x64xf32, #tpu.memory_space<vmem>>
      %dma_wait3A_890 = tpu.memref_squeeze %dma_wait3A_889 : memref<1x128x64xf32, #tpu.memory_space<vmem>> -> memref<128x64xf32, #tpu.memory_space<vmem>>
      %dma_wait3A_891 = arith.constant 0 : i32
      %dma_wait3A_892 = tpu.memref_slice %arg7[%add3A_886, %dma_wait3A_891] : memref<262144x64xf32, #tpu.memory_space<hbm>> -> memref<128x64xf32, #tpu.memory_space<hbm>>
      %dma_wait3A_893 = tpu.memref_slice %arg15[%add3A_883] : memref<8x!tpu.dma_semaphore, #tpu.memory_space<semaphore_mem>> -> memref<1x!tpu.dma_semaphore, #tpu.memory_space<semaphore_mem>>
      %dma_wait3A_894 = tpu.memref_squeeze %dma_wait3A_893 : memref<1x!tpu.dma_semaphore, #tpu.memory_space<semaphore_mem>> -> memref<!tpu.dma_semaphore, #tpu.memory_space<semaphore_mem>>
      %dma_wait3A_895 = arith.constant 0 : i32
      %dma_wait3A_896 = tpu.memref_slice %arg7[%add3A_886, %dma_wait3A_895] : memref<262144x64xf32, #tpu.memory_space<hbm>> -> memref<128x64xf32, #tpu.memory_space<hbm>>
      %dma_wait3A_897 = arith.constant 0 : i32
      %dma_wait3A_898 = arith.constant 0 : i32
      %dma_wait3A_899 = tpu.memref_slice %arg11[%add3A_883, %dma_wait3A_897, %dma_wait3A_898] : memref<8x128x64xf32, #tpu.memory_space<vmem>> -> memref<1x128x64xf32, #tpu.memory_space<vmem>>
      %dma_wait3A_900 = tpu.memref_squeeze %dma_wait3A_899 : memref<1x128x64xf32, #tpu.memory_space<vmem>> -> memref<128x64xf32, #tpu.memory_space<vmem>>
      tpu.wait_dma2 semaphore(%dma_wait3A_894 : memref<!tpu.dma_semaphore, #tpu.memory_space<semaphore_mem>>) src(%dma_wait3A_900 : memref<128x64xf32, #tpu.memory_space<vmem>>) dst(%dma_wait3A_896 : memref<128x64xf32, #tpu.memory_space<hbm>>)
      %add3A_901 = arith.constant 1 : i32
      %add3A_902 = arith.addi %scan3A_800, %add3A_901 : i32
      %mul3A_903 = arith.constant 4 : i32
      %mul3A_904 = arith.muli %mul3A_903, %add3A_902 : i32
      %add3A_905 = arith.constant 1 : i32
      %add3A_906 = arith.addi %mul3A_904, %add3A_905 : i32
      %add3A_907 = arith.constant 1 : i32
      %add3A_908 = arith.addi %mul3A_831, %add3A_907 : i32
      %dma_start3A_909 = arith.constant 0 : i32
      %dma_start3A_910 = arith.constant 0 : i32
      %dma_start3A_911 = tpu.memref_slice %arg11[%add3A_908, %dma_start3A_909, %dma_start3A_910] : memref<8x128x64xf32, #tpu.memory_space<vmem>> -> memref<1x128x64xf32, #tpu.memory_space<vmem>>
      %dma_start3A_912 = tpu.memref_squeeze %dma_start3A_911 : memref<1x128x64xf32, #tpu.memory_space<vmem>> -> memref<128x64xf32, #tpu.memory_space<vmem>>
      %dma_start3A_913 = arith.constant 0 : i32
      %dma_start3A_914 = tpu.memref_slice %arg9[%add3A_906, %dma_start3A_913] : memref<64x128xi32, #tpu.memory_space<vmem>> -> memref<1x128xi32, #tpu.memory_space<vmem>>
      %dma_start3A_915 = tpu.memref_squeeze %dma_start3A_914 : memref<1x128xi32, #tpu.memory_space<vmem>> -> memref<128xi32, #tpu.memory_space<vmem>>
      %dma_start3A_916 = arith.constant 0 : i32
      %dma_start3A_917 = arith.constant 0 : i32
      %dma_start3A_918 = tpu.memref_slice %arg4[%dma_start3A_916, %dma_start3A_917] : memref<1000x64xf32, #tpu.memory_space<hbm>> -> memref<1000x64xf32, #tpu.memory_space<hbm>>
      %dma_start3A_919 = tpu.memref_slice %arg14[%add3A_908] : memref<8x!tpu.dma_semaphore, #tpu.memory_space<semaphore_mem>> -> memref<1x!tpu.dma_semaphore, #tpu.memory_space<semaphore_mem>>
      %dma_start3A_920 = tpu.memref_squeeze %dma_start3A_919 : memref<1x!tpu.dma_semaphore, #tpu.memory_space<semaphore_mem>> -> memref<!tpu.dma_semaphore, #tpu.memory_space<semaphore_mem>>
      tpu.enqueue_indirect_dma source(%dma_start3A_918 : memref<1000x64xf32, #tpu.memory_space<hbm>>) target(%dma_start3A_912 : memref<128x64xf32, #tpu.memory_space<vmem>>) offsets(%dma_start3A_915 : memref<128xi32, #tpu.memory_space<vmem>>) semaphore(%dma_start3A_920 : memref<!tpu.dma_semaphore, #tpu.memory_space<semaphore_mem>>)
      %sub3A_921 = arith.constant 1 : i32
      %sub3A_922 = arith.subi %scan3A_800, %sub3A_921 : i32
      %mul3A_923 = arith.constant 4 : i32
      %mul3A_924 = arith.muli %mul3A_923, %sub3A_922 : i32
      %add3A_925 = arith.constant 2 : i32
      %add3A_926 = arith.addi %mul3A_924, %add3A_925 : i32
      %add3A_927 = arith.constant 2 : i32
      %add3A_928 = arith.addi %mul3A_831, %add3A_927 : i32
      %mul3A_929 = arith.constant 128 : i32
      %mul3A_930 = arith.muli %add3A_926, %mul3A_929 : i32
      %add3A_931 = arith.addi %mul3A_4, %mul3A_930 : i32
      %dma_wait3A_932 = arith.constant 0 : i32
      %dma_wait3A_933 = arith.constant 0 : i32
      %dma_wait3A_934 = tpu.memref_slice %arg11[%add3A_928, %dma_wait3A_932, %dma_wait3A_933] : memref<8x128x64xf32, #tpu.memory_space<vmem>> -> memref<1x128x64xf32, #tpu.memory_space<vmem>>
      %dma_wait3A_935 = tpu.memref_squeeze %dma_wait3A_934 : memref<1x128x64xf32, #tpu.memory_space<vmem>> -> memref<128x64xf32, #tpu.memory_space<vmem>>
      %dma_wait3A_936 = arith.constant 0 : i32
      %dma_wait3A_937 = tpu.memref_slice %arg7[%add3A_931, %dma_wait3A_936] : memref<262144x64xf32, #tpu.memory_space<hbm>> -> memref<128x64xf32, #tpu.memory_space<hbm>>
      %dma_wait3A_938 = tpu.memref_slice %arg15[%add3A_928] : memref<8x!tpu.dma_semaphore, #tpu.memory_space<semaphore_mem>> -> memref<1x!tpu.dma_semaphore, #tpu.memory_space<semaphore_mem>>
      %dma_wait3A_939 = tpu.memref_squeeze %dma_wait3A_938 : memref<1x!tpu.dma_semaphore, #tpu.memory_space<semaphore_mem>> -> memref<!tpu.dma_semaphore, #tpu.memory_space<semaphore_mem>>
      %dma_wait3A_940 = arith.constant 0 : i32
      %dma_wait3A_941 = tpu.memref_slice %arg7[%add3A_931, %dma_wait3A_940] : memref<262144x64xf32, #tpu.memory_space<hbm>> -> memref<128x64xf32, #tpu.memory_space<hbm>>
      %dma_wait3A_942 = arith.constant 0 : i32
      %dma_wait3A_943 = arith.constant 0 : i32
      %dma_wait3A_944 = tpu.memref_slice %arg11[%add3A_928, %dma_wait3A_942, %dma_wait3A_943] : memref<8x128x64xf32, #tpu.memory_space<vmem>> -> memref<1x128x64xf32, #tpu.memory_space<vmem>>
      %dma_wait3A_945 = tpu.memref_squeeze %dma_wait3A_944 : memref<1x128x64xf32, #tpu.memory_space<vmem>> -> memref<128x64xf32, #tpu.memory_space<vmem>>
      tpu.wait_dma2 semaphore(%dma_wait3A_939 : memref<!tpu.dma_semaphore, #tpu.memory_space<semaphore_mem>>) src(%dma_wait3A_945 : memref<128x64xf32, #tpu.memory_space<vmem>>) dst(%dma_wait3A_941 : memref<128x64xf32, #tpu.memory_space<hbm>>)
      %add3A_946 = arith.constant 1 : i32
      %add3A_947 = arith.addi %scan3A_800, %add3A_946 : i32
      %mul3A_948 = arith.constant 4 : i32
      %mul3A_949 = arith.muli %mul3A_948, %add3A_947 : i32
      %add3A_950 = arith.constant 2 : i32
      %add3A_951 = arith.addi %mul3A_949, %add3A_950 : i32
      %add3A_952 = arith.constant 2 : i32
      %add3A_953 = arith.addi %mul3A_831, %add3A_952 : i32
      %dma_start3A_954 = arith.constant 0 : i32
      %dma_start3A_955 = arith.constant 0 : i32
      %dma_start3A_956 = tpu.memref_slice %arg11[%add3A_953, %dma_start3A_954, %dma_start3A_955] : memref<8x128x64xf32, #tpu.memory_space<vmem>> -> memref<1x128x64xf32, #tpu.memory_space<vmem>>
      %dma_start3A_957 = tpu.memref_squeeze %dma_start3A_956 : memref<1x128x64xf32, #tpu.memory_space<vmem>> -> memref<128x64xf32, #tpu.memory_space<vmem>>
      %dma_start3A_958 = arith.constant 0 : i32
      %dma_start3A_959 = tpu.memref_slice %arg9[%add3A_951, %dma_start3A_958] : memref<64x128xi32, #tpu.memory_space<vmem>> -> memref<1x128xi32, #tpu.memory_space<vmem>>
      %dma_start3A_960 = tpu.memref_squeeze %dma_start3A_959 : memref<1x128xi32, #tpu.memory_space<vmem>> -> memref<128xi32, #tpu.memory_space<vmem>>
      %dma_start3A_961 = arith.constant 0 : i32
      %dma_start3A_962 = arith.constant 0 : i32
      %dma_start3A_963 = tpu.memref_slice %arg4[%dma_start3A_961, %dma_start3A_962] : memref<1000x64xf32, #tpu.memory_space<hbm>> -> memref<1000x64xf32, #tpu.memory_space<hbm>>
      %dma_start3A_964 = tpu.memref_slice %arg14[%add3A_953] : memref<8x!tpu.dma_semaphore, #tpu.memory_space<semaphore_mem>> -> memref<1x!tpu.dma_semaphore, #tpu.memory_space<semaphore_mem>>
      %dma_start3A_965 = tpu.memref_squeeze %dma_start3A_964 : memref<1x!tpu.dma_semaphore, #tpu.memory_space<semaphore_mem>> -> memref<!tpu.dma_semaphore, #tpu.memory_space<semaphore_mem>>
      tpu.enqueue_indirect_dma source(%dma_start3A_963 : memref<1000x64xf32, #tpu.memory_space<hbm>>) target(%dma_start3A_957 : memref<128x64xf32, #tpu.memory_space<vmem>>) offsets(%dma_start3A_960 : memref<128xi32, #tpu.memory_space<vmem>>) semaphore(%dma_start3A_965 : memref<!tpu.dma_semaphore, #tpu.memory_space<semaphore_mem>>)
      %sub3A_966 = arith.constant 1 : i32
      %sub3A_967 = arith.subi %scan3A_800, %sub3A_966 : i32
      %mul3A_968 = arith.constant 4 : i32
      %mul3A_969 = arith.muli %mul3A_968, %sub3A_967 : i32
      %add3A_970 = arith.constant 3 : i32
      %add3A_971 = arith.addi %mul3A_969, %add3A_970 : i32
      %add3A_972 = arith.constant 3 : i32
      %add3A_973 = arith.addi %mul3A_831, %add3A_972 : i32
      %mul3A_974 = arith.constant 128 : i32
      %mul3A_975 = arith.muli %add3A_971, %mul3A_974 : i32
      %add3A_976 = arith.addi %mul3A_4, %mul3A_975 : i32
      %dma_wait3A_977 = arith.constant 0 : i32
      %dma_wait3A_978 = arith.constant 0 : i32
      %dma_wait3A_979 = tpu.memref_slice %arg11[%add3A_973, %dma_wait3A_977, %dma_wait3A_978] : memref<8x128x64xf32, #tpu.memory_space<vmem>> -> memref<1x128x64xf32, #tpu.memory_space<vmem>>
      %dma_wait3A_980 = tpu.memref_squeeze %dma_wait3A_979 : memref<1x128x64xf32, #tpu.memory_space<vmem>> -> memref<128x64xf32, #tpu.memory_space<vmem>>
      %dma_wait3A_981 = arith.constant 0 : i32
      %dma_wait3A_982 = tpu.memref_slice %arg7[%add3A_976, %dma_wait3A_981] : memref<262144x64xf32, #tpu.memory_space<hbm>> -> memref<128x64xf32, #tpu.memory_space<hbm>>
      %dma_wait3A_983 = tpu.memref_slice %arg15[%add3A_973] : memref<8x!tpu.dma_semaphore, #tpu.memory_space<semaphore_mem>> -> memref<1x!tpu.dma_semaphore, #tpu.memory_space<semaphore_mem>>
      %dma_wait3A_984 = tpu.memref_squeeze %dma_wait3A_983 : memref<1x!tpu.dma_semaphore, #tpu.memory_space<semaphore_mem>> -> memref<!tpu.dma_semaphore, #tpu.memory_space<semaphore_mem>>
      %dma_wait3A_985 = arith.constant 0 : i32
      %dma_wait3A_986 = tpu.memref_slice %arg7[%add3A_976, %dma_wait3A_985] : memref<262144x64xf32, #tpu.memory_space<hbm>> -> memref<128x64xf32, #tpu.memory_space<hbm>>
      %dma_wait3A_987 = arith.constant 0 : i32
      %dma_wait3A_988 = arith.constant 0 : i32
      %dma_wait3A_989 = tpu.memref_slice %arg11[%add3A_973, %dma_wait3A_987, %dma_wait3A_988] : memref<8x128x64xf32, #tpu.memory_space<vmem>> -> memref<1x128x64xf32, #tpu.memory_space<vmem>>
      %dma_wait3A_990 = tpu.memref_squeeze %dma_wait3A_989 : memref<1x128x64xf32, #tpu.memory_space<vmem>> -> memref<128x64xf32, #tpu.memory_space<vmem>>
      tpu.wait_dma2 semaphore(%dma_wait3A_984 : memref<!tpu.dma_semaphore, #tpu.memory_space<semaphore_mem>>) src(%dma_wait3A_990 : memref<128x64xf32, #tpu.memory_space<vmem>>) dst(%dma_wait3A_986 : memref<128x64xf32, #tpu.memory_space<hbm>>)
      %add3A_991 = arith.constant 1 : i32
      %add3A_992 = arith.addi %scan3A_800, %add3A_991 : i32
      %mul3A_993 = arith.constant 4 : i32
      %mul3A_994 = arith.muli %mul3A_993, %add3A_992 : i32
      %add3A_995 = arith.constant 3 : i32
      %add3A_996 = arith.addi %mul3A_994, %add3A_995 : i32
      %add3A_997 = arith.constant 3 : i32
      %add3A_998 = arith.addi %mul3A_831, %add3A_997 : i32
      %dma_start3A_999 = arith.constant 0 : i32
      %dma_start3A_1000 = arith.constant 0 : i32
      %dma_start3A_1001 = tpu.memref_slice %arg11[%add3A_998, %dma_start3A_999, %dma_start3A_1000] : memref<8x128x64xf32, #tpu.memory_space<vmem>> -> memref<1x128x64xf32, #tpu.memory_space<vmem>>
      %dma_start3A_1002 = tpu.memref_squeeze %dma_start3A_1001 : memref<1x128x64xf32, #tpu.memory_space<vmem>> -> memref<128x64xf32, #tpu.memory_space<vmem>>
      %dma_start3A_1003 = arith.constant 0 : i32
      %dma_start3A_1004 = tpu.memref_slice %arg9[%add3A_996, %dma_start3A_1003] : memref<64x128xi32, #tpu.memory_space<vmem>> -> memref<1x128xi32, #tpu.memory_space<vmem>>
      %dma_start3A_1005 = tpu.memref_squeeze %dma_start3A_1004 : memref<1x128xi32, #tpu.memory_space<vmem>> -> memref<128xi32, #tpu.memory_space<vmem>>
      %dma_start3A_1006 = arith.constant 0 : i32
      %dma_start3A_1007 = arith.constant 0 : i32
      %dma_start3A_1008 = tpu.memref_slice %arg4[%dma_start3A_1006, %dma_start3A_1007] : memref<1000x64xf32, #tpu.memory_space<hbm>> -> memref<1000x64xf32, #tpu.memory_space<hbm>>
      %dma_start3A_1009 = tpu.memref_slice %arg14[%add3A_998] : memref<8x!tpu.dma_semaphore, #tpu.memory_space<semaphore_mem>> -> memref<1x!tpu.dma_semaphore, #tpu.memory_space<semaphore_mem>>
      %dma_start3A_1010 = tpu.memref_squeeze %dma_start3A_1009 : memref<1x!tpu.dma_semaphore, #tpu.memory_space<semaphore_mem>> -> memref<!tpu.dma_semaphore, #tpu.memory_space<semaphore_mem>>
      tpu.enqueue_indirect_dma source(%dma_start3A_1008 : memref<1000x64xf32, #tpu.memory_space<hbm>>) target(%dma_start3A_1002 : memref<128x64xf32, #tpu.memory_space<vmem>>) offsets(%dma_start3A_1005 : memref<128xi32, #tpu.memory_space<vmem>>) semaphore(%dma_start3A_1010 : memref<!tpu.dma_semaphore, #tpu.memory_space<semaphore_mem>>)
      %mul3A_1011 = arith.constant 4 : i32
      %mul3A_1012 = arith.muli %mul3A_1011, %scan3A_800 : i32
      %add3A_1013 = arith.constant 0 : i32
      %add3A_1014 = arith.addi %mul3A_1012, %add3A_1013 : i32
      %add3A_1015 = arith.constant 0 : i32
      %add3A_1016 = arith.addi %mul3A_811, %add3A_1015 : i32
      %dma_wait3A_1017 = arith.constant 0 : i32
      %dma_wait3A_1018 = arith.constant 0 : i32
      %dma_wait3A_1019 = tpu.memref_slice %arg11[%add3A_1016, %dma_wait3A_1017, %dma_wait3A_1018] : memref<8x128x64xf32, #tpu.memory_space<vmem>> -> memref<1x128x64xf32, #tpu.memory_space<vmem>>
      %dma_wait3A_1020 = tpu.memref_squeeze %dma_wait3A_1019 : memref<1x128x64xf32, #tpu.memory_space<vmem>> -> memref<128x64xf32, #tpu.memory_space<vmem>>
      %dma_wait3A_1021 = arith.constant 0 : i32
      %dma_wait3A_1022 = tpu.memref_slice %arg9[%add3A_1014, %dma_wait3A_1021] : memref<64x128xi32, #tpu.memory_space<vmem>> -> memref<1x128xi32, #tpu.memory_space<vmem>>
      %dma_wait3A_1023 = tpu.memref_squeeze %dma_wait3A_1022 : memref<1x128xi32, #tpu.memory_space<vmem>> -> memref<128xi32, #tpu.memory_space<vmem>>
      %dma_wait3A_1024 = arith.constant 0 : i32
      %dma_wait3A_1025 = arith.constant 0 : i32
      %dma_wait3A_1026 = tpu.memref_slice %arg4[%dma_wait3A_1024, %dma_wait3A_1025] : memref<1000x64xf32, #tpu.memory_space<hbm>> -> memref<1000x64xf32, #tpu.memory_space<hbm>>
      %dma_wait3A_1027 = tpu.memref_slice %arg14[%add3A_1016] : memref<8x!tpu.dma_semaphore, #tpu.memory_space<semaphore_mem>> -> memref<1x!tpu.dma_semaphore, #tpu.memory_space<semaphore_mem>>
      %dma_wait3A_1028 = tpu.memref_squeeze %dma_wait3A_1027 : memref<1x!tpu.dma_semaphore, #tpu.memory_space<semaphore_mem>> -> memref<!tpu.dma_semaphore, #tpu.memory_space<semaphore_mem>>
      tpu.wait_indirect_dma semaphore(%dma_wait3A_1028 : memref<!tpu.dma_semaphore, #tpu.memory_space<semaphore_mem>>) src(%dma_wait3A_1026 : memref<1000x64xf32, #tpu.memory_space<hbm>>) dst(%dma_wait3A_1020 : memref<128x64xf32, #tpu.memory_space<vmem>>)
      %mul3A_1029 = arith.constant 4 : i32
      %mul3A_1030 = arith.muli %mul3A_1029, %scan3A_800 : i32
      %add3A_1031 = arith.constant 0 : i32
      %add3A_1032 = arith.addi %mul3A_1030, %add3A_1031 : i32
      %add3A_1033 = arith.constant 0 : i32
      %add3A_1034 = arith.addi %mul3A_811, %add3A_1033 : i32
      %mul3A_1035 = arith.constant 128 : i32
      %mul3A_1036 = arith.muli %add3A_1032, %mul3A_1035 : i32
      %add3A_1037 = arith.addi %mul3A_4, %mul3A_1036 : i32
      %dma_start3A_1038 = arith.constant 0 : i32
      %dma_start3A_1039 = arith.constant 0 : i32
      %dma_start3A_1040 = tpu.memref_slice %arg11[%add3A_1034, %dma_start3A_1038, %dma_start3A_1039] : memref<8x128x64xf32, #tpu.memory_space<vmem>> -> memref<1x128x64xf32, #tpu.memory_space<vmem>>
      %dma_start3A_1041 = tpu.memref_squeeze %dma_start3A_1040 : memref<1x128x64xf32, #tpu.memory_space<vmem>> -> memref<128x64xf32, #tpu.memory_space<vmem>>
      %dma_start3A_1042 = arith.constant 0 : i32
      %dma_start3A_1043 = tpu.memref_slice %arg7[%add3A_1037, %dma_start3A_1042] : memref<262144x64xf32, #tpu.memory_space<hbm>> -> memref<128x64xf32, #tpu.memory_space<hbm>>
      %dma_start3A_1044 = tpu.memref_slice %arg15[%add3A_1034] : memref<8x!tpu.dma_semaphore, #tpu.memory_space<semaphore_mem>> -> memref<1x!tpu.dma_semaphore, #tpu.memory_space<semaphore_mem>>
      %dma_start3A_1045 = tpu.memref_squeeze %dma_start3A_1044 : memref<1x!tpu.dma_semaphore, #tpu.memory_space<semaphore_mem>> -> memref<!tpu.dma_semaphore, #tpu.memory_space<semaphore_mem>>
      %dma_start3A_1046 = arith.constant 0 : i32
      %dma_start3A_1047 = tpu.memref_slice %arg7[%add3A_1037, %dma_start3A_1046] : memref<262144x64xf32, #tpu.memory_space<hbm>> -> memref<128x64xf32, #tpu.memory_space<hbm>>
      %dma_start3A_1048 = arith.constant 0 : i32
      %dma_start3A_1049 = arith.constant 0 : i32
      %dma_start3A_1050 = tpu.memref_slice %arg11[%add3A_1034, %dma_start3A_1048, %dma_start3A_1049] : memref<8x128x64xf32, #tpu.memory_space<vmem>> -> memref<1x128x64xf32, #tpu.memory_space<vmem>>
      %dma_start3A_1051 = tpu.memref_squeeze %dma_start3A_1050 : memref<1x128x64xf32, #tpu.memory_space<vmem>> -> memref<128x64xf32, #tpu.memory_space<vmem>>
      tpu.enqueue_dma source(%dma_start3A_1051 : memref<128x64xf32, #tpu.memory_space<vmem>>) target(%dma_start3A_1047 : memref<128x64xf32, #tpu.memory_space<hbm>>) target_semaphore(%dma_start3A_1045 : memref<!tpu.dma_semaphore, #tpu.memory_space<semaphore_mem>>)
      %mul3A_1052 = arith.constant 4 : i32
      %mul3A_1053 = arith.muli %mul3A_1052, %scan3A_800 : i32
      %add3A_1054 = arith.constant 1 : i32
      %add3A_1055 = arith.addi %mul3A_1053, %add3A_1054 : i32
      %add3A_1056 = arith.constant 1 : i32
      %add3A_1057 = arith.addi %mul3A_811, %add3A_1056 : i32
      %dma_wait3A_1058 = arith.constant 0 : i32
      %dma_wait3A_1059 = arith.constant 0 : i32
      %dma_wait3A_1060 = tpu.memref_slice %arg11[%add3A_1057, %dma_wait3A_1058, %dma_wait3A_1059] : memref<8x128x64xf32, #tpu.memory_space<vmem>> -> memref<1x128x64xf32, #tpu.memory_space<vmem>>
      %dma_wait3A_1061 = tpu.memref_squeeze %dma_wait3A_1060 : memref<1x128x64xf32, #tpu.memory_space<vmem>> -> memref<128x64xf32, #tpu.memory_space<vmem>>
      %dma_wait3A_1062 = arith.constant 0 : i32
      %dma_wait3A_1063 = tpu.memref_slice %arg9[%add3A_1055, %dma_wait3A_1062] : memref<64x128xi32, #tpu.memory_space<vmem>> -> memref<1x128xi32, #tpu.memory_space<vmem>>
      %dma_wait3A_1064 = tpu.memref_squeeze %dma_wait3A_1063 : memref<1x128xi32, #tpu.memory_space<vmem>> -> memref<128xi32, #tpu.memory_space<vmem>>
      %dma_wait3A_1065 = arith.constant 0 : i32
      %dma_wait3A_1066 = arith.constant 0 : i32
      %dma_wait3A_1067 = tpu.memref_slice %arg4[%dma_wait3A_1065, %dma_wait3A_1066] : memref<1000x64xf32, #tpu.memory_space<hbm>> -> memref<1000x64xf32, #tpu.memory_space<hbm>>
      %dma_wait3A_1068 = tpu.memref_slice %arg14[%add3A_1057] : memref<8x!tpu.dma_semaphore, #tpu.memory_space<semaphore_mem>> -> memref<1x!tpu.dma_semaphore, #tpu.memory_space<semaphore_mem>>
      %dma_wait3A_1069 = tpu.memref_squeeze %dma_wait3A_1068 : memref<1x!tpu.dma_semaphore, #tpu.memory_space<semaphore_mem>> -> memref<!tpu.dma_semaphore, #tpu.memory_space<semaphore_mem>>
      tpu.wait_indirect_dma semaphore(%dma_wait3A_1069 : memref<!tpu.dma_semaphore, #tpu.memory_space<semaphore_mem>>) src(%dma_wait3A_1067 : memref<1000x64xf32, #tpu.memory_space<hbm>>) dst(%dma_wait3A_1061 : memref<128x64xf32, #tpu.memory_space<vmem>>)
      %mul3A_1070 = arith.constant 4 : i32
      %mul3A_1071 = arith.muli %mul3A_1070, %scan3A_800 : i32
      %add3A_1072 = arith.constant 1 : i32
      %add3A_1073 = arith.addi %mul3A_1071, %add3A_1072 : i32
      %add3A_1074 = arith.constant 1 : i32
      %add3A_1075 = arith.addi %mul3A_811, %add3A_1074 : i32
      %mul3A_1076 = arith.constant 128 : i32
      %mul3A_1077 = arith.muli %add3A_1073, %mul3A_1076 : i32
      %add3A_1078 = arith.addi %mul3A_4, %mul3A_1077 : i32
      %dma_start3A_1079 = arith.constant 0 : i32
      %dma_start3A_1080 = arith.constant 0 : i32
      %dma_start3A_1081 = tpu.memref_slice %arg11[%add3A_1075, %dma_start3A_1079, %dma_start3A_1080] : memref<8x128x64xf32, #tpu.memory_space<vmem>> -> memref<1x128x64xf32, #tpu.memory_space<vmem>>
      %dma_start3A_1082 = tpu.memref_squeeze %dma_start3A_1081 : memref<1x128x64xf32, #tpu.memory_space<vmem>> -> memref<128x64xf32, #tpu.memory_space<vmem>>
      %dma_start3A_1083 = arith.constant 0 : i32
      %dma_start3A_1084 = tpu.memref_slice %arg7[%add3A_1078, %dma_start3A_1083] : memref<262144x64xf32, #tpu.memory_space<hbm>> -> memref<128x64xf32, #tpu.memory_space<hbm>>
      %dma_start3A_1085 = tpu.memref_slice %arg15[%add3A_1075] : memref<8x!tpu.dma_semaphore, #tpu.memory_space<semaphore_mem>> -> memref<1x!tpu.dma_semaphore, #tpu.memory_space<semaphore_mem>>
      %dma_start3A_1086 = tpu.memref_squeeze %dma_start3A_1085 : memref<1x!tpu.dma_semaphore, #tpu.memory_space<semaphore_mem>> -> memref<!tpu.dma_semaphore, #tpu.memory_space<semaphore_mem>>
      %dma_start3A_1087 = arith.constant 0 : i32
      %dma_start3A_1088 = tpu.memref_slice %arg7[%add3A_1078, %dma_start3A_1087] : memref<262144x64xf32, #tpu.memory_space<hbm>> -> memref<128x64xf32, #tpu.memory_space<hbm>>
      %dma_start3A_1089 = arith.constant 0 : i32
      %dma_start3A_1090 = arith.constant 0 : i32
      %dma_start3A_1091 = tpu.memref_slice %arg11[%add3A_1075, %dma_start3A_1089, %dma_start3A_1090] : memref<8x128x64xf32, #tpu.memory_space<vmem>> -> memref<1x128x64xf32, #tpu.memory_space<vmem>>
      %dma_start3A_1092 = tpu.memref_squeeze %dma_start3A_1091 : memref<1x128x64xf32, #tpu.memory_space<vmem>> -> memref<128x64xf32, #tpu.memory_space<vmem>>
      tpu.enqueue_dma source(%dma_start3A_1092 : memref<128x64xf32, #tpu.memory_space<vmem>>) target(%dma_start3A_1088 : memref<128x64xf32, #tpu.memory_space<hbm>>) target_semaphore(%dma_start3A_1086 : memref<!tpu.dma_semaphore, #tpu.memory_space<semaphore_mem>>)
      %mul3A_1093 = arith.constant 4 : i32
      %mul3A_1094 = arith.muli %mul3A_1093, %scan3A_800 : i32
      %add3A_1095 = arith.constant 2 : i32
      %add3A_1096 = arith.addi %mul3A_1094, %add3A_1095 : i32
      %add3A_1097 = arith.constant 2 : i32
      %add3A_1098 = arith.addi %mul3A_811, %add3A_1097 : i32
      %dma_wait3A_1099 = arith.constant 0 : i32
      %dma_wait3A_1100 = arith.constant 0 : i32
      %dma_wait3A_1101 = tpu.memref_slice %arg11[%add3A_1098, %dma_wait3A_1099, %dma_wait3A_1100] : memref<8x128x64xf32, #tpu.memory_space<vmem>> -> memref<1x128x64xf32, #tpu.memory_space<vmem>>
      %dma_wait3A_1102 = tpu.memref_squeeze %dma_wait3A_1101 : memref<1x128x64xf32, #tpu.memory_space<vmem>> -> memref<128x64xf32, #tpu.memory_space<vmem>>
      %dma_wait3A_1103 = arith.constant 0 : i32
      %dma_wait3A_1104 = tpu.memref_slice %arg9[%add3A_1096, %dma_wait3A_1103] : memref<64x128xi32, #tpu.memory_space<vmem>> -> memref<1x128xi32, #tpu.memory_space<vmem>>
      %dma_wait3A_1105 = tpu.memref_squeeze %dma_wait3A_1104 : memref<1x128xi32, #tpu.memory_space<vmem>> -> memref<128xi32, #tpu.memory_space<vmem>>
      %dma_wait3A_1106 = arith.constant 0 : i32
      %dma_wait3A_1107 = arith.constant 0 : i32
      %dma_wait3A_1108 = tpu.memref_slice %arg4[%dma_wait3A_1106, %dma_wait3A_1107] : memref<1000x64xf32, #tpu.memory_space<hbm>> -> memref<1000x64xf32, #tpu.memory_space<hbm>>
      %dma_wait3A_1109 = tpu.memref_slice %arg14[%add3A_1098] : memref<8x!tpu.dma_semaphore, #tpu.memory_space<semaphore_mem>> -> memref<1x!tpu.dma_semaphore, #tpu.memory_space<semaphore_mem>>
      %dma_wait3A_1110 = tpu.memref_squeeze %dma_wait3A_1109 : memref<1x!tpu.dma_semaphore, #tpu.memory_space<semaphore_mem>> -> memref<!tpu.dma_semaphore, #tpu.memory_space<semaphore_mem>>
      tpu.wait_indirect_dma semaphore(%dma_wait3A_1110 : memref<!tpu.dma_semaphore, #tpu.memory_space<semaphore_mem>>) src(%dma_wait3A_1108 : memref<1000x64xf32, #tpu.memory_space<hbm>>) dst(%dma_wait3A_1102 : memref<128x64xf32, #tpu.memory_space<vmem>>)
      %mul3A_1111 = arith.constant 4 : i32
      %mul3A_1112 = arith.muli %mul3A_1111, %scan3A_800 : i32
      %add3A_1113 = arith.constant 2 : i32
      %add3A_1114 = arith.addi %mul3A_1112, %add3A_1113 : i32
      %add3A_1115 = arith.constant 2 : i32
      %add3A_1116 = arith.addi %mul3A_811, %add3A_1115 : i32
      %mul3A_1117 = arith.constant 128 : i32
      %mul3A_1118 = arith.muli %add3A_1114, %mul3A_1117 : i32
      %add3A_1119 = arith.addi %mul3A_4, %mul3A_1118 : i32
      %dma_start3A_1120 = arith.constant 0 : i32
      %dma_start3A_1121 = arith.constant 0 : i32
      %dma_start3A_1122 = tpu.memref_slice %arg11[%add3A_1116, %dma_start3A_1120, %dma_start3A_1121] : memref<8x128x64xf32, #tpu.memory_space<vmem>> -> memref<1x128x64xf32, #tpu.memory_space<vmem>>
      %dma_start3A_1123 = tpu.memref_squeeze %dma_start3A_1122 : memref<1x128x64xf32, #tpu.memory_space<vmem>> -> memref<128x64xf32, #tpu.memory_space<vmem>>
      %dma_start3A_1124 = arith.constant 0 : i32
      %dma_start3A_1125 = tpu.memref_slice %arg7[%add3A_1119, %dma_start3A_1124] : memref<262144x64xf32, #tpu.memory_space<hbm>> -> memref<128x64xf32, #tpu.memory_space<hbm>>
      %dma_start3A_1126 = tpu.memref_slice %arg15[%add3A_1116] : memref<8x!tpu.dma_semaphore, #tpu.memory_space<semaphore_mem>> -> memref<1x!tpu.dma_semaphore, #tpu.memory_space<semaphore_mem>>
      %dma_start3A_1127 = tpu.memref_squeeze %dma_start3A_1126 : memref<1x!tpu.dma_semaphore, #tpu.memory_space<semaphore_mem>> -> memref<!tpu.dma_semaphore, #tpu.memory_space<semaphore_mem>>
      %dma_start3A_1128 = arith.constant 0 : i32
      %dma_start3A_1129 = tpu.memref_slice %arg7[%add3A_1119, %dma_start3A_1128] : memref<262144x64xf32, #tpu.memory_space<hbm>> -> memref<128x64xf32, #tpu.memory_space<hbm>>
      %dma_start3A_1130 = arith.constant 0 : i32
      %dma_start3A_1131 = arith.constant 0 : i32
      %dma_start3A_1132 = tpu.memref_slice %arg11[%add3A_1116, %dma_start3A_1130, %dma_start3A_1131] : memref<8x128x64xf32, #tpu.memory_space<vmem>> -> memref<1x128x64xf32, #tpu.memory_space<vmem>>
      %dma_start3A_1133 = tpu.memref_squeeze %dma_start3A_1132 : memref<1x128x64xf32, #tpu.memory_space<vmem>> -> memref<128x64xf32, #tpu.memory_space<vmem>>
      tpu.enqueue_dma source(%dma_start3A_1133 : memref<128x64xf32, #tpu.memory_space<vmem>>) target(%dma_start3A_1129 : memref<128x64xf32, #tpu.memory_space<hbm>>) target_semaphore(%dma_start3A_1127 : memref<!tpu.dma_semaphore, #tpu.memory_space<semaphore_mem>>)
      %mul3A_1134 = arith.constant 4 : i32
      %mul3A_1135 = arith.muli %mul3A_1134, %scan3A_800 : i32
      %add3A_1136 = arith.constant 3 : i32
      %add3A_1137 = arith.addi %mul3A_1135, %add3A_1136 : i32
      %add3A_1138 = arith.constant 3 : i32
      %add3A_1139 = arith.addi %mul3A_811, %add3A_1138 : i32
      %dma_wait3A_1140 = arith.constant 0 : i32
      %dma_wait3A_1141 = arith.constant 0 : i32
      %dma_wait3A_1142 = tpu.memref_slice %arg11[%add3A_1139, %dma_wait3A_1140, %dma_wait3A_1141] : memref<8x128x64xf32, #tpu.memory_space<vmem>> -> memref<1x128x64xf32, #tpu.memory_space<vmem>>
      %dma_wait3A_1143 = tpu.memref_squeeze %dma_wait3A_1142 : memref<1x128x64xf32, #tpu.memory_space<vmem>> -> memref<128x64xf32, #tpu.memory_space<vmem>>
      %dma_wait3A_1144 = arith.constant 0 : i32
      %dma_wait3A_1145 = tpu.memref_slice %arg9[%add3A_1137, %dma_wait3A_1144] : memref<64x128xi32, #tpu.memory_space<vmem>> -> memref<1x128xi32, #tpu.memory_space<vmem>>
      %dma_wait3A_1146 = tpu.memref_squeeze %dma_wait3A_1145 : memref<1x128xi32, #tpu.memory_space<vmem>> -> memref<128xi32, #tpu.memory_space<vmem>>
      %dma_wait3A_1147 = arith.constant 0 : i32
      %dma_wait3A_1148 = arith.constant 0 : i32
      %dma_wait3A_1149 = tpu.memref_slice %arg4[%dma_wait3A_1147, %dma_wait3A_1148] : memref<1000x64xf32, #tpu.memory_space<hbm>> -> memref<1000x64xf32, #tpu.memory_space<hbm>>
      %dma_wait3A_1150 = tpu.memref_slice %arg14[%add3A_1139] : memref<8x!tpu.dma_semaphore, #tpu.memory_space<semaphore_mem>> -> memref<1x!tpu.dma_semaphore, #tpu.memory_space<semaphore_mem>>
      %dma_wait3A_1151 = tpu.memref_squeeze %dma_wait3A_1150 : memref<1x!tpu.dma_semaphore, #tpu.memory_space<semaphore_mem>> -> memref<!tpu.dma_semaphore, #tpu.memory_space<semaphore_mem>>
      tpu.wait_indirect_dma semaphore(%dma_wait3A_1151 : memref<!tpu.dma_semaphore, #tpu.memory_space<semaphore_mem>>) src(%dma_wait3A_1149 : memref<1000x64xf32, #tpu.memory_space<hbm>>) dst(%dma_wait3A_1143 : memref<128x64xf32, #tpu.memory_space<vmem>>)
      %mul3A_1152 = arith.constant 4 : i32
      %mul3A_1153 = arith.muli %mul3A_1152, %scan3A_800 : i32
      %add3A_1154 = arith.constant 3 : i32
      %add3A_1155 = arith.addi %mul3A_1153, %add3A_1154 : i32
      %add3A_1156 = arith.constant 3 : i32
      %add3A_1157 = arith.addi %mul3A_811, %add3A_1156 : i32
      %mul3A_1158 = arith.constant 128 : i32
      %mul3A_1159 = arith.muli %add3A_1155, %mul3A_1158 : i32
      %add3A_1160 = arith.addi %mul3A_4, %mul3A_1159 : i32
      %dma_start3A_1161 = arith.constant 0 : i32
      %dma_start3A_1162 = arith.constant 0 : i32
      %dma_start3A_1163 = tpu.memref_slice %arg11[%add3A_1157, %dma_start3A_1161, %dma_start3A_1162] : memref<8x128x64xf32, #tpu.memory_space<vmem>> -> memref<1x128x64xf32, #tpu.memory_space<vmem>>
      %dma_start3A_1164 = tpu.memref_squeeze %dma_start3A_1163 : memref<1x128x64xf32, #tpu.memory_space<vmem>> -> memref<128x64xf32, #tpu.memory_space<vmem>>
      %dma_start3A_1165 = arith.constant 0 : i32
      %dma_start3A_1166 = tpu.memref_slice %arg7[%add3A_1160, %dma_start3A_1165] : memref<262144x64xf32, #tpu.memory_space<hbm>> -> memref<128x64xf32, #tpu.memory_space<hbm>>
      %dma_start3A_1167 = tpu.memref_slice %arg15[%add3A_1157] : memref<8x!tpu.dma_semaphore, #tpu.memory_space<semaphore_mem>> -> memref<1x!tpu.dma_semaphore, #tpu.memory_space<semaphore_mem>>
      %dma_start3A_1168 = tpu.memref_squeeze %dma_start3A_1167 : memref<1x!tpu.dma_semaphore, #tpu.memory_space<semaphore_mem>> -> memref<!tpu.dma_semaphore, #tpu.memory_space<semaphore_mem>>
      %dma_start3A_1169 = arith.constant 0 : i32
      %dma_start3A_1170 = tpu.memref_slice %arg7[%add3A_1160, %dma_start3A_1169] : memref<262144x64xf32, #tpu.memory_space<hbm>> -> memref<128x64xf32, #tpu.memory_space<hbm>>
      %dma_start3A_1171 = arith.constant 0 : i32
      %dma_start3A_1172 = arith.constant 0 : i32
      %dma_start3A_1173 = tpu.memref_slice %arg11[%add3A_1157, %dma_start3A_1171, %dma_start3A_1172] : memref<8x128x64xf32, #tpu.memory_space<vmem>> -> memref<1x128x64xf32, #tpu.memory_space<vmem>>
      %dma_start3A_1174 = tpu.memref_squeeze %dma_start3A_1173 : memref<1x128x64xf32, #tpu.memory_space<vmem>> -> memref<128x64xf32, #tpu.memory_space<vmem>>
      tpu.enqueue_dma source(%dma_start3A_1174 : memref<128x64xf32, #tpu.memory_space<vmem>>) target(%dma_start3A_1170 : memref<128x64xf32, #tpu.memory_space<hbm>>) target_semaphore(%dma_start3A_1168 : memref<!tpu.dma_semaphore, #tpu.memory_space<semaphore_mem>>)
    }
    %scan3A_289 = arith.constant 14 : i32
    %dma_wait3A_290 = arith.constant 60 : i32
    %dma_wait3A_291 = arith.constant 4 : i32
    %dma_wait3A_292 = arith.constant 4 : i32
    %dma_wait3A_293 = arith.constant 0 : i32
    %dma_wait3A_294 = arith.constant 0 : i32
    %dma_wait3A_295 = tpu.memref_slice %arg11[%dma_wait3A_291, %dma_wait3A_293, %dma_wait3A_294] : memref<8x128x64xf32, #tpu.memory_space<vmem>> -> memref<1x128x64xf32, #tpu.memory_space<vmem>>
    %dma_wait3A_296 = tpu.memref_squeeze %dma_wait3A_295 : memref<1x128x64xf32, #tpu.memory_space<vmem>> -> memref<128x64xf32, #tpu.memory_space<vmem>>
    %dma_wait3A_297 = arith.constant 0 : i32
    %dma_wait3A_298 = tpu.memref_slice %arg9[%dma_wait3A_290, %dma_wait3A_297] : memref<64x128xi32, #tpu.memory_space<vmem>> -> memref<1x128xi32, #tpu.memory_space<vmem>>
    %dma_wait3A_299 = tpu.memref_squeeze %dma_wait3A_298 : memref<1x128xi32, #tpu.memory_space<vmem>> -> memref<128xi32, #tpu.memory_space<vmem>>
    %dma_wait3A_300 = arith.constant 0 : i32
    %dma_wait3A_301 = arith.constant 0 : i32
    %dma_wait3A_302 = tpu.memref_slice %arg4[%dma_wait3A_300, %dma_wait3A_301] : memref<1000x64xf32, #tpu.memory_space<hbm>> -> memref<1000x64xf32, #tpu.memory_space<hbm>>
    %dma_wait3A_303 = tpu.memref_slice %arg14[%dma_wait3A_292] : memref<8x!tpu.dma_semaphore, #tpu.memory_space<semaphore_mem>> -> memref<1x!tpu.dma_semaphore, #tpu.memory_space<semaphore_mem>>
    %dma_wait3A_304 = tpu.memref_squeeze %dma_wait3A_303 : memref<1x!tpu.dma_semaphore, #tpu.memory_space<semaphore_mem>> -> memref<!tpu.dma_semaphore, #tpu.memory_space<semaphore_mem>>
    tpu.wait_indirect_dma semaphore(%dma_wait3A_304 : memref<!tpu.dma_semaphore, #tpu.memory_space<semaphore_mem>>) src(%dma_wait3A_302 : memref<1000x64xf32, #tpu.memory_space<hbm>>) dst(%dma_wait3A_296 : memref<128x64xf32, #tpu.memory_space<vmem>>)
    %add3A_305 = arith.constant 7680 : i32
    %add3A_306 = arith.addi %mul3A_4, %add3A_305 : i32
    %dma_start3A_307 = arith.constant 4 : i32
    %dma_start3A_308 = arith.constant 4 : i32
    %dma_start3A_309 = arith.constant 0 : i32
    %dma_start3A_310 = arith.constant 0 : i32
    %dma_start3A_311 = tpu.memref_slice %arg11[%dma_start3A_307, %dma_start3A_309, %dma_start3A_310] : memref<8x128x64xf32, #tpu.memory_space<vmem>> -> memref<1x128x64xf32, #tpu.memory_space<vmem>>
    %dma_start3A_312 = tpu.memref_squeeze %dma_start3A_311 : memref<1x128x64xf32, #tpu.memory_space<vmem>> -> memref<128x64xf32, #tpu.memory_space<vmem>>
    %dma_start3A_313 = arith.constant 0 : i32
    %dma_start3A_314 = tpu.memref_slice %arg7[%add3A_306, %dma_start3A_313] : memref<262144x64xf32, #tpu.memory_space<hbm>> -> memref<128x64xf32, #tpu.memory_space<hbm>>
    %dma_start3A_315 = tpu.memref_slice %arg15[%dma_start3A_308] : memref<8x!tpu.dma_semaphore, #tpu.memory_space<semaphore_mem>> -> memref<1x!tpu.dma_semaphore, #tpu.memory_space<semaphore_mem>>
    %dma_start3A_316 = tpu.memref_squeeze %dma_start3A_315 : memref<1x!tpu.dma_semaphore, #tpu.memory_space<semaphore_mem>> -> memref<!tpu.dma_semaphore, #tpu.memory_space<semaphore_mem>>
    %dma_start3A_317 = arith.constant 0 : i32
    %dma_start3A_318 = tpu.memref_slice %arg7[%add3A_306, %dma_start3A_317] : memref<262144x64xf32, #tpu.memory_space<hbm>> -> memref<128x64xf32, #tpu.memory_space<hbm>>
    %dma_start3A_319 = arith.constant 0 : i32
    %dma_start3A_320 = arith.constant 0 : i32
    %dma_start3A_321 = tpu.memref_slice %arg11[%dma_start3A_307, %dma_start3A_319, %dma_start3A_320] : memref<8x128x64xf32, #tpu.memory_space<vmem>> -> memref<1x128x64xf32, #tpu.memory_space<vmem>>
    %dma_start3A_322 = tpu.memref_squeeze %dma_start3A_321 : memref<1x128x64xf32, #tpu.memory_space<vmem>> -> memref<128x64xf32, #tpu.memory_space<vmem>>
    tpu.enqueue_dma source(%dma_start3A_322 : memref<128x64xf32, #tpu.memory_space<vmem>>) target(%dma_start3A_318 : memref<128x64xf32, #tpu.memory_space<hbm>>) target_semaphore(%dma_start3A_316 : memref<!tpu.dma_semaphore, #tpu.memory_space<semaphore_mem>>)
    %dma_wait3A_323 = arith.constant 61 : i32
    %dma_wait3A_324 = arith.constant 5 : i32
    %dma_wait3A_325 = arith.constant 5 : i32
    %dma_wait3A_326 = arith.constant 0 : i32
    %dma_wait3A_327 = arith.constant 0 : i32
    %dma_wait3A_328 = tpu.memref_slice %arg11[%dma_wait3A_324, %dma_wait3A_326, %dma_wait3A_327] : memref<8x128x64xf32, #tpu.memory_space<vmem>> -> memref<1x128x64xf32, #tpu.memory_space<vmem>>
    %dma_wait3A_329 = tpu.memref_squeeze %dma_wait3A_328 : memref<1x128x64xf32, #tpu.memory_space<vmem>> -> memref<128x64xf32, #tpu.memory_space<vmem>>
    %dma_wait3A_330 = arith.constant 0 : i32
    %dma_wait3A_331 = tpu.memref_slice %arg9[%dma_wait3A_323, %dma_wait3A_330] : memref<64x128xi32, #tpu.memory_space<vmem>> -> memref<1x128xi32, #tpu.memory_space<vmem>>
    %dma_wait3A_332 = tpu.memref_squeeze %dma_wait3A_331 : memref<1x128xi32, #tpu.memory_space<vmem>> -> memref<128xi32, #tpu.memory_space<vmem>>
    %dma_wait3A_333 = arith.constant 0 : i32
    %dma_wait3A_334 = arith.constant 0 : i32
    %dma_wait3A_335 = tpu.memref_slice %arg4[%dma_wait3A_333, %dma_wait3A_334] : memref<1000x64xf32, #tpu.memory_space<hbm>> -> memref<1000x64xf32, #tpu.memory_space<hbm>>
    %dma_wait3A_336 = tpu.memref_slice %arg14[%dma_wait3A_325] : memref<8x!tpu.dma_semaphore, #tpu.memory_space<semaphore_mem>> -> memref<1x!tpu.dma_semaphore, #tpu.memory_space<semaphore_mem>>
    %dma_wait3A_337 = tpu.memref_squeeze %dma_wait3A_336 : memref<1x!tpu.dma_semaphore, #tpu.memory_space<semaphore_mem>> -> memref<!tpu.dma_semaphore, #tpu.memory_space<semaphore_mem>>
    tpu.wait_indirect_dma semaphore(%dma_wait3A_337 : memref<!tpu.dma_semaphore, #tpu.memory_space<semaphore_mem>>) src(%dma_wait3A_335 : memref<1000x64xf32, #tpu.memory_space<hbm>>) dst(%dma_wait3A_329 : memref<128x64xf32, #tpu.memory_space<vmem>>)
    %add3A_338 = arith.constant 7808 : i32
    %add3A_339 = arith.addi %mul3A_4, %add3A_338 : i32
    %dma_start3A_340 = arith.constant 5 : i32
    %dma_start3A_341 = arith.constant 5 : i32
    %dma_start3A_342 = arith.constant 0 : i32
    %dma_start3A_343 = arith.constant 0 : i32
    %dma_start3A_344 = tpu.memref_slice %arg11[%dma_start3A_340, %dma_start3A_342, %dma_start3A_343] : memref<8x128x64xf32, #tpu.memory_space<vmem>> -> memref<1x128x64xf32, #tpu.memory_space<vmem>>
    %dma_start3A_345 = tpu.memref_squeeze %dma_start3A_344 : memref<1x128x64xf32, #tpu.memory_space<vmem>> -> memref<128x64xf32, #tpu.memory_space<vmem>>
    %dma_start3A_346 = arith.constant 0 : i32
    %dma_start3A_347 = tpu.memref_slice %arg7[%add3A_339, %dma_start3A_346] : memref<262144x64xf32, #tpu.memory_space<hbm>> -> memref<128x64xf32, #tpu.memory_space<hbm>>
    %dma_start3A_348 = tpu.memref_slice %arg15[%dma_start3A_341] : memref<8x!tpu.dma_semaphore, #tpu.memory_space<semaphore_mem>> -> memref<1x!tpu.dma_semaphore, #tpu.memory_space<semaphore_mem>>
    %dma_start3A_349 = tpu.memref_squeeze %dma_start3A_348 : memref<1x!tpu.dma_semaphore, #tpu.memory_space<semaphore_mem>> -> memref<!tpu.dma_semaphore, #tpu.memory_space<semaphore_mem>>
    %dma_start3A_350 = arith.constant 0 : i32
    %dma_start3A_351 = tpu.memref_slice %arg7[%add3A_339, %dma_start3A_350] : memref<262144x64xf32, #tpu.memory_space<hbm>> -> memref<128x64xf32, #tpu.memory_space<hbm>>
    %dma_start3A_352 = arith.constant 0 : i32
    %dma_start3A_353 = arith.constant 0 : i32
    %dma_start3A_354 = tpu.memref_slice %arg11[%dma_start3A_340, %dma_start3A_352, %dma_start3A_353] : memref<8x128x64xf32, #tpu.memory_space<vmem>> -> memref<1x128x64xf32, #tpu.memory_space<vmem>>
    %dma_start3A_355 = tpu.memref_squeeze %dma_start3A_354 : memref<1x128x64xf32, #tpu.memory_space<vmem>> -> memref<128x64xf32, #tpu.memory_space<vmem>>
    tpu.enqueue_dma source(%dma_start3A_355 : memref<128x64xf32, #tpu.memory_space<vmem>>) target(%dma_start3A_351 : memref<128x64xf32, #tpu.memory_space<hbm>>) target_semaphore(%dma_start3A_349 : memref<!tpu.dma_semaphore, #tpu.memory_space<semaphore_mem>>)
    %dma_wait3A_356 = arith.constant 62 : i32
    %dma_wait3A_357 = arith.constant 6 : i32
    %dma_wait3A_358 = arith.constant 6 : i32
    %dma_wait3A_359 = arith.constant 0 : i32
    %dma_wait3A_360 = arith.constant 0 : i32
    %dma_wait3A_361 = tpu.memref_slice %arg11[%dma_wait3A_357, %dma_wait3A_359, %dma_wait3A_360] : memref<8x128x64xf32, #tpu.memory_space<vmem>> -> memref<1x128x64xf32, #tpu.memory_space<vmem>>
    %dma_wait3A_362 = tpu.memref_squeeze %dma_wait3A_361 : memref<1x128x64xf32, #tpu.memory_space<vmem>> -> memref<128x64xf32, #tpu.memory_space<vmem>>
    %dma_wait3A_363 = arith.constant 0 : i32
    %dma_wait3A_364 = tpu.memref_slice %arg9[%dma_wait3A_356, %dma_wait3A_363] : memref<64x128xi32, #tpu.memory_space<vmem>> -> memref<1x128xi32, #tpu.memory_space<vmem>>
    %dma_wait3A_365 = tpu.memref_squeeze %dma_wait3A_364 : memref<1x128xi32, #tpu.memory_space<vmem>> -> memref<128xi32, #tpu.memory_space<vmem>>
    %dma_wait3A_366 = arith.constant 0 : i32
    %dma_wait3A_367 = arith.constant 0 : i32
    %dma_wait3A_368 = tpu.memref_slice %arg4[%dma_wait3A_366, %dma_wait3A_367] : memref<1000x64xf32, #tpu.memory_space<hbm>> -> memref<1000x64xf32, #tpu.memory_space<hbm>>
    %dma_wait3A_369 = tpu.memref_slice %arg14[%dma_wait3A_358] : memref<8x!tpu.dma_semaphore, #tpu.memory_space<semaphore_mem>> -> memref<1x!tpu.dma_semaphore, #tpu.memory_space<semaphore_mem>>
    %dma_wait3A_370 = tpu.memref_squeeze %dma_wait3A_369 : memref<1x!tpu.dma_semaphore, #tpu.memory_space<semaphore_mem>> -> memref<!tpu.dma_semaphore, #tpu.memory_space<semaphore_mem>>
    tpu.wait_indirect_dma semaphore(%dma_wait3A_370 : memref<!tpu.dma_semaphore, #tpu.memory_space<semaphore_mem>>) src(%dma_wait3A_368 : memref<1000x64xf32, #tpu.memory_space<hbm>>) dst(%dma_wait3A_362 : memref<128x64xf32, #tpu.memory_space<vmem>>)
    %add3A_371 = arith.constant 7936 : i32
    %add3A_372 = arith.addi %mul3A_4, %add3A_371 : i32
    %dma_start3A_373 = arith.constant 6 : i32
    %dma_start3A_374 = arith.constant 6 : i32
    %dma_start3A_375 = arith.constant 0 : i32
    %dma_start3A_376 = arith.constant 0 : i32
    %dma_start3A_377 = tpu.memref_slice %arg11[%dma_start3A_373, %dma_start3A_375, %dma_start3A_376] : memref<8x128x64xf32, #tpu.memory_space<vmem>> -> memref<1x128x64xf32, #tpu.memory_space<vmem>>
    %dma_start3A_378 = tpu.memref_squeeze %dma_start3A_377 : memref<1x128x64xf32, #tpu.memory_space<vmem>> -> memref<128x64xf32, #tpu.memory_space<vmem>>
    %dma_start3A_379 = arith.constant 0 : i32
    %dma_start3A_380 = tpu.memref_slice %arg7[%add3A_372, %dma_start3A_379] : memref<262144x64xf32, #tpu.memory_space<hbm>> -> memref<128x64xf32, #tpu.memory_space<hbm>>
    %dma_start3A_381 = tpu.memref_slice %arg15[%dma_start3A_374] : memref<8x!tpu.dma_semaphore, #tpu.memory_space<semaphore_mem>> -> memref<1x!tpu.dma_semaphore, #tpu.memory_space<semaphore_mem>>
    %dma_start3A_382 = tpu.memref_squeeze %dma_start3A_381 : memref<1x!tpu.dma_semaphore, #tpu.memory_space<semaphore_mem>> -> memref<!tpu.dma_semaphore, #tpu.memory_space<semaphore_mem>>
    %dma_start3A_383 = arith.constant 0 : i32
    %dma_start3A_384 = tpu.memref_slice %arg7[%add3A_372, %dma_start3A_383] : memref<262144x64xf32, #tpu.memory_space<hbm>> -> memref<128x64xf32, #tpu.memory_space<hbm>>
    %dma_start3A_385 = arith.constant 0 : i32
    %dma_start3A_386 = arith.constant 0 : i32
    %dma_start3A_387 = tpu.memref_slice %arg11[%dma_start3A_373, %dma_start3A_385, %dma_start3A_386] : memref<8x128x64xf32, #tpu.memory_space<vmem>> -> memref<1x128x64xf32, #tpu.memory_space<vmem>>
    %dma_start3A_388 = tpu.memref_squeeze %dma_start3A_387 : memref<1x128x64xf32, #tpu.memory_space<vmem>> -> memref<128x64xf32, #tpu.memory_space<vmem>>
    tpu.enqueue_dma source(%dma_start3A_388 : memref<128x64xf32, #tpu.memory_space<vmem>>) target(%dma_start3A_384 : memref<128x64xf32, #tpu.memory_space<hbm>>) target_semaphore(%dma_start3A_382 : memref<!tpu.dma_semaphore, #tpu.memory_space<semaphore_mem>>)
    %dma_wait3A_389 = arith.constant 63 : i32
    %dma_wait3A_390 = arith.constant 7 : i32
    %dma_wait3A_391 = arith.constant 7 : i32
    %dma_wait3A_392 = arith.constant 0 : i32
    %dma_wait3A_393 = arith.constant 0 : i32
    %dma_wait3A_394 = tpu.memref_slice %arg11[%dma_wait3A_390, %dma_wait3A_392, %dma_wait3A_393] : memref<8x128x64xf32, #tpu.memory_space<vmem>> -> memref<1x128x64xf32, #tpu.memory_space<vmem>>
    %dma_wait3A_395 = tpu.memref_squeeze %dma_wait3A_394 : memref<1x128x64xf32, #tpu.memory_space<vmem>> -> memref<128x64xf32, #tpu.memory_space<vmem>>
    %dma_wait3A_396 = arith.constant 0 : i32
    %dma_wait3A_397 = tpu.memref_slice %arg9[%dma_wait3A_389, %dma_wait3A_396] : memref<64x128xi32, #tpu.memory_space<vmem>> -> memref<1x128xi32, #tpu.memory_space<vmem>>
    %dma_wait3A_398 = tpu.memref_squeeze %dma_wait3A_397 : memref<1x128xi32, #tpu.memory_space<vmem>> -> memref<128xi32, #tpu.memory_space<vmem>>
    %dma_wait3A_399 = arith.constant 0 : i32
    %dma_wait3A_400 = arith.constant 0 : i32
    %dma_wait3A_401 = tpu.memref_slice %arg4[%dma_wait3A_399, %dma_wait3A_400] : memref<1000x64xf32, #tpu.memory_space<hbm>> -> memref<1000x64xf32, #tpu.memory_space<hbm>>
    %dma_wait3A_402 = tpu.memref_slice %arg14[%dma_wait3A_391] : memref<8x!tpu.dma_semaphore, #tpu.memory_space<semaphore_mem>> -> memref<1x!tpu.dma_semaphore, #tpu.memory_space<semaphore_mem>>
    %dma_wait3A_403 = tpu.memref_squeeze %dma_wait3A_402 : memref<1x!tpu.dma_semaphore, #tpu.memory_space<semaphore_mem>> -> memref<!tpu.dma_semaphore, #tpu.memory_space<semaphore_mem>>
    tpu.wait_indirect_dma semaphore(%dma_wait3A_403 : memref<!tpu.dma_semaphore, #tpu.memory_space<semaphore_mem>>) src(%dma_wait3A_401 : memref<1000x64xf32, #tpu.memory_space<hbm>>) dst(%dma_wait3A_395 : memref<128x64xf32, #tpu.memory_space<vmem>>)
    %add3A_404 = arith.constant 8064 : i32
    %add3A_405 = arith.addi %mul3A_4, %add3A_404 : i32
    %dma_start3A_406 = arith.constant 7 : i32
    %dma_start3A_407 = arith.constant 7 : i32
    %dma_start3A_408 = arith.constant 0 : i32
    %dma_start3A_409 = arith.constant 0 : i32
    %dma_start3A_410 = tpu.memref_slice %arg11[%dma_start3A_406, %dma_start3A_408, %dma_start3A_409] : memref<8x128x64xf32, #tpu.memory_space<vmem>> -> memref<1x128x64xf32, #tpu.memory_space<vmem>>
    %dma_start3A_411 = tpu.memref_squeeze %dma_start3A_410 : memref<1x128x64xf32, #tpu.memory_space<vmem>> -> memref<128x64xf32, #tpu.memory_space<vmem>>
    %dma_start3A_412 = arith.constant 0 : i32
    %dma_start3A_413 = tpu.memref_slice %arg7[%add3A_405, %dma_start3A_412] : memref<262144x64xf32, #tpu.memory_space<hbm>> -> memref<128x64xf32, #tpu.memory_space<hbm>>
    %dma_start3A_414 = tpu.memref_slice %arg15[%dma_start3A_407] : memref<8x!tpu.dma_semaphore, #tpu.memory_space<semaphore_mem>> -> memref<1x!tpu.dma_semaphore, #tpu.memory_space<semaphore_mem>>
    %dma_start3A_415 = tpu.memref_squeeze %dma_start3A_414 : memref<1x!tpu.dma_semaphore, #tpu.memory_space<semaphore_mem>> -> memref<!tpu.dma_semaphore, #tpu.memory_space<semaphore_mem>>
    %dma_start3A_416 = arith.constant 0 : i32
    %dma_start3A_417 = tpu.memref_slice %arg7[%add3A_405, %dma_start3A_416] : memref<262144x64xf32, #tpu.memory_space<hbm>> -> memref<128x64xf32, #tpu.memory_space<hbm>>
    %dma_start3A_418 = arith.constant 0 : i32
    %dma_start3A_419 = arith.constant 0 : i32
    %dma_start3A_420 = tpu.memref_slice %arg11[%dma_start3A_406, %dma_start3A_418, %dma_start3A_419] : memref<8x128x64xf32, #tpu.memory_space<vmem>> -> memref<1x128x64xf32, #tpu.memory_space<vmem>>
    %dma_start3A_421 = tpu.memref_squeeze %dma_start3A_420 : memref<1x128x64xf32, #tpu.memory_space<vmem>> -> memref<128x64xf32, #tpu.memory_space<vmem>>
    tpu.enqueue_dma source(%dma_start3A_421 : memref<128x64xf32, #tpu.memory_space<vmem>>) target(%dma_start3A_417 : memref<128x64xf32, #tpu.memory_space<hbm>>) target_semaphore(%dma_start3A_415 : memref<!tpu.dma_semaphore, #tpu.memory_space<semaphore_mem>>)
    %add3A_422 = arith.constant 7168 : i32
    %add3A_423 = arith.addi %mul3A_4, %add3A_422 : i32
    %dma_wait3A_424 = arith.constant 0 : i32
    %dma_wait3A_425 = arith.constant 0 : i32
    %dma_wait3A_426 = arith.constant 0 : i32
    %dma_wait3A_427 = arith.constant 0 : i32
    %dma_wait3A_428 = tpu.memref_slice %arg11[%dma_wait3A_424, %dma_wait3A_426, %dma_wait3A_427] : memref<8x128x64xf32, #tpu.memory_space<vmem>> -> memref<1x128x64xf32, #tpu.memory_space<vmem>>
    %dma_wait3A_429 = tpu.memref_squeeze %dma_wait3A_428 : memref<1x128x64xf32, #tpu.memory_space<vmem>> -> memref<128x64xf32, #tpu.memory_space<vmem>>
    %dma_wait3A_430 = arith.constant 0 : i32
    %dma_wait3A_431 = tpu.memref_slice %arg7[%add3A_423, %dma_wait3A_430] : memref<262144x64xf32, #tpu.memory_space<hbm>> -> memref<128x64xf32, #tpu.memory_space<hbm>>
    %dma_wait3A_432 = tpu.memref_slice %arg15[%dma_wait3A_425] : memref<8x!tpu.dma_semaphore, #tpu.memory_space<semaphore_mem>> -> memref<1x!tpu.dma_semaphore, #tpu.memory_space<semaphore_mem>>
    %dma_wait3A_433 = tpu.memref_squeeze %dma_wait3A_432 : memref<1x!tpu.dma_semaphore, #tpu.memory_space<semaphore_mem>> -> memref<!tpu.dma_semaphore, #tpu.memory_space<semaphore_mem>>
    %dma_wait3A_434 = arith.constant 0 : i32
    %dma_wait3A_435 = tpu.memref_slice %arg7[%add3A_423, %dma_wait3A_434] : memref<262144x64xf32, #tpu.memory_space<hbm>> -> memref<128x64xf32, #tpu.memory_space<hbm>>
    %dma_wait3A_436 = arith.constant 0 : i32
    %dma_wait3A_437 = arith.constant 0 : i32
    %dma_wait3A_438 = tpu.memref_slice %arg11[%dma_wait3A_424, %dma_wait3A_436, %dma_wait3A_437] : memref<8x128x64xf32, #tpu.memory_space<vmem>> -> memref<1x128x64xf32, #tpu.memory_space<vmem>>
    %dma_wait3A_439 = tpu.memref_squeeze %dma_wait3A_438 : memref<1x128x64xf32, #tpu.memory_space<vmem>> -> memref<128x64xf32, #tpu.memory_space<vmem>>
    tpu.wait_dma2 semaphore(%dma_wait3A_433 : memref<!tpu.dma_semaphore, #tpu.memory_space<semaphore_mem>>) src(%dma_wait3A_439 : memref<128x64xf32, #tpu.memory_space<vmem>>) dst(%dma_wait3A_435 : memref<128x64xf32, #tpu.memory_space<hbm>>)
    %add3A_440 = arith.constant 7680 : i32
    %add3A_441 = arith.addi %mul3A_4, %add3A_440 : i32
    %dma_wait3A_442 = arith.constant 4 : i32
    %dma_wait3A_443 = arith.constant 4 : i32
    %dma_wait3A_444 = arith.constant 0 : i32
    %dma_wait3A_445 = arith.constant 0 : i32
    %dma_wait3A_446 = tpu.memref_slice %arg11[%dma_wait3A_442, %dma_wait3A_444, %dma_wait3A_445] : memref<8x128x64xf32, #tpu.memory_space<vmem>> -> memref<1x128x64xf32, #tpu.memory_space<vmem>>
    %dma_wait3A_447 = tpu.memref_squeeze %dma_wait3A_446 : memref<1x128x64xf32, #tpu.memory_space<vmem>> -> memref<128x64xf32, #tpu.memory_space<vmem>>
    %dma_wait3A_448 = arith.constant 0 : i32
    %dma_wait3A_449 = tpu.memref_slice %arg7[%add3A_441, %dma_wait3A_448] : memref<262144x64xf32, #tpu.memory_space<hbm>> -> memref<128x64xf32, #tpu.memory_space<hbm>>
    %dma_wait3A_450 = tpu.memref_slice %arg15[%dma_wait3A_443] : memref<8x!tpu.dma_semaphore, #tpu.memory_space<semaphore_mem>> -> memref<1x!tpu.dma_semaphore, #tpu.memory_space<semaphore_mem>>
    %dma_wait3A_451 = tpu.memref_squeeze %dma_wait3A_450 : memref<1x!tpu.dma_semaphore, #tpu.memory_space<semaphore_mem>> -> memref<!tpu.dma_semaphore, #tpu.memory_space<semaphore_mem>>
    %dma_wait3A_452 = arith.constant 0 : i32
    %dma_wait3A_453 = tpu.memref_slice %arg7[%add3A_441, %dma_wait3A_452] : memref<262144x64xf32, #tpu.memory_space<hbm>> -> memref<128x64xf32, #tpu.memory_space<hbm>>
    %dma_wait3A_454 = arith.constant 0 : i32
    %dma_wait3A_455 = arith.constant 0 : i32
    %dma_wait3A_456 = tpu.memref_slice %arg11[%dma_wait3A_442, %dma_wait3A_454, %dma_wait3A_455] : memref<8x128x64xf32, #tpu.memory_space<vmem>> -> memref<1x128x64xf32, #tpu.memory_space<vmem>>
    %dma_wait3A_457 = tpu.memref_squeeze %dma_wait3A_456 : memref<1x128x64xf32, #tpu.memory_space<vmem>> -> memref<128x64xf32, #tpu.memory_space<vmem>>
    tpu.wait_dma2 semaphore(%dma_wait3A_451 : memref<!tpu.dma_semaphore, #tpu.memory_space<semaphore_mem>>) src(%dma_wait3A_457 : memref<128x64xf32, #tpu.memory_space<vmem>>) dst(%dma_wait3A_453 : memref<128x64xf32, #tpu.memory_space<hbm>>)
    %add3A_458 = arith.constant 7296 : i32
    %add3A_459 = arith.addi %mul3A_4, %add3A_458 : i32
    %dma_wait3A_460 = arith.constant 1 : i32
    %dma_wait3A_461 = arith.constant 1 : i32
    %dma_wait3A_462 = arith.constant 0 : i32
    %dma_wait3A_463 = arith.constant 0 : i32
    %dma_wait3A_464 = tpu.memref_slice %arg11[%dma_wait3A_460, %dma_wait3A_462, %dma_wait3A_463] : memref<8x128x64xf32, #tpu.memory_space<vmem>> -> memref<1x128x64xf32, #tpu.memory_space<vmem>>
    %dma_wait3A_465 = tpu.memref_squeeze %dma_wait3A_464 : memref<1x128x64xf32, #tpu.memory_space<vmem>> -> memref<128x64xf32, #tpu.memory_space<vmem>>
    %dma_wait3A_466 = arith.constant 0 : i32
    %dma_wait3A_467 = tpu.memref_slice %arg7[%add3A_459, %dma_wait3A_466] : memref<262144x64xf32, #tpu.memory_space<hbm>> -> memref<128x64xf32, #tpu.memory_space<hbm>>
    %dma_wait3A_468 = tpu.memref_slice %arg15[%dma_wait3A_461] : memref<8x!tpu.dma_semaphore, #tpu.memory_space<semaphore_mem>> -> memref<1x!tpu.dma_semaphore, #tpu.memory_space<semaphore_mem>>
    %dma_wait3A_469 = tpu.memref_squeeze %dma_wait3A_468 : memref<1x!tpu.dma_semaphore, #tpu.memory_space<semaphore_mem>> -> memref<!tpu.dma_semaphore, #tpu.memory_space<semaphore_mem>>
    %dma_wait3A_470 = arith.constant 0 : i32
    %dma_wait3A_471 = tpu.memref_slice %arg7[%add3A_459, %dma_wait3A_470] : memref<262144x64xf32, #tpu.memory_space<hbm>> -> memref<128x64xf32, #tpu.memory_space<hbm>>
    %dma_wait3A_472 = arith.constant 0 : i32
    %dma_wait3A_473 = arith.constant 0 : i32
    %dma_wait3A_474 = tpu.memref_slice %arg11[%dma_wait3A_460, %dma_wait3A_472, %dma_wait3A_473] : memref<8x128x64xf32, #tpu.memory_space<vmem>> -> memref<1x128x64xf32, #tpu.memory_space<vmem>>
    %dma_wait3A_475 = tpu.memref_squeeze %dma_wait3A_474 : memref<1x128x64xf32, #tpu.memory_space<vmem>> -> memref<128x64xf32, #tpu.memory_space<vmem>>
    tpu.wait_dma2 semaphore(%dma_wait3A_469 : memref<!tpu.dma_semaphore, #tpu.memory_space<semaphore_mem>>) src(%dma_wait3A_475 : memref<128x64xf32, #tpu.memory_space<vmem>>) dst(%dma_wait3A_471 : memref<128x64xf32, #tpu.memory_space<hbm>>)
    %add3A_476 = arith.constant 7808 : i32
    %add3A_477 = arith.addi %mul3A_4, %add3A_476 : i32
    %dma_wait3A_478 = arith.constant 5 : i32
    %dma_wait3A_479 = arith.constant 5 : i32
    %dma_wait3A_480 = arith.constant 0 : i32
    %dma_wait3A_481 = arith.constant 0 : i32
    %dma_wait3A_482 = tpu.memref_slice %arg11[%dma_wait3A_478, %dma_wait3A_480, %dma_wait3A_481] : memref<8x128x64xf32, #tpu.memory_space<vmem>> -> memref<1x128x64xf32, #tpu.memory_space<vmem>>
    %dma_wait3A_483 = tpu.memref_squeeze %dma_wait3A_482 : memref<1x128x64xf32, #tpu.memory_space<vmem>> -> memref<128x64xf32, #tpu.memory_space<vmem>>
    %dma_wait3A_484 = arith.constant 0 : i32
    %dma_wait3A_485 = tpu.memref_slice %arg7[%add3A_477, %dma_wait3A_484] : memref<262144x64xf32, #tpu.memory_space<hbm>> -> memref<128x64xf32, #tpu.memory_space<hbm>>
    %dma_wait3A_486 = tpu.memref_slice %arg15[%dma_wait3A_479] : memref<8x!tpu.dma_semaphore, #tpu.memory_space<semaphore_mem>> -> memref<1x!tpu.dma_semaphore, #tpu.memory_space<semaphore_mem>>
    %dma_wait3A_487 = tpu.memref_squeeze %dma_wait3A_486 : memref<1x!tpu.dma_semaphore, #tpu.memory_space<semaphore_mem>> -> memref<!tpu.dma_semaphore, #tpu.memory_space<semaphore_mem>>
    %dma_wait3A_488 = arith.constant 0 : i32
    %dma_wait3A_489 = tpu.memref_slice %arg7[%add3A_477, %dma_wait3A_488] : memref<262144x64xf32, #tpu.memory_space<hbm>> -> memref<128x64xf32, #tpu.memory_space<hbm>>
    %dma_wait3A_490 = arith.constant 0 : i32
    %dma_wait3A_491 = arith.constant 0 : i32
    %dma_wait3A_492 = tpu.memref_slice %arg11[%dma_wait3A_478, %dma_wait3A_490, %dma_wait3A_491] : memref<8x128x64xf32, #tpu.memory_space<vmem>> -> memref<1x128x64xf32, #tpu.memory_space<vmem>>
    %dma_wait3A_493 = tpu.memref_squeeze %dma_wait3A_492 : memref<1x128x64xf32, #tpu.memory_space<vmem>> -> memref<128x64xf32, #tpu.memory_space<vmem>>
    tpu.wait_dma2 semaphore(%dma_wait3A_487 : memref<!tpu.dma_semaphore, #tpu.memory_space<semaphore_mem>>) src(%dma_wait3A_493 : memref<128x64xf32, #tpu.memory_space<vmem>>) dst(%dma_wait3A_489 : memref<128x64xf32, #tpu.memory_space<hbm>>)
    %add3A_494 = arith.constant 7424 : i32
    %add3A_495 = arith.addi %mul3A_4, %add3A_494 : i32
    %dma_wait3A_496 = arith.constant 2 : i32
    %dma_wait3A_497 = arith.constant 2 : i32
    %dma_wait3A_498 = arith.constant 0 : i32
    %dma_wait3A_499 = arith.constant 0 : i32
    %dma_wait3A_500 = tpu.memref_slice %arg11[%dma_wait3A_496, %dma_wait3A_498, %dma_wait3A_499] : memref<8x128x64xf32, #tpu.memory_space<vmem>> -> memref<1x128x64xf32, #tpu.memory_space<vmem>>
    %dma_wait3A_501 = tpu.memref_squeeze %dma_wait3A_500 : memref<1x128x64xf32, #tpu.memory_space<vmem>> -> memref<128x64xf32, #tpu.memory_space<vmem>>
    %dma_wait3A_502 = arith.constant 0 : i32
    %dma_wait3A_503 = tpu.memref_slice %arg7[%add3A_495, %dma_wait3A_502] : memref<262144x64xf32, #tpu.memory_space<hbm>> -> memref<128x64xf32, #tpu.memory_space<hbm>>
    %dma_wait3A_504 = tpu.memref_slice %arg15[%dma_wait3A_497] : memref<8x!tpu.dma_semaphore, #tpu.memory_space<semaphore_mem>> -> memref<1x!tpu.dma_semaphore, #tpu.memory_space<semaphore_mem>>
    %dma_wait3A_505 = tpu.memref_squeeze %dma_wait3A_504 : memref<1x!tpu.dma_semaphore, #tpu.memory_space<semaphore_mem>> -> memref<!tpu.dma_semaphore, #tpu.memory_space<semaphore_mem>>
    %dma_wait3A_506 = arith.constant 0 : i32
    %dma_wait3A_507 = tpu.memref_slice %arg7[%add3A_495, %dma_wait3A_506] : memref<262144x64xf32, #tpu.memory_space<hbm>> -> memref<128x64xf32, #tpu.memory_space<hbm>>
    %dma_wait3A_508 = arith.constant 0 : i32
    %dma_wait3A_509 = arith.constant 0 : i32
    %dma_wait3A_510 = tpu.memref_slice %arg11[%dma_wait3A_496, %dma_wait3A_508, %dma_wait3A_509] : memref<8x128x64xf32, #tpu.memory_space<vmem>> -> memref<1x128x64xf32, #tpu.memory_space<vmem>>
    %dma_wait3A_511 = tpu.memref_squeeze %dma_wait3A_510 : memref<1x128x64xf32, #tpu.memory_space<vmem>> -> memref<128x64xf32, #tpu.memory_space<vmem>>
    tpu.wait_dma2 semaphore(%dma_wait3A_505 : memref<!tpu.dma_semaphore, #tpu.memory_space<semaphore_mem>>) src(%dma_wait3A_511 : memref<128x64xf32, #tpu.memory_space<vmem>>) dst(%dma_wait3A_507 : memref<128x64xf32, #tpu.memory_space<hbm>>)
    %add3A_512 = arith.constant 7936 : i32
    %add3A_513 = arith.addi %mul3A_4, %add3A_512 : i32
    %dma_wait3A_514 = arith.constant 6 : i32
    %dma_wait3A_515 = arith.constant 6 : i32
    %dma_wait3A_516 = arith.constant 0 : i32
    %dma_wait3A_517 = arith.constant 0 : i32
    %dma_wait3A_518 = tpu.memref_slice %arg11[%dma_wait3A_514, %dma_wait3A_516, %dma_wait3A_517] : memref<8x128x64xf32, #tpu.memory_space<vmem>> -> memref<1x128x64xf32, #tpu.memory_space<vmem>>
    %dma_wait3A_519 = tpu.memref_squeeze %dma_wait3A_518 : memref<1x128x64xf32, #tpu.memory_space<vmem>> -> memref<128x64xf32, #tpu.memory_space<vmem>>
    %dma_wait3A_520 = arith.constant 0 : i32
    %dma_wait3A_521 = tpu.memref_slice %arg7[%add3A_513, %dma_wait3A_520] : memref<262144x64xf32, #tpu.memory_space<hbm>> -> memref<128x64xf32, #tpu.memory_space<hbm>>
    %dma_wait3A_522 = tpu.memref_slice %arg15[%dma_wait3A_515] : memref<8x!tpu.dma_semaphore, #tpu.memory_space<semaphore_mem>> -> memref<1x!tpu.dma_semaphore, #tpu.memory_space<semaphore_mem>>
    %dma_wait3A_523 = tpu.memref_squeeze %dma_wait3A_522 : memref<1x!tpu.dma_semaphore, #tpu.memory_space<semaphore_mem>> -> memref<!tpu.dma_semaphore, #tpu.memory_space<semaphore_mem>>
    %dma_wait3A_524 = arith.constant 0 : i32
    %dma_wait3A_525 = tpu.memref_slice %arg7[%add3A_513, %dma_wait3A_524] : memref<262144x64xf32, #tpu.memory_space<hbm>> -> memref<128x64xf32, #tpu.memory_space<hbm>>
    %dma_wait3A_526 = arith.constant 0 : i32
    %dma_wait3A_527 = arith.constant 0 : i32
    %dma_wait3A_528 = tpu.memref_slice %arg11[%dma_wait3A_514, %dma_wait3A_526, %dma_wait3A_527] : memref<8x128x64xf32, #tpu.memory_space<vmem>> -> memref<1x128x64xf32, #tpu.memory_space<vmem>>
    %dma_wait3A_529 = tpu.memref_squeeze %dma_wait3A_528 : memref<1x128x64xf32, #tpu.memory_space<vmem>> -> memref<128x64xf32, #tpu.memory_space<vmem>>
    tpu.wait_dma2 semaphore(%dma_wait3A_523 : memref<!tpu.dma_semaphore, #tpu.memory_space<semaphore_mem>>) src(%dma_wait3A_529 : memref<128x64xf32, #tpu.memory_space<vmem>>) dst(%dma_wait3A_525 : memref<128x64xf32, #tpu.memory_space<hbm>>)
    %add3A_530 = arith.constant 7552 : i32
    %add3A_531 = arith.addi %mul3A_4, %add3A_530 : i32
    %dma_wait3A_532 = arith.constant 3 : i32
    %dma_wait3A_533 = arith.constant 3 : i32
    %dma_wait3A_534 = arith.constant 0 : i32
    %dma_wait3A_535 = arith.constant 0 : i32
    %dma_wait3A_536 = tpu.memref_slice %arg11[%dma_wait3A_532, %dma_wait3A_534, %dma_wait3A_535] : memref<8x128x64xf32, #tpu.memory_space<vmem>> -> memref<1x128x64xf32, #tpu.memory_space<vmem>>
    %dma_wait3A_537 = tpu.memref_squeeze %dma_wait3A_536 : memref<1x128x64xf32, #tpu.memory_space<vmem>> -> memref<128x64xf32, #tpu.memory_space<vmem>>
    %dma_wait3A_538 = arith.constant 0 : i32
    %dma_wait3A_539 = tpu.memref_slice %arg7[%add3A_531, %dma_wait3A_538] : memref<262144x64xf32, #tpu.memory_space<hbm>> -> memref<128x64xf32, #tpu.memory_space<hbm>>
    %dma_wait3A_540 = tpu.memref_slice %arg15[%dma_wait3A_533] : memref<8x!tpu.dma_semaphore, #tpu.memory_space<semaphore_mem>> -> memref<1x!tpu.dma_semaphore, #tpu.memory_space<semaphore_mem>>
    %dma_wait3A_541 = tpu.memref_squeeze %dma_wait3A_540 : memref<1x!tpu.dma_semaphore, #tpu.memory_space<semaphore_mem>> -> memref<!tpu.dma_semaphore, #tpu.memory_space<semaphore_mem>>
    %dma_wait3A_542 = arith.constant 0 : i32
    %dma_wait3A_543 = tpu.memref_slice %arg7[%add3A_531, %dma_wait3A_542] : memref<262144x64xf32, #tpu.memory_space<hbm>> -> memref<128x64xf32, #tpu.memory_space<hbm>>
    %dma_wait3A_544 = arith.constant 0 : i32
    %dma_wait3A_545 = arith.constant 0 : i32
    %dma_wait3A_546 = tpu.memref_slice %arg11[%dma_wait3A_532, %dma_wait3A_544, %dma_wait3A_545] : memref<8x128x64xf32, #tpu.memory_space<vmem>> -> memref<1x128x64xf32, #tpu.memory_space<vmem>>
    %dma_wait3A_547 = tpu.memref_squeeze %dma_wait3A_546 : memref<1x128x64xf32, #tpu.memory_space<vmem>> -> memref<128x64xf32, #tpu.memory_space<vmem>>
    tpu.wait_dma2 semaphore(%dma_wait3A_541 : memref<!tpu.dma_semaphore, #tpu.memory_space<semaphore_mem>>) src(%dma_wait3A_547 : memref<128x64xf32, #tpu.memory_space<vmem>>) dst(%dma_wait3A_543 : memref<128x64xf32, #tpu.memory_space<hbm>>)
    %add3A_548 = arith.constant 8064 : i32
    %add3A_549 = arith.addi %mul3A_4, %add3A_548 : i32
    %dma_wait3A_550 = arith.constant 7 : i32
    %dma_wait3A_551 = arith.constant 7 : i32
    %dma_wait3A_552 = arith.constant 0 : i32
    %dma_wait3A_553 = arith.constant 0 : i32
    %dma_wait3A_554 = tpu.memref_slice %arg11[%dma_wait3A_550, %dma_wait3A_552, %dma_wait3A_553] : memref<8x128x64xf32, #tpu.memory_space<vmem>> -> memref<1x128x64xf32, #tpu.memory_space<vmem>>
    %dma_wait3A_555 = tpu.memref_squeeze %dma_wait3A_554 : memref<1x128x64xf32, #tpu.memory_space<vmem>> -> memref<128x64xf32, #tpu.memory_space<vmem>>
    %dma_wait3A_556 = arith.constant 0 : i32
    %dma_wait3A_557 = tpu.memref_slice %arg7[%add3A_549, %dma_wait3A_556] : memref<262144x64xf32, #tpu.memory_space<hbm>> -> memref<128x64xf32, #tpu.memory_space<hbm>>
    %dma_wait3A_558 = tpu.memref_slice %arg15[%dma_wait3A_551] : memref<8x!tpu.dma_semaphore, #tpu.memory_space<semaphore_mem>> -> memref<1x!tpu.dma_semaphore, #tpu.memory_space<semaphore_mem>>
    %dma_wait3A_559 = tpu.memref_squeeze %dma_wait3A_558 : memref<1x!tpu.dma_semaphore, #tpu.memory_space<semaphore_mem>> -> memref<!tpu.dma_semaphore, #tpu.memory_space<semaphore_mem>>
    %dma_wait3A_560 = arith.constant 0 : i32
    %dma_wait3A_561 = tpu.memref_slice %arg7[%add3A_549, %dma_wait3A_560] : memref<262144x64xf32, #tpu.memory_space<hbm>> -> memref<128x64xf32, #tpu.memory_space<hbm>>
    %dma_wait3A_562 = arith.constant 0 : i32
    %dma_wait3A_563 = arith.constant 0 : i32
    %dma_wait3A_564 = tpu.memref_slice %arg11[%dma_wait3A_550, %dma_wait3A_562, %dma_wait3A_563] : memref<8x128x64xf32, #tpu.memory_space<vmem>> -> memref<1x128x64xf32, #tpu.memory_space<vmem>>
    %dma_wait3A_565 = tpu.memref_squeeze %dma_wait3A_564 : memref<1x128x64xf32, #tpu.memory_space<vmem>> -> memref<128x64xf32, #tpu.memory_space<vmem>>
    tpu.wait_dma2 semaphore(%dma_wait3A_559 : memref<!tpu.dma_semaphore, #tpu.memory_space<semaphore_mem>>) src(%dma_wait3A_565 : memref<128x64xf32, #tpu.memory_space<vmem>>) dst(%dma_wait3A_561 : memref<128x64xf32, #tpu.memory_space<hbm>>)
    %dma_wait3A_566 = arith.constant 0 : i32
    %dma_wait3A_567 = arith.constant 0 : i32
    %dma_wait3A_568 = arith.constant 0 : i32
    %dma_wait3A_569 = arith.constant 0 : i32
    %dma_wait3A_570 = arith.constant 0 : i32
    %dma_wait3A_571 = tpu.memref_slice %arg10[%dma_wait3A_567, %dma_wait3A_569, %dma_wait3A_570] : memref<2x128x128xf32, #tpu.memory_space<vmem>> -> memref<1x128x128xf32, #tpu.memory_space<vmem>>
    %dma_wait3A_572 = tpu.memref_squeeze %dma_wait3A_571 : memref<1x128x128xf32, #tpu.memory_space<vmem>> -> memref<128x128xf32, #tpu.memory_space<vmem>>
    %dma_wait3A_573 = arith.constant 0 : i32
    %dma_wait3A_574 = tpu.memref_slice %arg8[%dma_wait3A_566, %dma_wait3A_573] : memref<4x128xi32, #tpu.memory_space<vmem>> -> memref<1x128xi32, #tpu.memory_space<vmem>>
    %dma_wait3A_575 = tpu.memref_squeeze %dma_wait3A_574 : memref<1x128xi32, #tpu.memory_space<vmem>> -> memref<128xi32, #tpu.memory_space<vmem>>
    %dma_wait3A_576 = arith.constant 0 : i32
    %dma_wait3A_577 = arith.constant 0 : i32
    %dma_wait3A_578 = tpu.memref_slice %arg2[%dma_wait3A_576, %dma_wait3A_577] : memref<100000x128xf32, #tpu.memory_space<hbm>> -> memref<100000x128xf32, #tpu.memory_space<hbm>>
    %dma_wait3A_579 = tpu.memref_slice %arg12[%dma_wait3A_568] : memref<2x!tpu.dma_semaphore, #tpu.memory_space<semaphore_mem>> -> memref<1x!tpu.dma_semaphore, #tpu.memory_space<semaphore_mem>>
    %dma_wait3A_580 = tpu.memref_squeeze %dma_wait3A_579 : memref<1x!tpu.dma_semaphore, #tpu.memory_space<semaphore_mem>> -> memref<!tpu.dma_semaphore, #tpu.memory_space<semaphore_mem>>
    tpu.wait_indirect_dma semaphore(%dma_wait3A_580 : memref<!tpu.dma_semaphore, #tpu.memory_space<semaphore_mem>>) src(%dma_wait3A_578 : memref<100000x128xf32, #tpu.memory_space<hbm>>) dst(%dma_wait3A_572 : memref<128x128xf32, #tpu.memory_space<vmem>>)
    %add3A_581 = arith.constant 0 : i32
    %add3A_582 = arith.addi %mul3A_2, %add3A_581 : i32
    %dma_start3A_583 = arith.constant 0 : i32
    %dma_start3A_584 = arith.constant 0 : i32
    %dma_start3A_585 = arith.constant 0 : i32
    %dma_start3A_586 = arith.constant 0 : i32
    %dma_start3A_587 = tpu.memref_slice %arg10[%dma_start3A_583, %dma_start3A_585, %dma_start3A_586] : memref<2x128x128xf32, #tpu.memory_space<vmem>> -> memref<1x128x128xf32, #tpu.memory_space<vmem>>
    %dma_start3A_588 = tpu.memref_squeeze %dma_start3A_587 : memref<1x128x128xf32, #tpu.memory_space<vmem>> -> memref<128x128xf32, #tpu.memory_space<vmem>>
    %dma_start3A_589 = arith.constant 0 : i32
    %dma_start3A_590 = tpu.memref_slice %arg6[%add3A_582, %dma_start3A_589] : memref<16384x128xf32, #tpu.memory_space<hbm>> -> memref<128x128xf32, #tpu.memory_space<hbm>>
    %dma_start3A_591 = tpu.memref_slice %arg13[%dma_start3A_584] : memref<2x!tpu.dma_semaphore, #tpu.memory_space<semaphore_mem>> -> memref<1x!tpu.dma_semaphore, #tpu.memory_space<semaphore_mem>>
    %dma_start3A_592 = tpu.memref_squeeze %dma_start3A_591 : memref<1x!tpu.dma_semaphore, #tpu.memory_space<semaphore_mem>> -> memref<!tpu.dma_semaphore, #tpu.memory_space<semaphore_mem>>
    %dma_start3A_593 = arith.constant 0 : i32
    %dma_start3A_594 = tpu.memref_slice %arg6[%add3A_582, %dma_start3A_593] : memref<16384x128xf32, #tpu.memory_space<hbm>> -> memref<128x128xf32, #tpu.memory_space<hbm>>
    %dma_start3A_595 = arith.constant 0 : i32
    %dma_start3A_596 = arith.constant 0 : i32
    %dma_start3A_597 = tpu.memref_slice %arg10[%dma_start3A_583, %dma_start3A_595, %dma_start3A_596] : memref<2x128x128xf32, #tpu.memory_space<vmem>> -> memref<1x128x128xf32, #tpu.memory_space<vmem>>
    %dma_start3A_598 = tpu.memref_squeeze %dma_start3A_597 : memref<1x128x128xf32, #tpu.memory_space<vmem>> -> memref<128x128xf32, #tpu.memory_space<vmem>>
    tpu.enqueue_dma source(%dma_start3A_598 : memref<128x128xf32, #tpu.memory_space<vmem>>) target(%dma_start3A_594 : memref<128x128xf32, #tpu.memory_space<hbm>>) target_semaphore(%dma_start3A_592 : memref<!tpu.dma_semaphore, #tpu.memory_space<semaphore_mem>>)
    %add3A_599 = arith.constant 0 : i32
    %add3A_600 = arith.addi %mul3A_2, %add3A_599 : i32
    %dma_wait3A_601 = arith.constant 0 : i32
    %dma_wait3A_602 = arith.constant 0 : i32
    %dma_wait3A_603 = arith.constant 0 : i32
    %dma_wait3A_604 = arith.constant 0 : i32
    %dma_wait3A_605 = tpu.memref_slice %arg10[%dma_wait3A_601, %dma_wait3A_603, %dma_wait3A_604] : memref<2x128x128xf32, #tpu.memory_space<vmem>> -> memref<1x128x128xf32, #tpu.memory_space<vmem>>
    %dma_wait3A_606 = tpu.memref_squeeze %dma_wait3A_605 : memref<1x128x128xf32, #tpu.memory_space<vmem>> -> memref<128x128xf32, #tpu.memory_space<vmem>>
    %dma_wait3A_607 = arith.constant 0 : i32
    %dma_wait3A_608 = tpu.memref_slice %arg6[%add3A_600, %dma_wait3A_607] : memref<16384x128xf32, #tpu.memory_space<hbm>> -> memref<128x128xf32, #tpu.memory_space<hbm>>
    %dma_wait3A_609 = tpu.memref_slice %arg13[%dma_wait3A_602] : memref<2x!tpu.dma_semaphore, #tpu.memory_space<semaphore_mem>> -> memref<1x!tpu.dma_semaphore, #tpu.memory_space<semaphore_mem>>
    %dma_wait3A_610 = tpu.memref_squeeze %dma_wait3A_609 : memref<1x!tpu.dma_semaphore, #tpu.memory_space<semaphore_mem>> -> memref<!tpu.dma_semaphore, #tpu.memory_space<semaphore_mem>>
    %dma_wait3A_611 = arith.constant 0 : i32
    %dma_wait3A_612 = tpu.memref_slice %arg6[%add3A_600, %dma_wait3A_611] : memref<16384x128xf32, #tpu.memory_space<hbm>> -> memref<128x128xf32, #tpu.memory_space<hbm>>
    %dma_wait3A_613 = arith.constant 0 : i32
    %dma_wait3A_614 = arith.constant 0 : i32
    %dma_wait3A_615 = tpu.memref_slice %arg10[%dma_wait3A_601, %dma_wait3A_613, %dma_wait3A_614] : memref<2x128x128xf32, #tpu.memory_space<vmem>> -> memref<1x128x128xf32, #tpu.memory_space<vmem>>
    %dma_wait3A_616 = tpu.memref_squeeze %dma_wait3A_615 : memref<1x128x128xf32, #tpu.memory_space<vmem>> -> memref<128x128xf32, #tpu.memory_space<vmem>>
    tpu.wait_dma2 semaphore(%dma_wait3A_610 : memref<!tpu.dma_semaphore, #tpu.memory_space<semaphore_mem>>) src(%dma_wait3A_616 : memref<128x128xf32, #tpu.memory_space<vmem>>) dst(%dma_wait3A_612 : memref<128x128xf32, #tpu.memory_space<hbm>>)
    %dma_start3A_617 = arith.constant 2 : i32
    %dma_start3A_618 = arith.constant 0 : i32
    %dma_start3A_619 = arith.constant 0 : i32
    %dma_start3A_620 = arith.constant 0 : i32
    %dma_start3A_621 = arith.constant 0 : i32
    %dma_start3A_622 = tpu.memref_slice %arg10[%dma_start3A_618, %dma_start3A_620, %dma_start3A_621] : memref<2x128x128xf32, #tpu.memory_space<vmem>> -> memref<1x128x128xf32, #tpu.memory_space<vmem>>
    %dma_start3A_623 = tpu.memref_squeeze %dma_start3A_622 : memref<1x128x128xf32, #tpu.memory_space<vmem>> -> memref<128x128xf32, #tpu.memory_space<vmem>>
    %dma_start3A_624 = arith.constant 0 : i32
    %dma_start3A_625 = tpu.memref_slice %arg8[%dma_start3A_617, %dma_start3A_624] : memref<4x128xi32, #tpu.memory_space<vmem>> -> memref<1x128xi32, #tpu.memory_space<vmem>>
    %dma_start3A_626 = tpu.memref_squeeze %dma_start3A_625 : memref<1x128xi32, #tpu.memory_space<vmem>> -> memref<128xi32, #tpu.memory_space<vmem>>
    %dma_start3A_627 = arith.constant 0 : i32
    %dma_start3A_628 = arith.constant 0 : i32
    %dma_start3A_629 = tpu.memref_slice %arg2[%dma_start3A_627, %dma_start3A_628] : memref<100000x128xf32, #tpu.memory_space<hbm>> -> memref<100000x128xf32, #tpu.memory_space<hbm>>
    %dma_start3A_630 = tpu.memref_slice %arg12[%dma_start3A_619] : memref<2x!tpu.dma_semaphore, #tpu.memory_space<semaphore_mem>> -> memref<1x!tpu.dma_semaphore, #tpu.memory_space<semaphore_mem>>
    %dma_start3A_631 = tpu.memref_squeeze %dma_start3A_630 : memref<1x!tpu.dma_semaphore, #tpu.memory_space<semaphore_mem>> -> memref<!tpu.dma_semaphore, #tpu.memory_space<semaphore_mem>>
    tpu.enqueue_indirect_dma source(%dma_start3A_629 : memref<100000x128xf32, #tpu.memory_space<hbm>>) target(%dma_start3A_623 : memref<128x128xf32, #tpu.memory_space<vmem>>) offsets(%dma_start3A_626 : memref<128xi32, #tpu.memory_space<vmem>>) semaphore(%dma_start3A_631 : memref<!tpu.dma_semaphore, #tpu.memory_space<semaphore_mem>>)
    %dma_wait3A_632 = arith.constant 1 : i32
    %dma_wait3A_633 = arith.constant 1 : i32
    %dma_wait3A_634 = arith.constant 1 : i32
    %dma_wait3A_635 = arith.constant 0 : i32
    %dma_wait3A_636 = arith.constant 0 : i32
    %dma_wait3A_637 = tpu.memref_slice %arg10[%dma_wait3A_633, %dma_wait3A_635, %dma_wait3A_636] : memref<2x128x128xf32, #tpu.memory_space<vmem>> -> memref<1x128x128xf32, #tpu.memory_space<vmem>>
    %dma_wait3A_638 = tpu.memref_squeeze %dma_wait3A_637 : memref<1x128x128xf32, #tpu.memory_space<vmem>> -> memref<128x128xf32, #tpu.memory_space<vmem>>
    %dma_wait3A_639 = arith.constant 0 : i32
    %dma_wait3A_640 = tpu.memref_slice %arg8[%dma_wait3A_632, %dma_wait3A_639] : memref<4x128xi32, #tpu.memory_space<vmem>> -> memref<1x128xi32, #tpu.memory_space<vmem>>
    %dma_wait3A_641 = tpu.memref_squeeze %dma_wait3A_640 : memref<1x128xi32, #tpu.memory_space<vmem>> -> memref<128xi32, #tpu.memory_space<vmem>>
    %dma_wait3A_642 = arith.constant 0 : i32
    %dma_wait3A_643 = arith.constant 0 : i32
    %dma_wait3A_644 = tpu.memref_slice %arg2[%dma_wait3A_642, %dma_wait3A_643] : memref<100000x128xf32, #tpu.memory_space<hbm>> -> memref<100000x128xf32, #tpu.memory_space<hbm>>
    %dma_wait3A_645 = tpu.memref_slice %arg12[%dma_wait3A_634] : memref<2x!tpu.dma_semaphore, #tpu.memory_space<semaphore_mem>> -> memref<1x!tpu.dma_semaphore, #tpu.memory_space<semaphore_mem>>
    %dma_wait3A_646 = tpu.memref_squeeze %dma_wait3A_645 : memref<1x!tpu.dma_semaphore, #tpu.memory_space<semaphore_mem>> -> memref<!tpu.dma_semaphore, #tpu.memory_space<semaphore_mem>>
    tpu.wait_indirect_dma semaphore(%dma_wait3A_646 : memref<!tpu.dma_semaphore, #tpu.memory_space<semaphore_mem>>) src(%dma_wait3A_644 : memref<100000x128xf32, #tpu.memory_space<hbm>>) dst(%dma_wait3A_638 : memref<128x128xf32, #tpu.memory_space<vmem>>)
    %add3A_647 = arith.constant 128 : i32
    %add3A_648 = arith.addi %mul3A_2, %add3A_647 : i32
    %dma_start3A_649 = arith.constant 1 : i32
    %dma_start3A_650 = arith.constant 1 : i32
    %dma_start3A_651 = arith.constant 0 : i32
    %dma_start3A_652 = arith.constant 0 : i32
    %dma_start3A_653 = tpu.memref_slice %arg10[%dma_start3A_649, %dma_start3A_651, %dma_start3A_652] : memref<2x128x128xf32, #tpu.memory_space<vmem>> -> memref<1x128x128xf32, #tpu.memory_space<vmem>>
    %dma_start3A_654 = tpu.memref_squeeze %dma_start3A_653 : memref<1x128x128xf32, #tpu.memory_space<vmem>> -> memref<128x128xf32, #tpu.memory_space<vmem>>
    %dma_start3A_655 = arith.constant 0 : i32
    %dma_start3A_656 = tpu.memref_slice %arg6[%add3A_648, %dma_start3A_655] : memref<16384x128xf32, #tpu.memory_space<hbm>> -> memref<128x128xf32, #tpu.memory_space<hbm>>
    %dma_start3A_657 = tpu.memref_slice %arg13[%dma_start3A_650] : memref<2x!tpu.dma_semaphore, #tpu.memory_space<semaphore_mem>> -> memref<1x!tpu.dma_semaphore, #tpu.memory_space<semaphore_mem>>
    %dma_start3A_658 = tpu.memref_squeeze %dma_start3A_657 : memref<1x!tpu.dma_semaphore, #tpu.memory_space<semaphore_mem>> -> memref<!tpu.dma_semaphore, #tpu.memory_space<semaphore_mem>>
    %dma_start3A_659 = arith.constant 0 : i32
    %dma_start3A_660 = tpu.memref_slice %arg6[%add3A_648, %dma_start3A_659] : memref<16384x128xf32, #tpu.memory_space<hbm>> -> memref<128x128xf32, #tpu.memory_space<hbm>>
    %dma_start3A_661 = arith.constant 0 : i32
    %dma_start3A_662 = arith.constant 0 : i32
    %dma_start3A_663 = tpu.memref_slice %arg10[%dma_start3A_649, %dma_start3A_661, %dma_start3A_662] : memref<2x128x128xf32, #tpu.memory_space<vmem>> -> memref<1x128x128xf32, #tpu.memory_space<vmem>>
    %dma_start3A_664 = tpu.memref_squeeze %dma_start3A_663 : memref<1x128x128xf32, #tpu.memory_space<vmem>> -> memref<128x128xf32, #tpu.memory_space<vmem>>
    tpu.enqueue_dma source(%dma_start3A_664 : memref<128x128xf32, #tpu.memory_space<vmem>>) target(%dma_start3A_660 : memref<128x128xf32, #tpu.memory_space<hbm>>) target_semaphore(%dma_start3A_658 : memref<!tpu.dma_semaphore, #tpu.memory_space<semaphore_mem>>)
    %add3A_665 = arith.constant 128 : i32
    %add3A_666 = arith.addi %mul3A_2, %add3A_665 : i32
    %dma_wait3A_667 = arith.constant 1 : i32
    %dma_wait3A_668 = arith.constant 1 : i32
    %dma_wait3A_669 = arith.constant 0 : i32
    %dma_wait3A_670 = arith.constant 0 : i32
    %dma_wait3A_671 = tpu.memref_slice %arg10[%dma_wait3A_667, %dma_wait3A_669, %dma_wait3A_670] : memref<2x128x128xf32, #tpu.memory_space<vmem>> -> memref<1x128x128xf32, #tpu.memory_space<vmem>>
    %dma_wait3A_672 = tpu.memref_squeeze %dma_wait3A_671 : memref<1x128x128xf32, #tpu.memory_space<vmem>> -> memref<128x128xf32, #tpu.memory_space<vmem>>
    %dma_wait3A_673 = arith.constant 0 : i32
    %dma_wait3A_674 = tpu.memref_slice %arg6[%add3A_666, %dma_wait3A_673] : memref<16384x128xf32, #tpu.memory_space<hbm>> -> memref<128x128xf32, #tpu.memory_space<hbm>>
    %dma_wait3A_675 = tpu.memref_slice %arg13[%dma_wait3A_668] : memref<2x!tpu.dma_semaphore, #tpu.memory_space<semaphore_mem>> -> memref<1x!tpu.dma_semaphore, #tpu.memory_space<semaphore_mem>>
    %dma_wait3A_676 = tpu.memref_squeeze %dma_wait3A_675 : memref<1x!tpu.dma_semaphore, #tpu.memory_space<semaphore_mem>> -> memref<!tpu.dma_semaphore, #tpu.memory_space<semaphore_mem>>
    %dma_wait3A_677 = arith.constant 0 : i32
    %dma_wait3A_678 = tpu.memref_slice %arg6[%add3A_666, %dma_wait3A_677] : memref<16384x128xf32, #tpu.memory_space<hbm>> -> memref<128x128xf32, #tpu.memory_space<hbm>>
    %dma_wait3A_679 = arith.constant 0 : i32
    %dma_wait3A_680 = arith.constant 0 : i32
    %dma_wait3A_681 = tpu.memref_slice %arg10[%dma_wait3A_667, %dma_wait3A_679, %dma_wait3A_680] : memref<2x128x128xf32, #tpu.memory_space<vmem>> -> memref<1x128x128xf32, #tpu.memory_space<vmem>>
    %dma_wait3A_682 = tpu.memref_squeeze %dma_wait3A_681 : memref<1x128x128xf32, #tpu.memory_space<vmem>> -> memref<128x128xf32, #tpu.memory_space<vmem>>
    tpu.wait_dma2 semaphore(%dma_wait3A_676 : memref<!tpu.dma_semaphore, #tpu.memory_space<semaphore_mem>>) src(%dma_wait3A_682 : memref<128x128xf32, #tpu.memory_space<vmem>>) dst(%dma_wait3A_678 : memref<128x128xf32, #tpu.memory_space<hbm>>)
    %dma_start3A_683 = arith.constant 3 : i32
    %dma_start3A_684 = arith.constant 1 : i32
    %dma_start3A_685 = arith.constant 1 : i32
    %dma_start3A_686 = arith.constant 0 : i32
    %dma_start3A_687 = arith.constant 0 : i32
    %dma_start3A_688 = tpu.memref_slice %arg10[%dma_start3A_684, %dma_start3A_686, %dma_start3A_687] : memref<2x128x128xf32, #tpu.memory_space<vmem>> -> memref<1x128x128xf32, #tpu.memory_space<vmem>>
    %dma_start3A_689 = tpu.memref_squeeze %dma_start3A_688 : memref<1x128x128xf32, #tpu.memory_space<vmem>> -> memref<128x128xf32, #tpu.memory_space<vmem>>
    %dma_start3A_690 = arith.constant 0 : i32
    %dma_start3A_691 = tpu.memref_slice %arg8[%dma_start3A_683, %dma_start3A_690] : memref<4x128xi32, #tpu.memory_space<vmem>> -> memref<1x128xi32, #tpu.memory_space<vmem>>
    %dma_start3A_692 = tpu.memref_squeeze %dma_start3A_691 : memref<1x128xi32, #tpu.memory_space<vmem>> -> memref<128xi32, #tpu.memory_space<vmem>>
    %dma_start3A_693 = arith.constant 0 : i32
    %dma_start3A_694 = arith.constant 0 : i32
    %dma_start3A_695 = tpu.memref_slice %arg2[%dma_start3A_693, %dma_start3A_694] : memref<100000x128xf32, #tpu.memory_space<hbm>> -> memref<100000x128xf32, #tpu.memory_space<hbm>>
    %dma_start3A_696 = tpu.memref_slice %arg12[%dma_start3A_685] : memref<2x!tpu.dma_semaphore, #tpu.memory_space<semaphore_mem>> -> memref<1x!tpu.dma_semaphore, #tpu.memory_space<semaphore_mem>>
    %dma_start3A_697 = tpu.memref_squeeze %dma_start3A_696 : memref<1x!tpu.dma_semaphore, #tpu.memory_space<semaphore_mem>> -> memref<!tpu.dma_semaphore, #tpu.memory_space<semaphore_mem>>
    tpu.enqueue_indirect_dma source(%dma_start3A_695 : memref<100000x128xf32, #tpu.memory_space<hbm>>) target(%dma_start3A_689 : memref<128x128xf32, #tpu.memory_space<vmem>>) offsets(%dma_start3A_692 : memref<128xi32, #tpu.memory_space<vmem>>) semaphore(%dma_start3A_697 : memref<!tpu.dma_semaphore, #tpu.memory_space<semaphore_mem>>)
    %dma_wait3A_698 = arith.constant 2 : i32
    %dma_wait3A_699 = arith.constant 0 : i32
    %dma_wait3A_700 = arith.constant 0 : i32
    %dma_wait3A_701 = arith.constant 0 : i32
    %dma_wait3A_702 = arith.constant 0 : i32
    %dma_wait3A_703 = tpu.memref_slice %arg10[%dma_wait3A_699, %dma_wait3A_701, %dma_wait3A_702] : memref<2x128x128xf32, #tpu.memory_space<vmem>> -> memref<1x128x128xf32, #tpu.memory_space<vmem>>
    %dma_wait3A_704 = tpu.memref_squeeze %dma_wait3A_703 : memref<1x128x128xf32, #tpu.memory_space<vmem>> -> memref<128x128xf32, #tpu.memory_space<vmem>>
    %dma_wait3A_705 = arith.constant 0 : i32
    %dma_wait3A_706 = tpu.memref_slice %arg8[%dma_wait3A_698, %dma_wait3A_705] : memref<4x128xi32, #tpu.memory_space<vmem>> -> memref<1x128xi32, #tpu.memory_space<vmem>>
    %dma_wait3A_707 = tpu.memref_squeeze %dma_wait3A_706 : memref<1x128xi32, #tpu.memory_space<vmem>> -> memref<128xi32, #tpu.memory_space<vmem>>
    %dma_wait3A_708 = arith.constant 0 : i32
    %dma_wait3A_709 = arith.constant 0 : i32
    %dma_wait3A_710 = tpu.memref_slice %arg2[%dma_wait3A_708, %dma_wait3A_709] : memref<100000x128xf32, #tpu.memory_space<hbm>> -> memref<100000x128xf32, #tpu.memory_space<hbm>>
    %dma_wait3A_711 = tpu.memref_slice %arg12[%dma_wait3A_700] : memref<2x!tpu.dma_semaphore, #tpu.memory_space<semaphore_mem>> -> memref<1x!tpu.dma_semaphore, #tpu.memory_space<semaphore_mem>>
    %dma_wait3A_712 = tpu.memref_squeeze %dma_wait3A_711 : memref<1x!tpu.dma_semaphore, #tpu.memory_space<semaphore_mem>> -> memref<!tpu.dma_semaphore, #tpu.memory_space<semaphore_mem>>
    tpu.wait_indirect_dma semaphore(%dma_wait3A_712 : memref<!tpu.dma_semaphore, #tpu.memory_space<semaphore_mem>>) src(%dma_wait3A_710 : memref<100000x128xf32, #tpu.memory_space<hbm>>) dst(%dma_wait3A_704 : memref<128x128xf32, #tpu.memory_space<vmem>>)
    %add3A_713 = arith.constant 256 : i32
    %add3A_714 = arith.addi %mul3A_2, %add3A_713 : i32
    %dma_start3A_715 = arith.constant 0 : i32
    %dma_start3A_716 = arith.constant 0 : i32
    %dma_start3A_717 = arith.constant 0 : i32
    %dma_start3A_718 = arith.constant 0 : i32
    %dma_start3A_719 = tpu.memref_slice %arg10[%dma_start3A_715, %dma_start3A_717, %dma_start3A_718] : memref<2x128x128xf32, #tpu.memory_space<vmem>> -> memref<1x128x128xf32, #tpu.memory_space<vmem>>
    %dma_start3A_720 = tpu.memref_squeeze %dma_start3A_719 : memref<1x128x128xf32, #tpu.memory_space<vmem>> -> memref<128x128xf32, #tpu.memory_space<vmem>>
    %dma_start3A_721 = arith.constant 0 : i32
    %dma_start3A_722 = tpu.memref_slice %arg6[%add3A_714, %dma_start3A_721] : memref<16384x128xf32, #tpu.memory_space<hbm>> -> memref<128x128xf32, #tpu.memory_space<hbm>>
    %dma_start3A_723 = tpu.memref_slice %arg13[%dma_start3A_716] : memref<2x!tpu.dma_semaphore, #tpu.memory_space<semaphore_mem>> -> memref<1x!tpu.dma_semaphore, #tpu.memory_space<semaphore_mem>>
    %dma_start3A_724 = tpu.memref_squeeze %dma_start3A_723 : memref<1x!tpu.dma_semaphore, #tpu.memory_space<semaphore_mem>> -> memref<!tpu.dma_semaphore, #tpu.memory_space<semaphore_mem>>
    %dma_start3A_725 = arith.constant 0 : i32
    %dma_start3A_726 = tpu.memref_slice %arg6[%add3A_714, %dma_start3A_725] : memref<16384x128xf32, #tpu.memory_space<hbm>> -> memref<128x128xf32, #tpu.memory_space<hbm>>
    %dma_start3A_727 = arith.constant 0 : i32
    %dma_start3A_728 = arith.constant 0 : i32
    %dma_start3A_729 = tpu.memref_slice %arg10[%dma_start3A_715, %dma_start3A_727, %dma_start3A_728] : memref<2x128x128xf32, #tpu.memory_space<vmem>> -> memref<1x128x128xf32, #tpu.memory_space<vmem>>
    %dma_start3A_730 = tpu.memref_squeeze %dma_start3A_729 : memref<1x128x128xf32, #tpu.memory_space<vmem>> -> memref<128x128xf32, #tpu.memory_space<vmem>>
    tpu.enqueue_dma source(%dma_start3A_730 : memref<128x128xf32, #tpu.memory_space<vmem>>) target(%dma_start3A_726 : memref<128x128xf32, #tpu.memory_space<hbm>>) target_semaphore(%dma_start3A_724 : memref<!tpu.dma_semaphore, #tpu.memory_space<semaphore_mem>>)
    %dma_wait3A_731 = arith.constant 3 : i32
    %dma_wait3A_732 = arith.constant 1 : i32
    %dma_wait3A_733 = arith.constant 1 : i32
    %dma_wait3A_734 = arith.constant 0 : i32
    %dma_wait3A_735 = arith.constant 0 : i32
    %dma_wait3A_736 = tpu.memref_slice %arg10[%dma_wait3A_732, %dma_wait3A_734, %dma_wait3A_735] : memref<2x128x128xf32, #tpu.memory_space<vmem>> -> memref<1x128x128xf32, #tpu.memory_space<vmem>>
    %dma_wait3A_737 = tpu.memref_squeeze %dma_wait3A_736 : memref<1x128x128xf32, #tpu.memory_space<vmem>> -> memref<128x128xf32, #tpu.memory_space<vmem>>
    %dma_wait3A_738 = arith.constant 0 : i32
    %dma_wait3A_739 = tpu.memref_slice %arg8[%dma_wait3A_731, %dma_wait3A_738] : memref<4x128xi32, #tpu.memory_space<vmem>> -> memref<1x128xi32, #tpu.memory_space<vmem>>
    %dma_wait3A_740 = tpu.memref_squeeze %dma_wait3A_739 : memref<1x128xi32, #tpu.memory_space<vmem>> -> memref<128xi32, #tpu.memory_space<vmem>>
    %dma_wait3A_741 = arith.constant 0 : i32
    %dma_wait3A_742 = arith.constant 0 : i32
    %dma_wait3A_743 = tpu.memref_slice %arg2[%dma_wait3A_741, %dma_wait3A_742] : memref<100000x128xf32, #tpu.memory_space<hbm>> -> memref<100000x128xf32, #tpu.memory_space<hbm>>
    %dma_wait3A_744 = tpu.memref_slice %arg12[%dma_wait3A_733] : memref<2x!tpu.dma_semaphore, #tpu.memory_space<semaphore_mem>> -> memref<1x!tpu.dma_semaphore, #tpu.memory_space<semaphore_mem>>
    %dma_wait3A_745 = tpu.memref_squeeze %dma_wait3A_744 : memref<1x!tpu.dma_semaphore, #tpu.memory_space<semaphore_mem>> -> memref<!tpu.dma_semaphore, #tpu.memory_space<semaphore_mem>>
    tpu.wait_indirect_dma semaphore(%dma_wait3A_745 : memref<!tpu.dma_semaphore, #tpu.memory_space<semaphore_mem>>) src(%dma_wait3A_743 : memref<100000x128xf32, #tpu.memory_space<hbm>>) dst(%dma_wait3A_737 : memref<128x128xf32, #tpu.memory_space<vmem>>)
    %add3A_746 = arith.constant 384 : i32
    %add3A_747 = arith.addi %mul3A_2, %add3A_746 : i32
    %dma_start3A_748 = arith.constant 1 : i32
    %dma_start3A_749 = arith.constant 1 : i32
    %dma_start3A_750 = arith.constant 0 : i32
    %dma_start3A_751 = arith.constant 0 : i32
    %dma_start3A_752 = tpu.memref_slice %arg10[%dma_start3A_748, %dma_start3A_750, %dma_start3A_751] : memref<2x128x128xf32, #tpu.memory_space<vmem>> -> memref<1x128x128xf32, #tpu.memory_space<vmem>>
    %dma_start3A_753 = tpu.memref_squeeze %dma_start3A_752 : memref<1x128x128xf32, #tpu.memory_space<vmem>> -> memref<128x128xf32, #tpu.memory_space<vmem>>
    %dma_start3A_754 = arith.constant 0 : i32
    %dma_start3A_755 = tpu.memref_slice %arg6[%add3A_747, %dma_start3A_754] : memref<16384x128xf32, #tpu.memory_space<hbm>> -> memref<128x128xf32, #tpu.memory_space<hbm>>
    %dma_start3A_756 = tpu.memref_slice %arg13[%dma_start3A_749] : memref<2x!tpu.dma_semaphore, #tpu.memory_space<semaphore_mem>> -> memref<1x!tpu.dma_semaphore, #tpu.memory_space<semaphore_mem>>
    %dma_start3A_757 = tpu.memref_squeeze %dma_start3A_756 : memref<1x!tpu.dma_semaphore, #tpu.memory_space<semaphore_mem>> -> memref<!tpu.dma_semaphore, #tpu.memory_space<semaphore_mem>>
    %dma_start3A_758 = arith.constant 0 : i32
    %dma_start3A_759 = tpu.memref_slice %arg6[%add3A_747, %dma_start3A_758] : memref<16384x128xf32, #tpu.memory_space<hbm>> -> memref<128x128xf32, #tpu.memory_space<hbm>>
    %dma_start3A_760 = arith.constant 0 : i32
    %dma_start3A_761 = arith.constant 0 : i32
    %dma_start3A_762 = tpu.memref_slice %arg10[%dma_start3A_748, %dma_start3A_760, %dma_start3A_761] : memref<2x128x128xf32, #tpu.memory_space<vmem>> -> memref<1x128x128xf32, #tpu.memory_space<vmem>>
    %dma_start3A_763 = tpu.memref_squeeze %dma_start3A_762 : memref<1x128x128xf32, #tpu.memory_space<vmem>> -> memref<128x128xf32, #tpu.memory_space<vmem>>
    tpu.enqueue_dma source(%dma_start3A_763 : memref<128x128xf32, #tpu.memory_space<vmem>>) target(%dma_start3A_759 : memref<128x128xf32, #tpu.memory_space<hbm>>) target_semaphore(%dma_start3A_757 : memref<!tpu.dma_semaphore, #tpu.memory_space<semaphore_mem>>)
    %add3A_764 = arith.constant 256 : i32
    %add3A_765 = arith.addi %mul3A_2, %add3A_764 : i32
    %dma_wait3A_766 = arith.constant 0 : i32
    %dma_wait3A_767 = arith.constant 0 : i32
    %dma_wait3A_768 = arith.constant 0 : i32
    %dma_wait3A_769 = arith.constant 0 : i32
    %dma_wait3A_770 = tpu.memref_slice %arg10[%dma_wait3A_766, %dma_wait3A_768, %dma_wait3A_769] : memref<2x128x128xf32, #tpu.memory_space<vmem>> -> memref<1x128x128xf32, #tpu.memory_space<vmem>>
    %dma_wait3A_771 = tpu.memref_squeeze %dma_wait3A_770 : memref<1x128x128xf32, #tpu.memory_space<vmem>> -> memref<128x128xf32, #tpu.memory_space<vmem>>
    %dma_wait3A_772 = arith.constant 0 : i32
    %dma_wait3A_773 = tpu.memref_slice %arg6[%add3A_765, %dma_wait3A_772] : memref<16384x128xf32, #tpu.memory_space<hbm>> -> memref<128x128xf32, #tpu.memory_space<hbm>>
    %dma_wait3A_774 = tpu.memref_slice %arg13[%dma_wait3A_767] : memref<2x!tpu.dma_semaphore, #tpu.memory_space<semaphore_mem>> -> memref<1x!tpu.dma_semaphore, #tpu.memory_space<semaphore_mem>>
    %dma_wait3A_775 = tpu.memref_squeeze %dma_wait3A_774 : memref<1x!tpu.dma_semaphore, #tpu.memory_space<semaphore_mem>> -> memref<!tpu.dma_semaphore, #tpu.memory_space<semaphore_mem>>
    %dma_wait3A_776 = arith.constant 0 : i32
    %dma_wait3A_777 = tpu.memref_slice %arg6[%add3A_765, %dma_wait3A_776] : memref<16384x128xf32, #tpu.memory_space<hbm>> -> memref<128x128xf32, #tpu.memory_space<hbm>>
    %dma_wait3A_778 = arith.constant 0 : i32
    %dma_wait3A_779 = arith.constant 0 : i32
    %dma_wait3A_780 = tpu.memref_slice %arg10[%dma_wait3A_766, %dma_wait3A_778, %dma_wait3A_779] : memref<2x128x128xf32, #tpu.memory_space<vmem>> -> memref<1x128x128xf32, #tpu.memory_space<vmem>>
    %dma_wait3A_781 = tpu.memref_squeeze %dma_wait3A_780 : memref<1x128x128xf32, #tpu.memory_space<vmem>> -> memref<128x128xf32, #tpu.memory_space<vmem>>
    tpu.wait_dma2 semaphore(%dma_wait3A_775 : memref<!tpu.dma_semaphore, #tpu.memory_space<semaphore_mem>>) src(%dma_wait3A_781 : memref<128x128xf32, #tpu.memory_space<vmem>>) dst(%dma_wait3A_777 : memref<128x128xf32, #tpu.memory_space<hbm>>)
    %add3A_782 = arith.constant 384 : i32
    %add3A_783 = arith.addi %mul3A_2, %add3A_782 : i32
    %dma_wait3A_784 = arith.constant 1 : i32
    %dma_wait3A_785 = arith.constant 1 : i32
    %dma_wait3A_786 = arith.constant 0 : i32
    %dma_wait3A_787 = arith.constant 0 : i32
    %dma_wait3A_788 = tpu.memref_slice %arg10[%dma_wait3A_784, %dma_wait3A_786, %dma_wait3A_787] : memref<2x128x128xf32, #tpu.memory_space<vmem>> -> memref<1x128x128xf32, #tpu.memory_space<vmem>>
    %dma_wait3A_789 = tpu.memref_squeeze %dma_wait3A_788 : memref<1x128x128xf32, #tpu.memory_space<vmem>> -> memref<128x128xf32, #tpu.memory_space<vmem>>
    %dma_wait3A_790 = arith.constant 0 : i32
    %dma_wait3A_791 = tpu.memref_slice %arg6[%add3A_783, %dma_wait3A_790] : memref<16384x128xf32, #tpu.memory_space<hbm>> -> memref<128x128xf32, #tpu.memory_space<hbm>>
    %dma_wait3A_792 = tpu.memref_slice %arg13[%dma_wait3A_785] : memref<2x!tpu.dma_semaphore, #tpu.memory_space<semaphore_mem>> -> memref<1x!tpu.dma_semaphore, #tpu.memory_space<semaphore_mem>>
    %dma_wait3A_793 = tpu.memref_squeeze %dma_wait3A_792 : memref<1x!tpu.dma_semaphore, #tpu.memory_space<semaphore_mem>> -> memref<!tpu.dma_semaphore, #tpu.memory_space<semaphore_mem>>
    %dma_wait3A_794 = arith.constant 0 : i32
    %dma_wait3A_795 = tpu.memref_slice %arg6[%add3A_783, %dma_wait3A_794] : memref<16384x128xf32, #tpu.memory_space<hbm>> -> memref<128x128xf32, #tpu.memory_space<hbm>>
    %dma_wait3A_796 = arith.constant 0 : i32
    %dma_wait3A_797 = arith.constant 0 : i32
    %dma_wait3A_798 = tpu.memref_slice %arg10[%dma_wait3A_784, %dma_wait3A_796, %dma_wait3A_797] : memref<2x128x128xf32, #tpu.memory_space<vmem>> -> memref<1x128x128xf32, #tpu.memory_space<vmem>>
    %dma_wait3A_799 = tpu.memref_squeeze %dma_wait3A_798 : memref<1x128x128xf32, #tpu.memory_space<vmem>> -> memref<128x128xf32, #tpu.memory_space<vmem>>
    tpu.wait_dma2 semaphore(%dma_wait3A_793 : memref<!tpu.dma_semaphore, #tpu.memory_space<semaphore_mem>>) src(%dma_wait3A_799 : memref<128x128xf32, #tpu.memory_space<vmem>>) dst(%dma_wait3A_795 : memref<128x128xf32, #tpu.memory_space<hbm>>)
    return
  }
}

module attributes {stable_mosaic.version = 14 : i64} {
  func.func @_tc_dense_body(%arg0: i32, %arg1: memref<512x1024xf32, #tpu.memory_space<vmem>>, %arg2: memref<512x1xi32, #tpu.memory_space<vmem>>, %arg3: memref<512x128xf32, #tpu.memory_space<vmem>>, %arg4: memref<1x128xf32, #tpu.memory_space<vmem>>, %arg5: memref<128x128xbf16, #tpu.memory_space<vmem>>, %arg6: memref<1024x768xbf16, #tpu.memory_space<vmem>>, %arg7: memref<1x64xf32, #tpu.memory_space<vmem>>, %arg8: memref<192x192xbf16, #tpu.memory_space<vmem>>, %arg9: memref<1x192xf32, #tpu.memory_space<vmem>>, %arg10: memref<192x192xbf16, #tpu.memory_space<vmem>>, %arg11: memref<1x192xf32, #tpu.memory_space<vmem>>, %arg12: memref<192x192xbf16, #tpu.memory_space<vmem>>, %arg13: memref<1x192xf32, #tpu.memory_space<vmem>>, %arg14: memref<192x192xbf16, #tpu.memory_space<vmem>>, %arg15: memref<1x192xf32, #tpu.memory_space<vmem>>, %arg16: memref<512x192xf32, #tpu.memory_space<vmem>>) attributes {dimension_semantics = [#tpu.dimension_semantics<arbitrary>], iteration_bounds = array<i64: 32>, scalar_prefetch = 0 : i64, scratch_operands = 0 : i64, tpu.core_type = #tpu.core_type<tc>, window_params = [{transform_indices = @transform_0, window_bounds = array<i64: 512, 1024>}, {transform_indices = @transform_1, window_bounds = array<i64: 512, 1>}, {transform_indices = @transform_2, window_bounds = array<i64: 512, 128>}, {pipeline_mode = #tpu.pipeline_mode<synchronous>, transform_indices = @transform_3, window_bounds = array<i64: 1, 128>}, {pipeline_mode = #tpu.pipeline_mode<synchronous>, transform_indices = @transform_4, window_bounds = array<i64: 128, 128>}, {pipeline_mode = #tpu.pipeline_mode<synchronous>, transform_indices = @transform_5, window_bounds = array<i64: 1024, 768>}, {pipeline_mode = #tpu.pipeline_mode<synchronous>, transform_indices = @transform_6, window_bounds = array<i64: 1, 64>}, {pipeline_mode = #tpu.pipeline_mode<synchronous>, transform_indices = @transform_7, window_bounds = array<i64: 192, 192>}, {pipeline_mode = #tpu.pipeline_mode<synchronous>, transform_indices = @transform_8, window_bounds = array<i64: 1, 192>}, {pipeline_mode = #tpu.pipeline_mode<synchronous>, transform_indices = @transform_9, window_bounds = array<i64: 192, 192>}, {pipeline_mode = #tpu.pipeline_mode<synchronous>, transform_indices = @transform_10, window_bounds = array<i64: 1, 192>}, {pipeline_mode = #tpu.pipeline_mode<synchronous>, transform_indices = @transform_11, window_bounds = array<i64: 192, 192>}, {pipeline_mode = #tpu.pipeline_mode<synchronous>, transform_indices = @transform_12, window_bounds = array<i64: 1, 192>}, {pipeline_mode = #tpu.pipeline_mode<synchronous>, transform_indices = @transform_13, window_bounds = array<i64: 192, 192>}, {pipeline_mode = #tpu.pipeline_mode<synchronous>, transform_indices = @transform_14, window_bounds = array<i64: 1, 192>}, {transform_indices = @transform_15, window_bounds = array<i64: 512, 192>}]} {
    %get3A = arith.constant 0 : index
    %get3A_0 = arith.constant 0 : index
    %get3A_1 = vector.load %arg1[%get3A, %get3A_0] : memref<512x1024xf32, #tpu.memory_space<vmem>>, vector<512x1024xf32>
    %convert_element_type3A = arith.truncf %get3A_1 : vector<512x1024xf32> to vector<512x1024xbf16>
    %get3A_2 = arith.constant 0 : index
    %get3A_3 = arith.constant 0 : index
    %get3A_4 = vector.load %arg6[%get3A_2, %get3A_3] : memref<1024x768xbf16, #tpu.memory_space<vmem>>, vector<1024x768xbf16>
    %dot_general3A = arith.constant dense<0.000000e+00> : vector<512x768xf32>
    %dot_general3A_5 = tpu.matmul %convert_element_type3A, %get3A_4, %dot_general3A {dimension_numbers = #tpu.dot_dimension_numbers<[1], [0], [0], [1], [0, 0, 1, 1], [], []>, transpose_lhs_hint = false} : vector<512x1024xbf16>, vector<1024x768xbf16>, vector<512x768xf32> -> vector<512x768xf32>
    %get3A_6 = arith.constant 0 : index
    %get3A_7 = arith.constant 0 : index
    %get3A_8 = vector.load %arg7[%get3A_6, %get3A_7] : memref<1x64xf32, #tpu.memory_space<vmem>>, vector<1x64xf32>
    %slice3A = vector.extract_strided_slice %dot_general3A_5 {offsets = [0, 0], sizes = [512, 64], strides = [1, 1]} : vector<512x768xf32> to vector<512x64xf32>
    %add3A = vector.broadcast %get3A_8 : vector<1x64xf32> to vector<512x64xf32>
    %add3A_9 = arith.addf %slice3A, %add3A : vector<512x64xf32>
    %max3A = arith.constant 0.000000e+00 : f32
    %max3A_10 = vector.broadcast %max3A : f32 to vector<512x64xf32>
    %max3A_11 = arith.maximumf %add3A_9, %max3A_10 : vector<512x64xf32>
    %slice3A_12 = vector.extract_strided_slice %dot_general3A_5 {offsets = [0, 64], sizes = [512, 64], strides = [1, 1]} : vector<512x768xf32> to vector<512x64xf32>
    %add3A_13 = vector.broadcast %get3A_8 : vector<1x64xf32> to vector<512x64xf32>
    %add3A_14 = arith.addf %slice3A_12, %add3A_13 : vector<512x64xf32>
    %max3A_15 = arith.constant 0.000000e+00 : f32
    %max3A_16 = vector.broadcast %max3A_15 : f32 to vector<512x64xf32>
    %max3A_17 = arith.maximumf %add3A_14, %max3A_16 : vector<512x64xf32>
    %max3A_18 = arith.maximumf %max3A_11, %max3A_17 : vector<512x64xf32>
    %slice3A_19 = vector.extract_strided_slice %dot_general3A_5 {offsets = [0, 128], sizes = [512, 64], strides = [1, 1]} : vector<512x768xf32> to vector<512x64xf32>
    %add3A_20 = vector.broadcast %get3A_8 : vector<1x64xf32> to vector<512x64xf32>
    %add3A_21 = arith.addf %slice3A_19, %add3A_20 : vector<512x64xf32>
    %max3A_22 = arith.constant 0.000000e+00 : f32
    %max3A_23 = vector.broadcast %max3A_22 : f32 to vector<512x64xf32>
    %max3A_24 = arith.maximumf %add3A_21, %max3A_23 : vector<512x64xf32>
    %max3A_25 = arith.maximumf %max3A_18, %max3A_24 : vector<512x64xf32>
    %slice3A_26 = vector.extract_strided_slice %dot_general3A_5 {offsets = [0, 192], sizes = [512, 64], strides = [1, 1]} : vector<512x768xf32> to vector<512x64xf32>
    %add3A_27 = vector.broadcast %get3A_8 : vector<1x64xf32> to vector<512x64xf32>
    %add3A_28 = arith.addf %slice3A_26, %add3A_27 : vector<512x64xf32>
    %max3A_29 = arith.constant 0.000000e+00 : f32
    %max3A_30 = vector.broadcast %max3A_29 : f32 to vector<512x64xf32>
    %max3A_31 = arith.maximumf %add3A_28, %max3A_30 : vector<512x64xf32>
    %max3A_32 = arith.maximumf %max3A_25, %max3A_31 : vector<512x64xf32>
    %slice3A_33 = vector.extract_strided_slice %dot_general3A_5 {offsets = [0, 256], sizes = [512, 64], strides = [1, 1]} : vector<512x768xf32> to vector<512x64xf32>
    %add3A_34 = vector.broadcast %get3A_8 : vector<1x64xf32> to vector<512x64xf32>
    %add3A_35 = arith.addf %slice3A_33, %add3A_34 : vector<512x64xf32>
    %max3A_36 = arith.constant 0.000000e+00 : f32
    %max3A_37 = vector.broadcast %max3A_36 : f32 to vector<512x64xf32>
    %max3A_38 = arith.maximumf %add3A_35, %max3A_37 : vector<512x64xf32>
    %max3A_39 = arith.maximumf %max3A_32, %max3A_38 : vector<512x64xf32>
    %slice3A_40 = vector.extract_strided_slice %dot_general3A_5 {offsets = [0, 320], sizes = [512, 64], strides = [1, 1]} : vector<512x768xf32> to vector<512x64xf32>
    %add3A_41 = vector.broadcast %get3A_8 : vector<1x64xf32> to vector<512x64xf32>
    %add3A_42 = arith.addf %slice3A_40, %add3A_41 : vector<512x64xf32>
    %max3A_43 = arith.constant 0.000000e+00 : f32
    %max3A_44 = vector.broadcast %max3A_43 : f32 to vector<512x64xf32>
    %max3A_45 = arith.maximumf %add3A_42, %max3A_44 : vector<512x64xf32>
    %max3A_46 = arith.maximumf %max3A_39, %max3A_45 : vector<512x64xf32>
    %slice3A_47 = vector.extract_strided_slice %dot_general3A_5 {offsets = [0, 384], sizes = [512, 64], strides = [1, 1]} : vector<512x768xf32> to vector<512x64xf32>
    %add3A_48 = vector.broadcast %get3A_8 : vector<1x64xf32> to vector<512x64xf32>
    %add3A_49 = arith.addf %slice3A_47, %add3A_48 : vector<512x64xf32>
    %max3A_50 = arith.constant 0.000000e+00 : f32
    %max3A_51 = vector.broadcast %max3A_50 : f32 to vector<512x64xf32>
    %max3A_52 = arith.maximumf %add3A_49, %max3A_51 : vector<512x64xf32>
    %max3A_53 = arith.maximumf %max3A_46, %max3A_52 : vector<512x64xf32>
    %slice3A_54 = vector.extract_strided_slice %dot_general3A_5 {offsets = [0, 448], sizes = [512, 64], strides = [1, 1]} : vector<512x768xf32> to vector<512x64xf32>
    %add3A_55 = vector.broadcast %get3A_8 : vector<1x64xf32> to vector<512x64xf32>
    %add3A_56 = arith.addf %slice3A_54, %add3A_55 : vector<512x64xf32>
    %max3A_57 = arith.constant 0.000000e+00 : f32
    %max3A_58 = vector.broadcast %max3A_57 : f32 to vector<512x64xf32>
    %max3A_59 = arith.maximumf %add3A_56, %max3A_58 : vector<512x64xf32>
    %max3A_60 = arith.maximumf %max3A_53, %max3A_59 : vector<512x64xf32>
    %slice3A_61 = vector.extract_strided_slice %dot_general3A_5 {offsets = [0, 512], sizes = [512, 64], strides = [1, 1]} : vector<512x768xf32> to vector<512x64xf32>
    %add3A_62 = vector.broadcast %get3A_8 : vector<1x64xf32> to vector<512x64xf32>
    %add3A_63 = arith.addf %slice3A_61, %add3A_62 : vector<512x64xf32>
    %max3A_64 = arith.constant 0.000000e+00 : f32
    %max3A_65 = vector.broadcast %max3A_64 : f32 to vector<512x64xf32>
    %max3A_66 = arith.maximumf %add3A_63, %max3A_65 : vector<512x64xf32>
    %max3A_67 = arith.maximumf %max3A_60, %max3A_66 : vector<512x64xf32>
    %slice3A_68 = vector.extract_strided_slice %dot_general3A_5 {offsets = [0, 576], sizes = [512, 64], strides = [1, 1]} : vector<512x768xf32> to vector<512x64xf32>
    %add3A_69 = vector.broadcast %get3A_8 : vector<1x64xf32> to vector<512x64xf32>
    %add3A_70 = arith.addf %slice3A_68, %add3A_69 : vector<512x64xf32>
    %max3A_71 = arith.constant 0.000000e+00 : f32
    %max3A_72 = vector.broadcast %max3A_71 : f32 to vector<512x64xf32>
    %max3A_73 = arith.maximumf %add3A_70, %max3A_72 : vector<512x64xf32>
    %max3A_74 = arith.maximumf %max3A_67, %max3A_73 : vector<512x64xf32>
    %slice3A_75 = vector.extract_strided_slice %dot_general3A_5 {offsets = [0, 640], sizes = [512, 64], strides = [1, 1]} : vector<512x768xf32> to vector<512x64xf32>
    %add3A_76 = vector.broadcast %get3A_8 : vector<1x64xf32> to vector<512x64xf32>
    %add3A_77 = arith.addf %slice3A_75, %add3A_76 : vector<512x64xf32>
    %max3A_78 = arith.constant 0.000000e+00 : f32
    %max3A_79 = vector.broadcast %max3A_78 : f32 to vector<512x64xf32>
    %max3A_80 = arith.maximumf %add3A_77, %max3A_79 : vector<512x64xf32>
    %max3A_81 = arith.maximumf %max3A_74, %max3A_80 : vector<512x64xf32>
    %slice3A_82 = vector.extract_strided_slice %dot_general3A_5 {offsets = [0, 704], sizes = [512, 64], strides = [1, 1]} : vector<512x768xf32> to vector<512x64xf32>
    %add3A_83 = vector.broadcast %get3A_8 : vector<1x64xf32> to vector<512x64xf32>
    %add3A_84 = arith.addf %slice3A_82, %add3A_83 : vector<512x64xf32>
    %max3A_85 = arith.constant 0.000000e+00 : f32
    %max3A_86 = vector.broadcast %max3A_85 : f32 to vector<512x64xf32>
    %max3A_87 = arith.maximumf %add3A_84, %max3A_86 : vector<512x64xf32>
    %max3A_88 = arith.maximumf %max3A_81, %max3A_87 : vector<512x64xf32>
    %get3A_89 = arith.constant 0 : index
    %get3A_90 = arith.constant 0 : index
    %get3A_91 = vector.load %arg2[%get3A_89, %get3A_90] : memref<512x1xi32, #tpu.memory_space<vmem>>, vector<512x1xi32>
    %eq3A = arith.constant 1 : i32
    %eq3A_92 = vector.broadcast %eq3A : i32 to vector<512x1xi32>
    %eq3A_93 = arith.cmpi eq, %get3A_91, %eq3A_92 : vector<512x1xi32>
    %get3A_94 = arith.constant 0 : index
    %get3A_95 = arith.constant 0 : index
    %get3A_96 = vector.load %arg4[%get3A_94, %get3A_95] : memref<1x128xf32, #tpu.memory_space<vmem>>, vector<1x128xf32>
    %get3A_97 = arith.constant 0 : index
    %get3A_98 = arith.constant 0 : index
    %get3A_99 = vector.load %arg3[%get3A_97, %get3A_98] : memref<512x128xf32, #tpu.memory_space<vmem>>, vector<512x128xf32>
    %broadcast_in_dim3A = vector.shape_cast %eq3A_93 : vector<512x1xi1> to vector<512x1xi1>
    %broadcast_in_dim3A_100 = vector.broadcast %broadcast_in_dim3A : vector<512x1xi1> to vector<512x128xi1>
    %broadcast_in_dim3A_101 = vector.shape_cast %get3A_96 : vector<1x128xf32> to vector<1x128xf32>
    %broadcast_in_dim3A_102 = vector.broadcast %broadcast_in_dim3A_101 : vector<1x128xf32> to vector<512x128xf32>
    %select_n3A = arith.select %broadcast_in_dim3A_100, %broadcast_in_dim3A_102, %get3A_99 : vector<512x128xi1>, vector<512x128xf32>
    %convert_element_type3A_103 = arith.truncf %select_n3A : vector<512x128xf32> to vector<512x128xbf16>
    %get3A_104 = arith.constant 0 : index
    %get3A_105 = arith.constant 0 : index
    %get3A_106 = vector.load %arg5[%get3A_104, %get3A_105] : memref<128x128xbf16, #tpu.memory_space<vmem>>, vector<128x128xbf16>
    %dot_general3A_107 = arith.constant dense<0.000000e+00> : vector<512x128xf32>
    %dot_general3A_108 = tpu.matmul %convert_element_type3A_103, %get3A_106, %dot_general3A_107 {dimension_numbers = #tpu.dot_dimension_numbers<[1], [0], [0], [1], [0, 0, 1, 1], [], []>, transpose_lhs_hint = false} : vector<512x128xbf16>, vector<128x128xbf16>, vector<512x128xf32> -> vector<512x128xf32>
    %concatenate3A = tpu.concatenate %dot_general3A_108, %max3A_88 in 1 : vector<512x128xf32>, vector<512x64xf32> -> vector<512x192xf32>
    %convert_element_type3A_109 = arith.truncf %concatenate3A : vector<512x192xf32> to vector<512x192xbf16>
    %get3A_110 = arith.constant 0 : index
    %get3A_111 = arith.constant 0 : index
    %get3A_112 = vector.load %arg8[%get3A_110, %get3A_111] : memref<192x192xbf16, #tpu.memory_space<vmem>>, vector<192x192xbf16>
    %dot_general3A_113 = arith.constant dense<0.000000e+00> : vector<512x192xf32>
    %dot_general3A_114 = tpu.matmul %convert_element_type3A_109, %get3A_112, %dot_general3A_113 {dimension_numbers = #tpu.dot_dimension_numbers<[1], [0], [0], [1], [0, 0, 1, 1], [], []>, transpose_lhs_hint = false} : vector<512x192xbf16>, vector<192x192xbf16>, vector<512x192xf32> -> vector<512x192xf32>
    %get3A_115 = arith.constant 0 : index
    %get3A_116 = arith.constant 0 : index
    %get3A_117 = vector.load %arg9[%get3A_115, %get3A_116] : memref<1x192xf32, #tpu.memory_space<vmem>>, vector<1x192xf32>
    %add3A_118 = vector.broadcast %get3A_117 : vector<1x192xf32> to vector<512x192xf32>
    %add3A_119 = arith.addf %dot_general3A_114, %add3A_118 : vector<512x192xf32>
    %logistic3A = arith.negf %add3A_119 : vector<512x192xf32>
    %logistic3A_120 = math.exp %logistic3A : vector<512x192xf32>
    %logistic3A_121 = arith.constant 1.000000e+00 : f32
    %logistic3A_122 = vector.broadcast %logistic3A_121 : f32 to vector<512x192xf32>
    %logistic3A_123 = arith.addf %logistic3A_122, %logistic3A_120 : vector<512x192xf32>
    %logistic3A_124 = arith.divf %logistic3A_122, %logistic3A_123 : vector<512x192xf32>
    %get3A_125 = arith.constant 0 : index
    %get3A_126 = arith.constant 0 : index
    %get3A_127 = vector.load %arg10[%get3A_125, %get3A_126] : memref<192x192xbf16, #tpu.memory_space<vmem>>, vector<192x192xbf16>
    %dot_general3A_128 = arith.constant dense<0.000000e+00> : vector<512x192xf32>
    %dot_general3A_129 = tpu.matmul %convert_element_type3A_109, %get3A_127, %dot_general3A_128 {dimension_numbers = #tpu.dot_dimension_numbers<[1], [0], [0], [1], [0, 0, 1, 1], [], []>, transpose_lhs_hint = false} : vector<512x192xbf16>, vector<192x192xbf16>, vector<512x192xf32> -> vector<512x192xf32>
    %get3A_130 = arith.constant 0 : index
    %get3A_131 = arith.constant 0 : index
    %get3A_132 = vector.load %arg11[%get3A_130, %get3A_131] : memref<1x192xf32, #tpu.memory_space<vmem>>, vector<1x192xf32>
    %add3A_133 = vector.broadcast %get3A_132 : vector<1x192xf32> to vector<512x192xf32>
    %add3A_134 = arith.addf %dot_general3A_129, %add3A_133 : vector<512x192xf32>
    %max3A_135 = arith.constant 0.000000e+00 : f32
    %max3A_136 = vector.broadcast %max3A_135 : f32 to vector<512x192xf32>
    %max3A_137 = arith.maximumf %add3A_134, %max3A_136 : vector<512x192xf32>
    %mul3A = arith.mulf %logistic3A_124, %max3A_137 : vector<512x192xf32>
    %sub3A = arith.constant 1.000000e+00 : f32
    %sub3A_138 = vector.broadcast %sub3A : f32 to vector<512x192xf32>
    %sub3A_139 = arith.subf %sub3A_138, %logistic3A_124 : vector<512x192xf32>
    %mul3A_140 = arith.mulf %sub3A_139, %concatenate3A : vector<512x192xf32>
    %add3A_141 = arith.addf %mul3A, %mul3A_140 : vector<512x192xf32>
    %convert_element_type3A_142 = arith.truncf %add3A_141 : vector<512x192xf32> to vector<512x192xbf16>
    %get3A_143 = arith.constant 0 : index
    %get3A_144 = arith.constant 0 : index
    %get3A_145 = vector.load %arg12[%get3A_143, %get3A_144] : memref<192x192xbf16, #tpu.memory_space<vmem>>, vector<192x192xbf16>
    %dot_general3A_146 = arith.constant dense<0.000000e+00> : vector<512x192xf32>
    %dot_general3A_147 = tpu.matmul %convert_element_type3A_142, %get3A_145, %dot_general3A_146 {dimension_numbers = #tpu.dot_dimension_numbers<[1], [0], [0], [1], [0, 0, 1, 1], [], []>, transpose_lhs_hint = false} : vector<512x192xbf16>, vector<192x192xbf16>, vector<512x192xf32> -> vector<512x192xf32>
    %get3A_148 = arith.constant 0 : index
    %get3A_149 = arith.constant 0 : index
    %get3A_150 = vector.load %arg13[%get3A_148, %get3A_149] : memref<1x192xf32, #tpu.memory_space<vmem>>, vector<1x192xf32>
    %add3A_151 = vector.broadcast %get3A_150 : vector<1x192xf32> to vector<512x192xf32>
    %add3A_152 = arith.addf %dot_general3A_147, %add3A_151 : vector<512x192xf32>
    %logistic3A_153 = arith.negf %add3A_152 : vector<512x192xf32>
    %logistic3A_154 = math.exp %logistic3A_153 : vector<512x192xf32>
    %logistic3A_155 = arith.constant 1.000000e+00 : f32
    %logistic3A_156 = vector.broadcast %logistic3A_155 : f32 to vector<512x192xf32>
    %logistic3A_157 = arith.addf %logistic3A_156, %logistic3A_154 : vector<512x192xf32>
    %logistic3A_158 = arith.divf %logistic3A_156, %logistic3A_157 : vector<512x192xf32>
    %get3A_159 = arith.constant 0 : index
    %get3A_160 = arith.constant 0 : index
    %get3A_161 = vector.load %arg14[%get3A_159, %get3A_160] : memref<192x192xbf16, #tpu.memory_space<vmem>>, vector<192x192xbf16>
    %dot_general3A_162 = arith.constant dense<0.000000e+00> : vector<512x192xf32>
    %dot_general3A_163 = tpu.matmul %convert_element_type3A_142, %get3A_161, %dot_general3A_162 {dimension_numbers = #tpu.dot_dimension_numbers<[1], [0], [0], [1], [0, 0, 1, 1], [], []>, transpose_lhs_hint = false} : vector<512x192xbf16>, vector<192x192xbf16>, vector<512x192xf32> -> vector<512x192xf32>
    %get3A_164 = arith.constant 0 : index
    %get3A_165 = arith.constant 0 : index
    %get3A_166 = vector.load %arg15[%get3A_164, %get3A_165] : memref<1x192xf32, #tpu.memory_space<vmem>>, vector<1x192xf32>
    %add3A_167 = vector.broadcast %get3A_166 : vector<1x192xf32> to vector<512x192xf32>
    %add3A_168 = arith.addf %dot_general3A_163, %add3A_167 : vector<512x192xf32>
    %max3A_169 = arith.constant 0.000000e+00 : f32
    %max3A_170 = vector.broadcast %max3A_169 : f32 to vector<512x192xf32>
    %max3A_171 = arith.maximumf %add3A_168, %max3A_170 : vector<512x192xf32>
    %mul3A_172 = arith.mulf %logistic3A_158, %max3A_171 : vector<512x192xf32>
    %sub3A_173 = arith.constant 1.000000e+00 : f32
    %sub3A_174 = vector.broadcast %sub3A_173 : f32 to vector<512x192xf32>
    %sub3A_175 = arith.subf %sub3A_174, %logistic3A_158 : vector<512x192xf32>
    %mul3A_176 = arith.mulf %sub3A_175, %add3A_141 : vector<512x192xf32>
    %add3A_177 = arith.addf %mul3A_172, %mul3A_176 : vector<512x192xf32>
    %swap3A = arith.constant 0 : index
    %swap3A_178 = arith.constant 0 : index
    %swap3A_179 = vector.load %arg16[%swap3A, %swap3A_178] : memref<512x192xf32, #tpu.memory_space<vmem>>, vector<512x192xf32>
    tpu.vector_store %arg16[%swap3A, %swap3A_178], %add3A_177 {strides = array<i32>} : memref<512x192xf32, #tpu.memory_space<vmem>>, vector<512x192xf32>,
    return
  }
  func.func @transform_0(%arg0: i32) -> (i32, i32) {
    %c0_i32 = arith.constant 0 : i32
    %c0_i32_0 = arith.constant 0 : i32
    return %arg0, %c0_i32 : i32, i32
  }
  func.func @transform_1(%arg0: i32) -> (i32, i32) {
    %c0_i32 = arith.constant 0 : i32
    %c0_i32_0 = arith.constant 0 : i32
    return %arg0, %c0_i32 : i32, i32
  }
  func.func @transform_2(%arg0: i32) -> (i32, i32) {
    %c0_i32 = arith.constant 0 : i32
    %c0_i32_0 = arith.constant 0 : i32
    return %arg0, %c0_i32 : i32, i32
  }
  func.func @transform_3(%arg0: i32) -> (i32, i32) {
    %c0_i32 = arith.constant 0 : i32
    %c0_i32_0 = arith.constant 0 : i32
    %c0_i32_1 = arith.constant 0 : i32
    return %c0_i32, %c0_i32_0 : i32, i32
  }
  func.func @transform_4(%arg0: i32) -> (i32, i32) {
    %c0_i32 = arith.constant 0 : i32
    %c0_i32_0 = arith.constant 0 : i32
    %c0_i32_1 = arith.constant 0 : i32
    return %c0_i32, %c0_i32_0 : i32, i32
  }
  func.func @transform_5(%arg0: i32) -> (i32, i32) {
    %c0_i32 = arith.constant 0 : i32
    %c0_i32_0 = arith.constant 0 : i32
    %c0_i32_1 = arith.constant 0 : i32
    return %c0_i32, %c0_i32_0 : i32, i32
  }
  func.func @transform_6(%arg0: i32) -> (i32, i32) {
    %c0_i32 = arith.constant 0 : i32
    %c0_i32_0 = arith.constant 0 : i32
    %c0_i32_1 = arith.constant 0 : i32
    return %c0_i32, %c0_i32_0 : i32, i32
  }
  func.func @transform_7(%arg0: i32) -> (i32, i32) {
    %c0_i32 = arith.constant 0 : i32
    %c0_i32_0 = arith.constant 0 : i32
    %c0_i32_1 = arith.constant 0 : i32
    return %c0_i32, %c0_i32_0 : i32, i32
  }
  func.func @transform_8(%arg0: i32) -> (i32, i32) {
    %c0_i32 = arith.constant 0 : i32
    %c0_i32_0 = arith.constant 0 : i32
    %c0_i32_1 = arith.constant 0 : i32
    return %c0_i32, %c0_i32_0 : i32, i32
  }
  func.func @transform_9(%arg0: i32) -> (i32, i32) {
    %c0_i32 = arith.constant 0 : i32
    %c0_i32_0 = arith.constant 0 : i32
    %c0_i32_1 = arith.constant 0 : i32
    return %c0_i32, %c0_i32_0 : i32, i32
  }
  func.func @transform_10(%arg0: i32) -> (i32, i32) {
    %c0_i32 = arith.constant 0 : i32
    %c0_i32_0 = arith.constant 0 : i32
    %c0_i32_1 = arith.constant 0 : i32
    return %c0_i32, %c0_i32_0 : i32, i32
  }
  func.func @transform_11(%arg0: i32) -> (i32, i32) {
    %c0_i32 = arith.constant 0 : i32
    %c0_i32_0 = arith.constant 0 : i32
    %c0_i32_1 = arith.constant 0 : i32
    return %c0_i32, %c0_i32_0 : i32, i32
  }
  func.func @transform_12(%arg0: i32) -> (i32, i32) {
    %c0_i32 = arith.constant 0 : i32
    %c0_i32_0 = arith.constant 0 : i32
    %c0_i32_1 = arith.constant 0 : i32
    return %c0_i32, %c0_i32_0 : i32, i32
  }
  func.func @transform_13(%arg0: i32) -> (i32, i32) {
    %c0_i32 = arith.constant 0 : i32
    %c0_i32_0 = arith.constant 0 : i32
    %c0_i32_1 = arith.constant 0 : i32
    return %c0_i32, %c0_i32_0 : i32, i32
  }
  func.func @transform_14(%arg0: i32) -> (i32, i32) {
    %c0_i32 = arith.constant 0 : i32
    %c0_i32_0 = arith.constant 0 : i32
    %c0_i32_1 = arith.constant 0 : i32
    return %c0_i32, %c0_i32_0 : i32, i32
  }
  func.func @transform_15(%arg0: i32) -> (i32, i32) {
    %c0_i32 = arith.constant 0 : i32
    %c0_i32_0 = arith.constant 0 : i32
    return %arg0, %c0_i32 : i32, i32
  }
}

</mosaic_0001>

<sc_bundles>
// kernel: kernel.4.cloned.1.call-start
scs
__scs_entry_jumppad:
0x0: {  	(pc) =	sbr.rel $0x88, $3  }
0x1: {  	(tag) =	ssettag $0x0;
	lr =	simm.s32 $0x1  }
0x2: {  	[smem:$0x3F91] =	sst lr;
	_ =	strace $0xD0000000  }
0x3: {  	_ = 	snop  }
0x4: {  	_ = 	snop  }
0x5: {  	_ = 	snop  }
0x6: {  	_ = 	snop  }
0x7: {  	_ = 	snop  }
__scs_overlays_trampoline_lowered:
0x8: {  	[smem:$0x3FA0] =	sst s0  }
0x9: {  	[smem:$0x3FA1] =	sst s1  }
0xa: {  	[smem:$0x3FA2] =	sst s2  }
0xb: {  	[smem:$0x3FA3] =	sst s3  }
0xc: {  	[smem:$0x3FA4] =	sst s4  }
0xd: {  	[smem:$0x3FA5] =	sst s5  }
0xe: {  	[smem:$0x3FA6] =	sst s6  }
0xf: {  	[smem:$0x3FA7] =	sst s7  }
0x10: {  	[smem:$0x3FA8] =	sst s8  }
0x11: {  	[smem:$0x3FA9] =	sst s9;
	s0 =	simm.s32 @!p0 $0x0  }
0x12: {  	s1 =	sld [smem:$0x3F8F];
	s0 =	simm.s32 @p0 $0x1  }
0x13: {  	[smem:$0x3FAA] =	sst s0;
	s0 =	simm.s32 @!p1 $0x0  }
0x14: {  	s2 =	sld [smem:$0x3F8E];
	s0 =	simm.s32 @p1 $0x1  }
0x15: {  	[smem:$0x3FAB] =	sst s0;
	s0 =	simm.s32 @!p2 $0x0  }
0x16: {  	s3 =	sld [smem:$0x3FDB];
	s0 =	simm.s32 @p2 $0x1  }
0x17: {  	s4 =	simm.s32 $0x1BF5;
	[smem:$0x3FAD] =	sst s0  }
0x18: {  	s0 =	sld [smem:$0x3F90];
	_ =	swait.ge [sflag:s4], $0x0  }
0x19: {  	s7 =	sld [smem:$0x3F91]  }
0x1a: {  	s8 =	sadd.s32 $0xFFFFE003, lr  }
0x1b: {  	s9 =	sadd.s32 $0xFFFFFEF7, lr;
	s5 =	simm.s32 $0xFFFFFFFF;
	p2 =	slt.u32 s8, $0xFFFFF086  }
0x1c: {  	p1 =	slt.u32 s9, $0xF7A;
	s5 =	simm.s32 @!p2 $0x0  }
0x1d: {  	s5 =	simm.s32 @p1 $0x1;
	p0 =	seq.s32 s7, s2  }
0x1e: {  	s7 =	smul.u32 @!p0 $0xF7A, s2;
	p2 =	seq.s32 @!p0 s5, $0x0  }
0x1f: {  	s9 =	smul.u32 $0xF7A, s1;
	s8 =	simm.s32 @!p0 $0x1BF5;
	p2 =	por !p2, p0  }
0x20: {  	[sflag:s8] =	ssyncset.s32 @!p0 $0xFFFFF086;
	s6 =	sadd.s32 @!p0 s3, s7;
	s7 =	simm.s32 @!p0 $0x108  }
0x21: {  	s3 =	sadd.s32 s3, s9;
	s6 =	sadd.s32 @!p0 $0x88, s6;
	s7 =	simm.s32 @p2 $0x1082  }
0x22: {  	[simem:s7], [sflag:s8] =	dma.local @!p0 [hbm:s6], $0xF7A  }
0x23: {  	s9 =	sor.u32 $0xD0000000, s2;
	s6 =	simm.s32 $0x108;
	_ =	swait.ge @!p0 [sflag:s8], $0x0  }
0x24: {  	s3 =	sadd.s32 $0x88, s3;
	s6 =	simm.s32 @!p1 $0x1082;
	[sflag:s4] =	ssyncset.s32 $0xFFFFF086  }
0x25: {  	[simem:s6], [sflag:s4] =	dma.local [hbm:s3], $0xF7A  }
0x26: {  	[smem:$0x3F91] =	sst s1;
	(tag) =	ssettag s2;
	_ =	strace s9  }
0x27: {  	s1 =	sld [smem:$0x3FA1]  }
0x28: {  	s2 =	sld [smem:$0x3FA2]  }
0x29: {  	s4 =	sld [smem:$0x3FA4]  }
0x2a: {  	p0 =	seq.s32 s5, $0x0;
	s5 =	sld [smem:$0x3FA5]  }
0x2b: {  	s6 =	sld [smem:$0x3FA6]  }
0x2c: {  	s7 =	sld [smem:$0x3FA7]  }
0x2d: {  	s3 =	simm.s32 $0x108;
	s8 =	sld [smem:$0x3FA8]  }
0x2e: {  	s3 =	simm.s32 @!p0 $0x1082;
	s9 =	sld [smem:$0x3FA9]  }
0x2f: {  	lr =	sadd.s32 s0, s3;
	s0 =	sld [smem:$0x3FA0]  }
0x30: {  	s3 =	sld [smem:$0x3FA3]  }
0x31: {  	[smem:$0x3FAC] =	sst s10  }
0x32: {  	s10 =	sld [smem:$0x3FAA];
	_ =	sdelay $0x3  }
0x33: {  	p0 =	seq.s32 s10, $0x1;
	s10 =	sld [smem:$0x3FAC];
	_ =	sdelay $0x3  }
0x34: {  	[smem:$0x3FAC] =	sst s10  }
0x35: {  	s10 =	sld [smem:$0x3FAB];
	_ =	sdelay $0x3  }
0x36: {  	p1 =	seq.s32 s10, $0x1;
	s10 =	sld [smem:$0x3FAC];
	_ =	sdelay $0x3  }
0x37: {  	[smem:$0x3FAC] =	sst s10  }
0x38: {  	s10 =	sld [smem:$0x3FAD]  }
0x39: {  	_ = 	snop;
	(pc) =	sbr.ind lr, $3  }
0x3a: {  	_ = 	snop  }
0x3b: {  	_ = 	snop  }
0x3c: {  	p2 =	seq.s32 s10, $0x1;
	s10 =	sld [smem:$0x3FAC]  }
0x3d: {  	_ =	shalt  }
0x3e: {  	_ =	shalt  }
0x3f: {  	_ =	shalt  }
0x40: {  	_ =	shalt  }
0x41: {  	_ =	shalt  }
0x42: {  	_ =	shalt  }
0x43: {  	_ =	shalt  }
0x44: {  	_ =	shalt  }
0x45: {  	_ =	shalt  }
0x46: {  	_ =	shalt  }
0x47: {  	_ =	shalt  }
0x48: {  	_ =	shalt  }
0x49: {  	_ =	shalt  }
0x4a: {  	_ =	shalt  }
0x4b: {  	_ =	shalt  }
0x4c: {  	_ =	shalt  }
0x4d: {  	_ =	shalt  }
0x4e: {  	_ =	shalt  }
0x4f: {  	_ =	shalt  }
0x50: {  	_ =	shalt  }
0x51: {  	_ =	shalt  }
0x52: {  	_ =	shalt  }
0x53: {  	_ =	shalt  }
0x54: {  	_ =	shalt  }
0x55: {  	_ =	shalt  }
0x56: {  	_ =	shalt  }
0x57: {  	_ =	shalt  }
0x58: {  	_ =	shalt  }
0x59: {  	_ =	shalt  }
0x5a: {  	_ =	shalt  }
0x5b: {  	_ =	shalt  }
0x5c: {  	_ =	shalt  }
0x5d: {  	_ =	shalt  }
0x5e: {  	_ =	shalt  }
0x5f: {  	_ =	shalt  }
0x60: {  	_ =	shalt  }
0x61: {  	_ =	shalt  }
0x62: {  	_ =	shalt  }
0x63: {  	_ =	shalt  }
0x64: {  	_ =	shalt  }
0x65: {  	_ =	shalt  }
0x66: {  	_ =	shalt  }
0x67: {  	_ =	shalt  }
0x68: {  	_ =	shalt  }
0x69: {  	_ =	shalt  }
0x6a: {  	_ =	shalt  }
0x6b: {  	_ =	shalt  }
0x6c: {  	_ =	shalt  }
0x6d: {  	_ =	shalt  }
0x6e: {  	_ =	shalt  }
0x6f: {  	_ =	shalt  }
0x70: {  	_ =	shalt  }
0x71: {  	_ =	shalt  }
0x72: {  	_ =	shalt  }
0x73: {  	_ =	shalt  }
0x74: {  	_ =	shalt  }
0x75: {  	_ =	shalt  }
0x76: {  	_ =	shalt  }
0x77: {  	_ =	shalt  }
0x78: {  	_ =	shalt  }
0x79: {  	_ =	shalt  }
0x7a: {  	_ =	shalt  }
0x7b: {  	_ =	shalt  }
0x7c: {  	_ =	shalt  }
0x7d: {  	_ =	shalt  }
0x7e: {  	_ =	shalt  }
0x7f: {  	_ =	shalt  }
0x80: {  	_ =	shalt  }
0x81: {  	_ =	shalt  }
0x82: {  	_ =	shalt  }
0x83: {  	_ =	shalt  }
0x84: {  	_ =	shalt  }
0x85: {  	_ =	shalt  }
0x86: {  	_ =	shalt  }
0x87: {  	_ =	shalt  }
.Lfunc_end0:
.L_simem_size_0:
called_computation_lowered:
.L_overlay_start_0:
0x88: {  	s2 =	sld [smem:$0x3FD9]  }
0x89: {  	s3 =	sld [smem:$0x3FFE];
	_ =	sdelay $0x1  }
0x8a: {  	s1 =	srdreg.scid  }
0x8b: {  	s0 =	sand.u32 $0x1, s1  }
0x8c: {  	s17 =	sshll.u32 s0, $0xA;
	s2 =	sadd.s32 s3, s2  }
0x8d: {  	s2 =	sadd.s32 s2, s17  }
0x8e: {  	[smem:$0x3FB8] =	sst s2  }
0x8f: {  	_ = 	snop  }
0x90: {  	s2 =	sld [smem:$0x3FC7]  }
0x91: {  	s18 =	sld [smem:$0x3FD0];
	(tm) =	ssettm $0x1  }
0x92: {  	s4 =	sld [smem:$0x3FFB];
	_ =	sdelay $0x3  }
0x93: {  	_ =	strace s4  }
0x94: {  	s4 =	sld [smem:$0x3FFC];
	_ =	sdelay $0x3  }
0x95: {  	_ =	strace s4  }
0x96: {  	s4 =	sld [smem:$0x3FFD];
	_ =	sdelay $0x3  }
0x97: {  	_ =	strace s4  }
0x98: {  	_ =	strace $0x8FFFFFFF  }
0x99: {  	s19 =	sld [smem:$0x3FDB];
	_ =	sdelay $0x1  }
0x9a: {  	s5 =	simm.s32 $_scs_section_size  }
0x9b: {  	s6 =	simm.s32 $_size__tile_overlayer_lowered;
	s7 =	simm.s32 $_tile_overlayer_lowered  }
0x9c: {  	s22 =	simm.s32 $0x1BFF;
	s21 =	sshll.u32 s7, $0x1;
	s4 =	sadd.s32 s5, s19  }
0x9d: {  	s8 =	simm.s32 $0x0;
	s20 =	sshll.u32 s6, $0x1;
	s6 =	sadd.s32 s21, s4  }
0x9e: {  	[timem:s8], [sflag:s22] =	dma.local [hbm:s6], s20  }
0x9f: {  	_ =	swait.ge [sflag:s22], s20  }
0xa0: {  	s5 =	ssub.s32 $0x0, s20;
	[sflag:s22] =	ssyncset.done $0x0  }
0xa1: {  	[sflag:s22] =	ssyncadd.s32 s5;
	_ =	sdelay $0x1  }
0xa2: {  	s23 =	simm.s32 $0x1B8B  }
0xa3: {  	_ =	swait.ge [sflag:s23], $0x1  }
0xa4: {  	[sflag:s23] =	ssyncset.done $0x0  }
0xa5: {  	s25 =	simm.s32 $0x1B8E;
	s24 =	sld [smem:$0x3FFE];
	[sflag:s23] =	ssyncadd.s32 $0xFFFFFFFF  }
0xa6: {  	s26 =	simm.s32 $execute0_lowered;
	[smem:$0x3FD2] =	sst s25  }
0xa7: {  	s6 =	sshll.u32 s26, $0x1;
	_ =	strace $0x80000046;
	[dreg:$0x1] =	wrdreg $0xFFFFFFFF  }
0xa8: {  	s28 =	simm.s32 $_size_execute0_lowered;
	s4 =	sadd.s32 s4, s6;
	[dreg:$0x0] =	wrdreg $0x0  }
0xa9: {  	s6 =	sshll.u32 s28, $0x1;
	[dreg:$0x2] =	wrdreg s4  }
0xaa: {  	[dreg:$0x3] =	wrdreg s6  }
0xab: {  	[dreg:$0x4] =	wrdreg $0xC0  }
0xac: {  	_ =	task [dreg:s8], $0x5FFFF  }
0xad: {  	[dreg:$0x1] =	wrdreg $0xFFFFFFFF  }
0xae: {  	[dreg:$0x0] =	wrdreg $0x60  }
0xaf: {  	[dreg:$0x2] =	wrdreg s2  }
0xb0: {  	[dreg:$0x3] =	wrdreg s24  }
0xb1: {  	[dreg:$0x4] =	wrdreg s18  }
0xb2: {  	[dreg:$0x5] =	wrdreg $0x9  }
0xb3: {  	_ =	task.clear_ibuf [dreg:s8], $0x6FFFF;
	_ =	strace $0x90000046  }
0xb4: {  	s29 =	simm.s32 $0x9;
	_ =	strace $0x80000048  }
0xb5: {  	_ =	swait.ge [sflag:s29], $0x1  }
0xb6: {  	[sflag:s29] =	ssyncadd.s32 $0xFFFFFFFF  }
0xb7: {  	_ =	strace $0x90000048  }
0xb8: {  	_ =	sfence  }
0xb9: {  	s30 =	sld [smem:$0x0];
	_ =	sdelay $0x2  }
0xba: {  	s31 =	sshll.u32 s1, $0xD;
	s1 =	sshrl.u32 s1, $0x2  }
0xbb: {  	s3 =	sand.u32 $0x4000, s31;
	s1 =	sadd.s32 s1, s30  }
0xbc: {  	s0 =	sor.u32 s3, s0;
	s1 =	sshll.u32 s1, $0x11  }
0xbd: {  	s0 =	sor.u32 s1, s0  }
0xbe: {  	s0 =	sadd.s32 $0x8F2B, s0  }
0xbf: {  	[sflag:s0] =	ssyncadd.remote.s32 $0x1  }
0xc0: {  	_ =	sfence.sel $0xFFFF  }
0xc1: {  	[dreg:$0x0] =	wrdreg $0xFFFFFFFF;
	(pc) =	sbr.abs _section_cstart, $3  }
0xc2: {  	[dreg:$0x1] =	wrdreg $0xFFFFFFFF  }
0xc3: {  	_ =	task.clear_ibuf [dreg:s8], $0x2FFFF;
	_ =	strace $0x9FFFFFFF  }
0xc4: {  	(tm) =	ssettm $0x7FFFFFFF  }
0xc5: {  	_ =	shalt  }
tec
execute0_lowered:
.L_overlay_start_1:
0x0: {  	(tag) =	ssettag $0x1  }
0x1: {  	s1 =	rddreg [dreg:$0x0]  }
0x2: {  	s0 =	rddreg [dreg:$0x1]  }
0x3: {  	s2 =	rddreg [dreg:$0x2]  }
0x4: {  	s4 =	srdreg.scid;
	s11 =	stileid.u32;
	s3 =	simm.s32 $0x0  }
0x5: {  	s28 =	simm.s32 $0x1;
	s30 =	simm.s32 $0x3;
	s31 =	simm.s32 $0x4  }
0x6: {  	s5 =	sand.u32 $0x1, s4;
	s25 =	sshll.u32 s11, $0x1;
	[smem:$0x7FF] =	sst s3  }
0x7: {  	s14 =	sshll.u32 s11, $0x11;
	s6 =	sor.u32 s5, s25;
	_ =	strace $0x80000047  }
0x8: {  	s9 =	ssub.s32 $0x2, s5;
	s4 =	sshll.u32 s6, $0x6;
	s8 =	sshll.u32 s6, $0xA  }
0x9: {  	s10 =	sshrl.u32 s9, $0x1;
	s26 =	sshll.u32 s6, $0x10;
	s6 =	sshll.u32 s6, $0xD  }
0xa: {  	s7 =	sadd.s32 s4, s0;
	s4 =	sadd.s32 $0x3000, s0;
	s19 =	sadd.s32 s2, s6  }
0xb: {  	s8 =	sadd.s32 s8, s0;
	s7 =	sadd.s32 $0x2800, s7;
	[dreg:$0x11] =	wrdreg s19  }
0xc: {  	s0 =	sadd.s32 $0xD000, s0;
	s29 =	sadd.s32 $0x5000, s8;
	[dreg:$0x8] =	wrdreg s7  }
0xd: {  	s9 =	ssub.s32 s9, s10;
	s10 =	sadd.s32 s0, s26;
	[dreg:$0xa] =	wrdreg s29  }
0xe: {  	s11 =	simm.s32 $0x14200;
	s22 =	sadd.s32 $0x800, s19;
	[dreg:$0x9] =	wrdreg s10  }
0xf: {  	s5 =	sshll.u32 s5, $0x10;
	s25 =	sadd.s32 $0x1000, s19;
	[dreg:$0x13] =	wrdreg s22  }
0x10: {  	s17 =	sor.u32 s5, s14;
	s26 =	sadd.s32 $0x1800, s19;
	[dreg:$0x14] =	wrdreg s25  }
0x11: {  	s20 =	sadd.s32 s17, s0;
	s8 =	sadd.s32 $0x400, s10;
	[dreg:$0x15] =	wrdreg s26  }
0x12: {  	s0 =	sadd.s32 s14, s0;
	s12 =	sadd.s32 $0x800, s10;
	[dreg:$0xb] =	wrdreg s8  }
0x13: {  	s17 =	simm.s32 $0x12;
	s13 =	sadd.s32 $0xC00, s10;
	[dreg:$0xc] =	wrdreg s12  }
0x14: {  	s19 =	simm.s32 $0x10;
	s15 =	sadd.s32 $0xF000, s10;
	[dreg:$0xd] =	wrdreg s13  }
0x15: {  	s16 =	sadd.s32 $0xF400, s10;
	s18 =	sadd.s32 $0xF800, s10;
	[dreg:$0xe] =	wrdreg s15  }
0x16: {  	s21 =	sadd.s32 $0xFC00, s10;
	s23 =	sadd.s32 $0x1800, s20;
	[dreg:$0xf] =	wrdreg s16  }
0x17: {  	s24 =	sadd.s32 $0x1400, s20;
	s2 =	sadd.s32 $0x1C00, s20;
	[dreg:$0x10] =	wrdreg s18  }
0x18: {  	s0 =	sadd.s32 s5, s0;
	s29 =	smax.u32 s9, $0x1;
	[dreg:$0x12] =	wrdreg s21  }
0x19: {  	s20 =	simm.s32 $0x15;
	s22 =	simm.s32 $0x80;
	[dreg:$0x6] =	wrdreg s23  }
0x1a: {  	s10 =	simm.s32 $0x12200;
	s25 =	simm.s32 $0x14;
	[dreg:$0x5] =	wrdreg s24  }
0x1b: {  	s5 =	simm.s32 $0x0;
	[dreg:$0x7] =	wrdreg s2;
	s0 =	sadd.s32 $0x1000, s0  }
0x1c: {  	[dreg:$0x16] =	wrdreg s29;
	s23 =	simm.s32 $0x2200;
	s24 =	simm.s32 $0x6200  }
0x1d: {  	s12 =	simm.s32 $0x16200;
	s13 =	simm.s32 $0x18200;
	s21 =	simm.s32 $0xF  }
0x1e: {  	s18 =	simm.s32 $0x13;
	[dreg:$0x4] =	wrdreg s0;
	s0 =	simm.s32 $0x2  }
.LBB2_1:
0x1f: {  	s2 =	rddreg [dreg:$0x8]  }
0x20: {  	[tilespmem:s3], [sflag:$0x15] =	stream.linear.gather [hbm4b:s2+s3], $0x200, $0x38;
	[tilespmem:$0x1A200] =	vst v63  }
0x21: {  	_ =	swait.ge [sflag:s20], $0x200  }
0x22: {  	[sflag:s20] =	ssyncset.done $0x0  }
0x23: {  	s6 =	simm.s32 $0x200;
	s9 =	rddreg [dreg:$0xa];
	[sflag:s20] =	ssyncadd.s32 $0xFFFFFE00  }
0x24: {  	[tilespmem:s6], [sflag:$0x15] =	stream.linear.gather [hbm4b:s9+s3], $0x2000, $0x38;
	[tilespmem:$0x1A200] =	vst v63  }
0x25: {  	_ =	swait.ge [sflag:s20], $0x2000  }
0x26: {  	[sflag:s20] =	ssyncset.done $0x0  }
0x27: {  	[sflag:s20] =	ssyncadd.s32 $0xFFFFE000  }
0x28: {  	[tilespmem:s23], [sflag:$0x1] =	stream.indirect.gather [hbm4b:s1+s22], $0x80, s3, s22, $0xb8;
	[tilespmem:$0x1A200] =	vst v63  }
0x29: {  	_ = 	snop  }
0x2a: {  	[tilespmem:s24], [sflag:$0x2] =	stream.indirect.gather [hbm4b:s1+s22], $0x80, s22, s22, $0xb8;
	[tilespmem:$0x1A200] =	vst v63  }
0x2b: {  	s7 =	simm.s32 $0xA200  }
0x2c: {  	[tilespmem:s7], [sflag:$0x5] =	stream.indirect.gather [hbm4b:s4+s22], $0x40, s6, s22, $0xb8;
	[tilespmem:$0x1A200] =	vst v63  }
0x2d: {  	s14 =	simm.s32 $0x280;
	s6 =	simm.s32 $0xC200  }
0x2e: {  	[tilespmem:s6], [sflag:$0x6] =	stream.indirect.gather [hbm4b:s4+s22], $0x40, s14, s22, $0xb8;
	[tilespmem:$0x1A200] =	vst v63  }
0x2f: {  	s15 =	simm.s32 $0x300;
	s8 =	simm.s32 $0xE200  }
0x30: {  	[tilespmem:s8], [sflag:$0x7] =	stream.indirect.gather [hbm4b:s4+s22], $0x40, s15, s22, $0xb8;
	[tilespmem:$0x1A200] =	vst v63  }
0x31: {  	s16 =	simm.s32 $0x380;
	s26 =	simm.s32 $0x5;
	s9 =	simm.s32 $0x10200  }
0x32: {  	[tilespmem:s9], [sflag:$0x8] =	stream.indirect.gather [hbm4b:s4+s22], $0x40, s16, s22, $0xb8;
	[tilespmem:$0x1A200] =	vst v63  }
0x33: {  	_ =	swait.ge [sflag:s26], $0x2000  }
0x34: {  	[sflag:s26] =	ssyncset.done $0x0  }
0x35: {  	s15 =	simm.s32 $0x6;
	s14 =	rddreg [dreg:$0x9];
	[sflag:s26] =	ssyncadd.s32 $0xFFFFE000  }
0x36: {  	[hbm4b:s14+s3] =	stream.linear.scatter [tilespmem:s7], [sflag:$0xD], $0x2000, $0x38;
	[tilespmem:$0x1A200] =	vst v63  }
0x37: {  	_ =	swait.ge [sflag:s15], $0x2000  }
0x38: {  	[sflag:s15] =	ssyncset.done $0x0  }
0x39: {  	s26 =	simm.s32 $0x7;
	s16 =	rddreg [dreg:$0xb];
	[sflag:s15] =	ssyncadd.s32 $0xFFFFE000  }
0x3a: {  	[hbm4b:s16+s3] =	stream.linear.scatter [tilespmem:s6], [sflag:$0xE], $0x2000, $0x38;
	[tilespmem:$0x1A200] =	vst v63  }
0x3b: {  	_ =	swait.ge [sflag:s26], $0x2000  }
0x3c: {  	[sflag:s26] =	ssyncset.done $0x0  }
0x3d: {  	s7 =	simm.s32 $0x8;
	s6 =	rddreg [dreg:$0xc];
	[sflag:s26] =	ssyncadd.s32 $0xFFFFE000  }
0x3e: {  	[hbm4b:s6+s3] =	stream.linear.scatter [tilespmem:s8], [sflag:$0xF], $0x2000, $0x38;
	[tilespmem:$0x1A200] =	vst v63  }
0x3f: {  	_ =	swait.ge [sflag:s7], $0x2000  }
0x40: {  	[sflag:s7] =	ssyncset.done $0x0  }
0x41: {  	s8 =	rddreg [dreg:$0xd];
	[sflag:s7] =	ssyncadd.s32 $0xFFFFE000  }
0x42: {  	[hbm4b:s8+s3] =	stream.linear.scatter [tilespmem:s9], [sflag:$0x10], $0x2000, $0x38;
	[tilespmem:$0x1A200] =	vst v63  }
0x43: {  	s9 =	simm.s32 $0x400  }
0x44: {  	[tilespmem:s10], [sflag:$0x9] =	stream.indirect.gather [hbm4b:s4+s22], $0x40, s9, s22, $0xb8;
	[tilespmem:$0x1A200] =	vst v63  }
0x45: {  	s10 =	simm.s32 $0x480  }
0x46: {  	[tilespmem:s11], [sflag:$0xA] =	stream.indirect.gather [hbm4b:s4+s22], $0x40, s10, s22, $0xb8;
	[tilespmem:$0x1A200] =	vst v63  }
0x47: {  	s11 =	simm.s32 $0x500  }
0x48: {  	[tilespmem:s12], [sflag:$0xB] =	stream.indirect.gather [hbm4b:s4+s22], $0x40, s11, s22, $0xb8;
	[tilespmem:$0x1A200] =	vst v63  }
0x49: {  	s2 =	sand.u32 $0x4, s7;
	s12 =	simm.s32 $0x580  }
0x4a: {  	[tilespmem:s13], [sflag:$0xC] =	stream.indirect.gather [hbm4b:s4+s22], $0x40, s12, s22, $0xb8;
	[tilespmem:$0x1A200] =	vst v63  }
0x4b: {  	s13 =	sadd.s32 $0xD, s2  }
0x4c: {  	s14 =	simm.s32 $0x600;
	_ =	swait.ge [sflag:s13], $0x2000  }
0x4d: {  	s15 =	sadd.s32 $0xE, s2;
	s7 =	sshll.u32 s2, $0xD;
	[sflag:s13] =	ssyncset.done $0x0  }
0x4e: {  	s26 =	sadd.s32 $0x5, s2;
	s16 =	sadd.s32 $0xA200, s7;
	[sflag:s13] =	ssyncadd.s32 $0xFFFFE000  }
0x4f: {  	[tilespmem:s16], [sflag:s26] =	stream.indirect.gather [hbm4b:s4+s22], $0x40, s14, s22, $0xb8;
	[tilespmem:$0x1A200] =	vst v63  }
0x50: {  	s29 =	simm.s32 $0x10;
	_ =	swait.ge [sflag:s15], $0x2000  }
0x51: {  	s11 =	simm.s32 $0x680;
	s12 =	sadd.s32 $0xF, s2;
	[sflag:s15] =	ssyncset.done $0x0  }
0x52: {  	s13 =	sadd.s32 $0xC200, s7;
	s14 =	sadd.s32 $0x6, s2;
	[sflag:s15] =	ssyncadd.s32 $0xFFFFE000  }
0x53: {  	[tilespmem:s13], [sflag:s14] =	stream.indirect.gather [hbm4b:s4+s22], $0x40, s11, s22, $0xb8;
	[tilespmem:$0x1A200] =	vst v63  }
0x54: {  	s16 =	sor.u32 $0x10, s2;
	s26 =	sadd.s32 $0xE200, s7;
	_ =	swait.ge [sflag:s12], $0x2000  }
0x55: {  	s7 =	sor.u32 $0x10200, s7;
	s15 =	simm.s32 $0x700;
	[sflag:s12] =	ssyncset.done $0x0  }
0x56: {  	s11 =	sadd.s32 $0x7, s2;
	s13 =	simm.s32 $0x4;
	[sflag:s12] =	ssyncadd.s32 $0xFFFFE000  }
0x57: {  	[tilespmem:s26], [sflag:s11] =	stream.indirect.gather [hbm4b:s4+s22], $0x40, s15, s22, $0xb8;
	[tilespmem:$0x1A200] =	vst v63  }
0x58: {  	s2 =	sor.u32 $0x8, s2;
	s10 =	sand.u32 $0x4, s13;
	_ =	swait.ge [sflag:s16], $0x2000  }
0x59: {  	s14 =	sadd.s32 $0x5, s10;
	s9 =	sshll.u32 s10, $0xD;
	[sflag:s16] =	ssyncset.done $0x0  }
0x5a: {  	s8 =	sadd.s32 $0x6, s10;
	s12 =	simm.s32 $0x780;
	[sflag:s16] =	ssyncadd.s32 $0xFFFFE000  }
0x5b: {  	[tilespmem:s7], [sflag:s2] =	stream.indirect.gather [hbm4b:s4+s22], $0x40, s12, s22, $0xb8;
	[tilespmem:$0x1A200] =	vst v63  }
0x5c: {  	s26 =	sadd.s32 $0xA200, s9;
	s11 =	sadd.s32 $0xC200, s9;
	_ =	swait.ge [sflag:s14], $0x2000  }
0x5d: {  	s16 =	sadd.s32 $0xD, s10;
	s15 =	rddreg [dreg:$0x4];
	[sflag:s14] =	ssyncset.done $0x0  }
0x5e: {  	s12 =	sadd.s32 $0x7, s10;
	[sflag:s14] =	ssyncadd.s32 $0xFFFFE000;
	s6 =	sadd.s32 $0x0, s15  }
0x5f: {  	[hbm4b:s6+s3] =	stream.linear.scatter [tilespmem:s26], [sflag:s16], $0x2000, $0x38;
	[tilespmem:$0x1A200] =	vst v63  }
0x60: {  	s14 =	sadd.s32 $0xF, s10;
	s15 =	sadd.s32 $0xE200, s9;
	_ =	swait.ge [sflag:s8], $0x2000  }
0x61: {  	s16 =	sor.u32 $0x8, s10;
	s7 =	rddreg [dreg:$0x5];
	[sflag:s8] =	ssyncset.done $0x0  }
0x62: {  	[sflag:s8] =	ssyncadd.s32 $0xFFFFE000;
	s8 =	sadd.s32 $0xE, s10;
	s2 =	sadd.s32 $0x0, s7  }
0x63: {  	[hbm4b:s2+s3] =	stream.linear.scatter [tilespmem:s11], [sflag:s8], $0x2000, $0x38;
	[tilespmem:$0x1A200] =	vst v63  }
0x64: {  	s26 =	simm.s32 $0x2000;
	s7 =	simm.s32 $0x1000;
	_ =	swait.ge [sflag:s12], $0x2000  }
0x65: {  	s10 =	sor.u32 $0x10, s10;
	s13 =	rddreg [dreg:$0x6];
	[sflag:s12] =	ssyncset.done $0x0  }
0x66: {  	s2 =	simm.s32 $0xC;
	[sflag:s12] =	ssyncadd.s32 $0xFFFFE000;
	s6 =	sadd.s32 $0x0, s13  }
0x67: {  	[hbm4b:s6+s3] =	stream.linear.scatter [tilespmem:s15], [sflag:s14], $0x2000, $0x38;
	[tilespmem:$0x1A200] =	vst v63  }
0x68: {  	s8 =	sand.u32 $0x4, s2;
	s12 =	sor.u32 $0x10200, s9;
	_ =	swait.ge [sflag:s16], $0x2000  }
0x69: {  	s9 =	simm.s32 $0x0;
	s6 =	sshll.u32 s8, $0xD;
	[sflag:s16] =	ssyncset.done $0x0  }
0x6a: {  	s14 =	simm.s32 $0x980;
	s11 =	rddreg [dreg:$0x7];
	[sflag:s16] =	ssyncadd.s32 $0xFFFFE000  }
.LBB2_2:
0x6b: {  	s15 =	sadd.s32 $0xD, s8;
	s11 =	sadd.s32 s9, s11  }
0x6c: {  	[hbm4b:s11+s3] =	stream.linear.scatter [tilespmem:s12], [sflag:s10], $0x2000, $0x38;
	[tilespmem:$0x1A200] =	vst v63  }
0x6d: {  	_ =	swait.ge [sflag:s15], $0x2000  }
0x6e: {  	s16 =	sadd.s32 $0xA200, s6;
	s10 =	sadd.s32 $0xFFFFFE80, s14;
	[sflag:s15] =	ssyncset.done $0x0  }
0x6f: {  	s12 =	sadd.s32 $0xE, s8;
	[sflag:s15] =	ssyncadd.s32 $0xFFFFE000;
	s15 =	sadd.s32 $0x5, s8  }
0x70: {  	[tilespmem:s16], [sflag:s15] =	stream.indirect.gather [hbm4b:s4+s22], $0x40, s10, s22, $0xb8;
	[tilespmem:$0x1A200] =	vst v63  }
0x71: {  	_ =	swait.ge [sflag:s12], $0x2000  }
0x72: {  	s10 =	sadd.s32 $0xFFFFFF00, s14;
	s15 =	sadd.s32 $0xF, s8;
	[sflag:s12] =	ssyncset.done $0x0  }
0x73: {  	s16 =	sadd.s32 $0xC200, s6;
	[sflag:s12] =	ssyncadd.s32 $0xFFFFE000;
	s12 =	sadd.s32 $0x6, s8  }
0x74: {  	[tilespmem:s16], [sflag:s12] =	stream.indirect.gather [hbm4b:s4+s22], $0x40, s10, s22, $0xb8;
	[tilespmem:$0x1A200] =	vst v63  }
0x75: {  	s13 =	sand.u32 $0x4, s29;
	_ =	swait.ge [sflag:s15], $0x2000  }
0x76: {  	s10 =	sadd.s32 $0xFFFFFF80, s14;
	s12 =	sor.u32 $0x10, s8;
	[sflag:s15] =	ssyncset.done $0x0  }
0x77: {  	s16 =	sadd.s32 $0xE200, s6;
	[sflag:s15] =	ssyncadd.s32 $0xFFFFE000;
	s15 =	sadd.s32 $0x7, s8  }
0x78: {  	[tilespmem:s16], [sflag:s15] =	stream.indirect.gather [hbm4b:s4+s22], $0x40, s10, s22, $0xb8;
	[tilespmem:$0x1A200] =	vst v63  }
0x79: {  	s9 =	smov.u32 s7;
	s2 =	sadd.s32 $0xFFFFFFFC, s2;
	_ =	swait.ge [sflag:s12], $0x2000  }
0x7a: {  	s16 =	sor.u32 $0x8, s8;
	s10 =	sand.u32 $0x4, s2;
	[sflag:s12] =	ssyncset.done $0x0  }
0x7b: {  	s15 =	sor.u32 $0x10200, s6;
	[sflag:s12] =	ssyncadd.s32 $0xFFFFE000;
	s12 =	sadd.s32 $0x5, s10  }
0x7c: {  	[tilespmem:s15], [sflag:s16] =	stream.indirect.gather [hbm4b:s4+s22], $0x40, s14, s22, $0xb8;
	[tilespmem:$0x1A200] =	vst v63  }
0x7d: {  	s11 =	sshll.u32 s13, $0xD;
	s8 =	smov.u32 s13;
	_ =	swait.ge [sflag:s12], $0x2000  }
0x7e: {  	s6 =	smov.u32 s11;
	s15 =	sshll.u32 s10, $0xD;
	[sflag:s12] =	ssyncset.done $0x0  }
0x7f: {  	s13 =	sadd.s32 $0xA200, s15;
	s16 =	rddreg [dreg:$0x4];
	[sflag:s12] =	ssyncadd.s32 $0xFFFFE000  }
0x80: {  	s12 =	sadd.s32 $0xD, s10;
	s11 =	sadd.s32 s9, s16;
	s16 =	sadd.s32 $0x6, s10  }
0x81: {  	[hbm4b:s11+s3] =	stream.linear.scatter [tilespmem:s13], [sflag:s12], $0x2000, $0x38;
	[tilespmem:$0x1A200] =	vst v63  }
0x82: {  	s12 =	sadd.s32 $0xE, s10;
	_ =	swait.ge [sflag:s16], $0x2000  }
0x83: {  	s13 =	sadd.s32 $0xC200, s15;
	s11 =	rddreg [dreg:$0x5];
	[sflag:s16] =	ssyncset.done $0x0  }
0x84: {  	[sflag:s16] =	ssyncadd.s32 $0xFFFFE000;
	s11 =	sadd.s32 s9, s11;
	s16 =	sadd.s32 $0x7, s10  }
0x85: {  	[hbm4b:s11+s3] =	stream.linear.scatter [tilespmem:s13], [sflag:s12], $0x2000, $0x38;
	[tilespmem:$0x1A200] =	vst v63  }
0x86: {  	s7 =	smov.u32 s26;
	p0 =	sne.s32 s26, $0xD000;
	_ =	swait.ge [sflag:s16], $0x2000  }
0x87: {  	s26 =	sadd.s32 $0x1000, s26;
	s12 =	sadd.s32 $0xF, s10;
	[sflag:s16] =	ssyncset.done $0x0  }
0x88: {  	s13 =	sadd.s32 $0xE200, s15;
	s11 =	rddreg [dreg:$0x6];
	[sflag:s16] =	ssyncadd.s32 $0xFFFFE000  }
.Ltmp0:
0x89: {  	s11 =	sadd.s32 s9, s11;
	s16 =	sor.u32 $0x8, s10;
	(pc) =	sbr.rel @p0 .LBB2_2-.Ltmp0, $4  }
0x8a: {  	[hbm4b:s11+s3] =	stream.linear.scatter [tilespmem:s13], [sflag:s12], $0x2000, $0x38;
	[tilespmem:$0x1A200] =	vst v63  }
0x8b: {  	s2 =	smov.u32 s29;
	s29 =	sadd.s32 $0x4, s29;
	_ =	swait.ge [sflag:s16], $0x2000  }
0x8c: {  	s14 =	sadd.s32 $0x200, s14;
	s10 =	sor.u32 $0x10, s10;
	[sflag:s16] =	ssyncset.done $0x0  }
0x8d: {  	s12 =	sor.u32 $0x10200, s15;
	s11 =	rddreg [dreg:$0x7];
	[sflag:s16] =	ssyncadd.s32 $0xFFFFE000  }
0x8e: {  	s9 =	sadd.s32 s9, s11;
	s15 =	sadd.s32 $0xD, s8  }
0x8f: {  	[hbm4b:s9+s3] =	stream.linear.scatter [tilespmem:s12], [sflag:s10], $0x2000, $0x38;
	[tilespmem:$0x1A200] =	vst v63  }
0x90: {  	_ =	swait.ge [sflag:s15], $0x2000  }
0x91: {  	s16 =	sadd.s32 $0xFFFFFE80, s14;
	s26 =	sadd.s32 $0xA200, s6;
	[sflag:s15] =	ssyncset.done $0x0  }
0x92: {  	s29 =	sadd.s32 $0x5, s8;
	s10 =	sadd.s32 $0xE, s8;
	[sflag:s15] =	ssyncadd.s32 $0xFFFFE000  }
0x93: {  	[tilespmem:s26], [sflag:s29] =	stream.indirect.gather [hbm4b:s4+s22], $0x40, s16, s22, $0xb8;
	[tilespmem:$0x1A200] =	vst v63  }
0x94: {  	_ =	swait.ge [sflag:s10], $0x2000  }
0x95: {  	s11 =	sadd.s32 $0xFFFFFF00, s14;
	s13 =	sadd.s32 $0x6, s8;
	[sflag:s10] =	ssyncset.done $0x0  }
0x96: {  	s12 =	sadd.s32 $0xC200, s6;
	s15 =	sadd.s32 $0xF, s8;
	[sflag:s10] =	ssyncadd.s32 $0xFFFFE000  }
0x97: {  	[tilespmem:s12], [sflag:s13] =	stream.indirect.gather [hbm4b:s4+s22], $0x40, s11, s22, $0xb8;
	[tilespmem:$0x1A200] =	vst v63  }
0x98: {  	_ =	swait.ge [sflag:s15], $0x2000  }
0x99: {  	s16 =	sadd.s32 $0xFFFFFF80, s14;
	s26 =	sadd.s32 $0xE200, s6;
	[sflag:s15] =	ssyncset.done $0x0  }
0x9a: {  	s29 =	sadd.s32 $0x7, s8;
	s11 =	sor.u32 $0x10, s8;
	[sflag:s15] =	ssyncadd.s32 $0xFFFFE000  }
0x9b: {  	[tilespmem:s26], [sflag:s29] =	stream.indirect.gather [hbm4b:s4+s22], $0x40, s16, s22, $0xb8;
	[tilespmem:$0x1A200] =	vst v63  }
0x9c: {  	s2 =	sadd.s32 $0xFFFFFFFC, s2;
	_ =	swait.ge [sflag:s11], $0x2000  }
0x9d: {  	s2 =	sand.u32 $0x4, s2;
	s12 =	sor.u32 $0x8, s8;
	[sflag:s11] =	ssyncset.done $0x0  }
0x9e: {  	s13 =	sor.u32 $0x10200, s6;
	s15 =	sadd.s32 $0x5, s2;
	[sflag:s11] =	ssyncadd.s32 $0xFFFFE000  }
0x9f: {  	[tilespmem:s13], [sflag:s12] =	stream.indirect.gather [hbm4b:s4+s22], $0x40, s14, s22, $0xb8;
	[tilespmem:$0x1A200] =	vst v63  }
0xa0: {  	s9 =	sshll.u32 s2, $0xD;
	_ =	swait.ge [sflag:s15], $0x2000  }
0xa1: {  	s26 =	sadd.s32 $0xD, s2;
	s16 =	rddreg [dreg:$0x4];
	[sflag:s15] =	ssyncset.done $0x0  }
0xa2: {  	s29 =	sadd.s32 $0xA200, s9;
	[sflag:s15] =	ssyncadd.s32 $0xFFFFE000;
	s8 =	sadd.s32 s7, s16  }
0xa3: {  	[hbm4b:s8+s3] =	stream.linear.scatter [tilespmem:s29], [sflag:s26], $0x2000, $0x38;
	[tilespmem:$0x1A200] =	vst v63  }
0xa4: {  	s8 =	sadd.s32 $0x6, s2  }
0xa5: {  	s11 =	sadd.s32 $0xE, s2;
	_ =	swait.ge [sflag:s8], $0x2000  }
0xa6: {  	s12 =	sadd.s32 $0xC200, s9;
	s10 =	rddreg [dreg:$0x5];
	[sflag:s8] =	ssyncset.done $0x0  }
0xa7: {  	s13 =	sadd.s32 $0x7, s2;
	[sflag:s8] =	ssyncadd.s32 $0xFFFFE000;
	s8 =	sadd.s32 s7, s10  }
0xa8: {  	[hbm4b:s8+s3] =	stream.linear.scatter [tilespmem:s12], [sflag:s11], $0x2000, $0x38;
	[tilespmem:$0x1A200] =	vst v63  }
0xa9: {  	s15 =	sadd.s32 $0xF, s2;
	_ =	swait.ge [sflag:s13], $0x2000  }
0xaa: {  	s16 =	sadd.s32 $0xE200, s9;
	s14 =	rddreg [dreg:$0x6];
	[sflag:s13] =	ssyncset.done $0x0  }
0xab: {  	s26 =	sor.u32 $0x8, s2;
	[sflag:s13] =	ssyncadd.s32 $0xFFFFE000;
	s8 =	sadd.s32 s7, s14  }
0xac: {  	[hbm4b:s8+s3] =	stream.linear.scatter [tilespmem:s16], [sflag:s15], $0x2000, $0x38;
	[tilespmem:$0x1A200] =	vst v63  }
0xad: {  	s9 =	sor.u32 $0x10200, s9;
	_ =	swait.ge [sflag:s26], $0x2000  }
0xae: {  	s2 =	sor.u32 $0x10, s2;
	s29 =	rddreg [dreg:$0x7];
	[sflag:s26] =	ssyncset.done $0x0  }
0xaf: {  	s10 =	simm.s32 $0x9;
	[sflag:s26] =	ssyncadd.s32 $0xFFFFE000;
	s8 =	sadd.s32 s7, s29  }
0xb0: {  	[hbm4b:s8+s3] =	stream.linear.scatter [tilespmem:s9], [sflag:s2], $0x2000, $0x38;
	[tilespmem:$0x1A200] =	vst v63  }
0xb1: {  	_ =	swait.ge [sflag:s10], $0x2000  }
0xb2: {  	s12 =	simm.s32 $0xA;
	[sflag:s10] =	ssyncset.done $0x0  }
0xb3: {  	s11 =	rddreg [dreg:$0xe];
	[sflag:s10] =	ssyncadd.s32 $0xFFFFE000;
	s10 =	simm.s32 $0x12200  }
0xb4: {  	[hbm4b:s11+s3] =	stream.linear.scatter [tilespmem:s10], [sflag:$0x11], $0x2000, $0x38;
	[tilespmem:$0x1A200] =	vst v63  }
0xb5: {  	_ =	swait.ge [sflag:s12], $0x2000  }
0xb6: {  	s14 =	simm.s32 $0xB;
	[sflag:s12] =	ssyncset.done $0x0  }
0xb7: {  	s11 =	simm.s32 $0x14200;
	s13 =	rddreg [dreg:$0xf];
	[sflag:s12] =	ssyncadd.s32 $0xFFFFE000  }
0xb8: {  	[hbm4b:s13+s3] =	stream.linear.scatter [tilespmem:s11], [sflag:$0x12], $0x2000, $0x38;
	[tilespmem:$0x1A200] =	vst v63  }
0xb9: {  	_ =	swait.ge [sflag:s14], $0x2000  }
0xba: {  	s16 =	simm.s32 $0xC;
	[sflag:s14] =	ssyncset.done $0x0  }
0xbb: {  	s12 =	simm.s32 $0x16200;
	s15 =	rddreg [dreg:$0x10];
	[sflag:s14] =	ssyncadd.s32 $0xFFFFE000  }
0xbc: {  	[hbm4b:s15+s3] =	stream.linear.scatter [tilespmem:s12], [sflag:$0x13], $0x2000, $0x38;
	[tilespmem:$0x1A200] =	vst v63  }
0xbd: {  	_ =	swait.ge [sflag:s16], $0x2000  }
0xbe: {  	s29 =	simm.s32 $0xD;
	[sflag:s16] =	ssyncset.done $0x0  }
0xbf: {  	s13 =	simm.s32 $0x18200;
	s26 =	rddreg [dreg:$0x12];
	[sflag:s16] =	ssyncadd.s32 $0xFFFFE000  }
0xc0: {  	[hbm4b:s26+s3] =	stream.linear.scatter [tilespmem:s13], [sflag:$0x14], $0x2000, $0x38;
	[tilespmem:$0x1A200] =	vst v63  }
0xc1: {  	_ =	swait.ge [sflag:s29], $0x2000  }
0xc2: {  	[sflag:s29] =	ssyncset.done $0x0  }
0xc3: {  	s6 =	simm.s32 $0x11;
	[sflag:s29] =	ssyncadd.s32 $0xFFFFE000  }
0xc4: {  	_ =	swait.ge [sflag:s6], $0x2000  }
0xc5: {  	[sflag:s6] =	ssyncset.done $0x0  }
0xc6: {  	s7 =	simm.s32 $0xE;
	[sflag:s6] =	ssyncadd.s32 $0xFFFFE000  }
0xc7: {  	_ =	swait.ge [sflag:s7], $0x2000  }
0xc8: {  	[sflag:s7] =	ssyncset.done $0x0  }
0xc9: {  	[sflag:s7] =	ssyncadd.s32 $0xFFFFE000  }
0xca: {  	_ =	swait.ge [sflag:s17], $0x2000  }
0xcb: {  	[sflag:s17] =	ssyncset.done $0x0  }
0xcc: {  	[sflag:s17] =	ssyncadd.s32 $0xFFFFE000  }
0xcd: {  	_ =	swait.ge [sflag:s21], $0x2000  }
0xce: {  	[sflag:s21] =	ssyncset.done $0x0  }
0xcf: {  	[sflag:s21] =	ssyncadd.s32 $0xFFFFE000  }
0xd0: {  	_ =	swait.ge [sflag:s18], $0x2000  }
0xd1: {  	[sflag:s18] =	ssyncset.done $0x0  }
0xd2: {  	[sflag:s18] =	ssyncadd.s32 $0xFFFFE000  }
0xd3: {  	_ =	swait.ge [sflag:s19], $0x2000  }
0xd4: {  	[sflag:s19] =	ssyncset.done $0x0  }
0xd5: {  	[sflag:s19] =	ssyncadd.s32 $0xFFFFE000  }
0xd6: {  	_ =	swait.ge [sflag:s25], $0x2000  }
0xd7: {  	[sflag:s25] =	ssyncset.done $0x0  }
0xd8: {  	[sflag:s25] =	ssyncadd.s32 $0xFFFFE000  }
0xd9: {  	_ =	swait.ge [sflag:s28], $0x4000  }
0xda: {  	[sflag:s28] =	ssyncset.done $0x0  }
0xdb: {  	s8 =	rddreg [dreg:$0x11];
	[sflag:s28] =	ssyncadd.s32 $0xFFFFC000  }
0xdc: {  	[hbm4b:s8+s3] =	stream.linear.scatter [tilespmem:s23], [sflag:$0x3], $0x4000, $0x38;
	[tilespmem:$0x1A200] =	vst v63  }
0xdd: {  	_ =	swait.ge [sflag:s30], $0x4000  }
0xde: {  	[sflag:s30] =	ssyncset.done $0x0  }
0xdf: {  	s9 =	simm.s32 $0x100;
	[sflag:s30] =	ssyncadd.s32 $0xFFFFC000  }
0xe0: {  	[tilespmem:s23], [sflag:$0x1] =	stream.indirect.gather [hbm4b:s1+s22], $0x80, s9, s22, $0xb8;
	[tilespmem:$0x1A200] =	vst v63  }
0xe1: {  	_ =	swait.ge [sflag:s0], $0x4000  }
0xe2: {  	[sflag:s0] =	ssyncset.done $0x0  }
0xe3: {  	s14 =	rddreg [dreg:$0x13];
	[sflag:s0] =	ssyncadd.s32 $0xFFFFC000  }
0xe4: {  	[hbm4b:s14+s3] =	stream.linear.scatter [tilespmem:s24], [sflag:$0x4], $0x4000, $0x38;
	[tilespmem:$0x1A200] =	vst v63  }
0xe5: {  	_ =	swait.ge [sflag:s31], $0x4000  }
0xe6: {  	[sflag:s31] =	ssyncset.done $0x0  }
0xe7: {  	s15 =	simm.s32 $0x180;
	[sflag:s31] =	ssyncadd.s32 $0xFFFFC000  }
0xe8: {  	[tilespmem:s24], [sflag:$0x2] =	stream.indirect.gather [hbm4b:s1+s22], $0x80, s15, s22, $0xb8;
	[tilespmem:$0x1A200] =	vst v63  }
0xe9: {  	_ =	swait.ge [sflag:s28], $0x4000  }
0xea: {  	[sflag:s28] =	ssyncset.done $0x0  }
0xeb: {  	s16 =	rddreg [dreg:$0x14];
	[sflag:s28] =	ssyncadd.s32 $0xFFFFC000  }
0xec: {  	[hbm4b:s16+s3] =	stream.linear.scatter [tilespmem:s23], [sflag:$0x3], $0x4000, $0x38;
	[tilespmem:$0x1A200] =	vst v63  }
0xed: {  	_ =	swait.ge [sflag:s0], $0x4000  }
0xee: {  	[sflag:s0] =	ssyncset.done $0x0  }
0xef: {  	s26 =	rddreg [dreg:$0x15];
	[sflag:s0] =	ssyncadd.s32 $0xFFFFC000  }
0xf0: {  	[hbm4b:s26+s3] =	stream.linear.scatter [tilespmem:s24], [sflag:$0x4], $0x4000, $0x38;
	[tilespmem:$0x1A200] =	vst v63  }
0xf1: {  	_ =	swait.ge [sflag:s30], $0x4000  }
0xf2: {  	[sflag:s30] =	ssyncset.done $0x0  }
0xf3: {  	[sflag:s30] =	ssyncadd.s32 $0xFFFFC000  }
0xf4: {  	_ =	swait.ge [sflag:s31], $0x4000  }
0xf5: {  	s5 =	sadd.s32 $0x1, s5;
	s29 =	rddreg [dreg:$0x16]  }
0xf6: {  	p0 =	sne.s32 s5, s29  }
.Ltmp1:
0xf7: {  	_ = 	snop;
	(pc) =	sbr.rel @p0 .LBB2_1-.Ltmp1, $3  }
0xf8: {  	_ =	sdelay $0x1  }
0xf9: {  	[sflag:s31] =	ssyncset.done $0x0  }
0xfa: {  	[sflag:s31] =	ssyncadd.s32 $0xFFFFC000  }
0xfb: {  	_ =	sfence.sel $0x180000  }
0xfc: {  	[bflag:$0x0] =	sbarrier.arrive $0xFFFF  }
0xfd: {  	_ =	strace $0x90000047  }
0xfe: {  	s0 =	stileid.u32;
	[bflag:$0x2] =	sbarrier.arrive $0xFFFF  }
0xff: {  	p0 =	sne.s32 s0, $0x0;
	s0 =	rddreg [dreg:$0x3]  }
0x100: {  	s0 =	sadd.s32 @!p0 $0x100000, s0  }
0x101: {  	[sflag:s0] =	ssyncadd.tile.s32 @!p0 $0x1;
	_ =	shalt  }
.Lfunc_end2:
_tile_overlayer_lowered:
.L_overlay_start_2:
0x102: {  	(tag) =	ssettag $0x2  }
0x103: {  	s0 =	rddreg [dreg:$0x0];
	s2 =	stileid.u32  }
0x104: {  	s1 =	rddreg [dreg:$0x1];
	p0 =	sne.s32 s2, $0x0  }
0x105: {  	s3 =	rddreg [dreg:$0x2];
	[bflag:$0x3] =	sbarrier.arrive $0xFFFF;
	s2 =	simm.s32 @!p0 $0x1C15  }
0x106: {  	[timem:s3], [sflag:s2] =	dma.local @!p0 [hbm:s0], s1  }
0x107: {  	s0 =	simm.s32 @!p0 $0x15  }
0x108: {  	_ =	swait.ge @!p0 [sflag:s0], s1  }
0x109: {  	s1 =	ssub.s32 @!p0 $0x0, s1;
	[sflag:s0] =	ssyncset.done @!p0 $0x0  }
0x10a: {  	[sflag:s0] =	ssyncadd.s32 @!p0 s1  }
0x10b: {  	[bflag:$0x3] =	sbarrier.arrive $0xFFFF  }
0x10c: {  	_ =	shalt  }

</sc_bundles>
